<compile_context>
chip_gen: v7x
topology: tpu7x:2x2x1
jax: 0.10.2.dev20260603
libtpu: 0.0.44.dev20260713+nightly
codegen_flags: <defaults>
</compile_context>

<pallas_src>
import functools

import jax
import jax.numpy as jnp
from jax import lax
from jax.experimental import pallas as pl
from jax.experimental.pallas import tpu as pltpu
from jax.experimental.pallas import tpu_sc as plsc

D_MODEL = 1024
MAX_REL = 128


def _make_pos_embed_sc(seq_len: int):
    B = 2 * seq_len - 1
    B_pad = 2 * seq_len
    info = plsc.get_sparse_core_info()
    NC, NS, L = info.num_cores, info.num_subcores, info.num_lanes
    NW = NC * NS
    b_per_w = B_pad // NW
    CHUNK = 64
    n_chunks = b_per_w // CHUNK
    dist = seq_len - 1

    lo, hi = dist - MAX_REL, dist + MAX_REL
    for w in range(NW):
        has0 = any(w * b_per_w + c * CHUNK + CHUNK - 1 < lo
                   for c in range(n_chunks))
        has1 = any(w * b_per_w + c * CHUNK > hi for c in range(n_chunks))
        assert not (has0 and has1), "worker spans both clip regions"

    mesh = plsc.VectorSubcoreMesh(core_axis_name="c", subcore_axis_name="s")

    @functools.partial(
        pl.kernel,
        mesh=mesh,
        out_type=jax.ShapeDtypeStruct((B, D_MODEL), jnp.float32),
        scratch_types=[
            pltpu.VMEM((CHUNK,), jnp.int32),
            pltpu.VMEM((L,), jnp.int32),
            pltpu.VMEM((32, D_MODEL), jnp.float32),
            pltpu.VMEM((CHUNK, D_MODEL), jnp.float32),
            pltpu.SemaphoreType.DMA,
            pltpu.SemaphoreType.DMA,
        ],
    )
    def pos_embed_kernel(amp_hbm, pe_hbm, out_hbm, gidx_v, tidx_v, rep_v,
                         big_v, gsem, osem):
        wid = lax.axis_index("s") * NC + lax.axis_index("c")
        base_w = wid * b_per_w

        def table_idx(r):
            return jnp.clip(r - dist, -MAX_REL, MAX_REL) + MAX_REL

        i_first = table_idx(base_w)
        chunk0_const = i_first == table_idx(base_w + CHUNK - 1)
        amp_row = jnp.where(chunk0_const, i_first,
                            table_idx(base_w + b_per_w - 1))
        amp_off = jnp.where(amp_row == 0, 0, 32)

        pltpu.sync_copy(amp_hbm.at[pl.ds(amp_off, 32)], rep_v)

        for c in range(n_chunks):
            cbase = base_w + c * CHUNK
            c_const = table_idx(cbase) == table_idx(cbase + CHUNK - 1)
            is_tail = cbase == B_pad - CHUNK

            @pl.when(c_const & jnp.logical_not(is_tail))
            def _():
                cps = [
                    pltpu.async_copy(
                        rep_v, out_hbm.at[pl.ds(cbase + 32 * k, 32)], osem)
                    for k in range(CHUNK // 32)
                ]
                for cp in cps:
                    cp.wait()

            @pl.when(c_const & is_tail)
            def _():
                cps = [pltpu.async_copy(
                    rep_v, out_hbm.at[pl.ds(cbase, 32)], osem)]
                cps.append(pltpu.async_copy(
                    rep_v.at[pl.ds(0, 16)],
                    out_hbm.at[pl.ds(cbase + 32, 16)], osem))
                cps.append(pltpu.async_copy(
                    rep_v.at[pl.ds(0, 8)],
                    out_hbm.at[pl.ds(cbase + 48, 8)], osem))
                rr = lax.iota(jnp.int32, L) + (B_pad - L)
                tidx_v[...] = jnp.minimum(rr, B - 1)
                cps.append(pltpu.async_copy(
                    rep_v.at[pl.ds(0, L)], out_hbm.at[tidx_v], osem))
                for cp in cps:
                    cp.wait()

            @pl.when(jnp.logical_not(c_const))
            def _():
                for j in range(CHUNK // L):
                    r = lax.iota(jnp.int32, L) + (cbase + j * L)
                    gidx_v[pl.ds(j * L, L)] = table_idx(r)
                pltpu.async_copy(pe_hbm.at[gidx_v], big_v, gsem).wait()
                pltpu.sync_copy(big_v, out_hbm.at[pl.ds(cbase, CHUNK)])

    return pos_embed_kernel


def _x_copy_tc(x):
    b, s, d = x.shape
    x2 = x.reshape(b * s, d)
    rows = b * s
    blk = 2048
    n = rows // blk
    depth = 4

    def copy_body(x_hbm, o_hbm, buf, in_sem, out_sem):
        def in_cp(c, slot):
            return pltpu.make_async_copy(
                x_hbm.at[pl.ds(c * blk, blk)], buf.at[slot], in_sem.at[slot])

        def out_cp(c, slot):
            return pltpu.make_async_copy(
                buf.at[slot], o_hbm.at[pl.ds(c * blk, blk)], out_sem.at[slot])

        for c in range(depth):
            in_cp(c, c).start()
        for c in range(n):
            slot = c % depth
            in_cp(c, slot).wait()
            out_cp(c, slot).start()
            if c + depth < n:
                out_cp(c, slot).wait()
                in_cp(c + depth, slot).start()
        for c in range(n - depth, n):
            out_cp(c, c % depth).wait()

    out = pl.pallas_call(
        copy_body,
        in_specs=[pl.BlockSpec(memory_space=pltpu.MemorySpace.HBM)],
        out_specs=pl.BlockSpec(memory_space=pltpu.MemorySpace.HBM),
        out_shape=jax.ShapeDtypeStruct(x2.shape, x2.dtype),
        scratch_shapes=[
            pltpu.VMEM((depth, blk, d), x.dtype),
            pltpu.SemaphoreType.DMA((depth,)),
            pltpu.SemaphoreType.DMA((depth,)),
        ],
    )(x2)
    return out.reshape(x.shape)


def kernel(x, pe):
    seq_len = x.shape[1]
    amp = jnp.concatenate([
        jnp.broadcast_to(pe[0], (32, pe.shape[1])),
        jnp.broadcast_to(pe[2 * MAX_REL], (32, pe.shape[1])),
    ])
    pos_embed = _make_pos_embed_sc(seq_len)(amp, pe)
    x_out = _x_copy_tc(x)
    return (x_out, pos_embed)

# --- scband reference (transcript-rebuilt; emitter-appended) ---
"""Pipeline reference for scband-relative-positional-encoding-79474074845586 (READ-ONLY COPY).

The authoritative reference and input builder live on the scoring server;
editing this copy changes nothing except your own understanding.
"""

import math
import jax, jax.numpy as jnp
import numpy as np

D_MODEL = 1024
MAX_REL = 128


def _build_pe():
    max_len = 2 * MAX_REL + 1
    position = jnp.arange(0.0, max_len, dtype=jnp.float32)[:, None]
    div_term = jnp.exp(jnp.arange(0.0, D_MODEL, 2.0, dtype=jnp.float32) * -(math.log(10000.0) / D_MODEL))
    pe = jnp.zeros((max_len, D_MODEL), dtype=jnp.float32)
    pe = pe.at[:, 0::2].set(jnp.sin(position * div_term))
    pe = pe.at[:, 1::2].set(jnp.cos(position * div_term))
    return pe


def setup_inputs(seed: int = 0) -> dict:
    key = jax.random.key(seed)
    kx, = jax.random.split(key, 1)
    x = jax.random.normal(kx, (4, 4096, 1024), dtype=jnp.float32)
    pe = _build_pe()
    return {"x": x, "pe": pe}


def reference(x, pe):
    # dropout p=0.0 (eval / identity)
    seq_len = x.shape[1]
    distance = seq_len - 1
    range_vec = jnp.arange(-distance, distance + 1, dtype=jnp.int64)
    index_vec = jnp.clip(range_vec, -MAX_REL, MAX_REL) + MAX_REL
    pos_embed = jnp.take(pe, index_vec, axis=0)  # embedding gather, frozen table
    return (x, pos_embed)

if __name__ == "__main__":
    import jax
    _d = setup_inputs()
    print(jax.jit(kernel)(*tuple(_d.values())))

</pallas_src>

<mosaic_0001>
#map = affine_map<(d0, d1) -> (0, 0)>
module attributes {stable_mosaic.version = 14 : i64} {
  func.func @pos_embed_kernel(%arg0: i32, %arg1: i32, %arg2: memref<64x1024xf32, #tpu.memory_space<hbm>>, %arg3: memref<257x1024xf32, #tpu.memory_space<hbm>>, %arg4: memref<8191x1024xf32, #tpu.memory_space<hbm>>, %arg5: memref<64xi32, #tpu.memory_space<vmem>>, %arg6: memref<16xi32, #tpu.memory_space<vmem>>, %arg7: memref<32x1024xf32, #tpu.memory_space<vmem>>, %arg8: memref<64x1024xf32, #tpu.memory_space<vmem>>, %arg9: memref<!tpu.dma_semaphore, #tpu.memory_space<semaphore_mem>>, %arg10: memref<!tpu.dma_semaphore, #tpu.memory_space<semaphore_mem>>) attributes {dimension_semantics = [#tpu.dimension_semantics<core_parallel>, #tpu.dimension_semantics<subcore_parallel>], iteration_bounds = array<i64: 2, 16>, scalar_prefetch = 0 : i64, scratch_operands = 6 : i64, tpu.core_type = #tpu.core_type<sc_vector_subcore>, window_params = [{transform_indices = #map}, {transform_indices = #map}, {transform_indices = #map}]} {
    %mul3A = arith.constant 2 : i32
    %mul3A_0 = arith.muli %arg1, %mul3A : i32
    %add3A = arith.addi %mul3A_0, %arg0 : i32
    %mul3A_1 = arith.constant 256 : i32
    %mul3A_2 = arith.muli %add3A, %mul3A_1 : i32
    %sub3A = arith.constant 4095 : i32
    %sub3A_3 = arith.subi %mul3A_2, %sub3A : i32
    %jit3A = arith.constant -128 : i32
    %jit3A_4 = arith.constant 128 : i32
    %max3A = arith.maxsi %jit3A, %sub3A_3 : i32
    %min3A = arith.minsi %jit3A_4, %max3A : i32
    %add3A_5 = arith.constant 128 : i32
    %add3A_6 = arith.addi %min3A, %add3A_5 : i32
    %add3A_7 = arith.constant 64 : i32
    %add3A_8 = arith.addi %mul3A_2, %add3A_7 : i32
    %sub3A_9 = arith.constant 1 : i32
    %sub3A_10 = arith.subi %add3A_8, %sub3A_9 : i32
    %sub3A_11 = arith.constant 4095 : i32
    %sub3A_12 = arith.subi %sub3A_10, %sub3A_11 : i32
    %jit3A_13 = arith.constant -128 : i32
    %jit3A_14 = arith.constant 128 : i32
    %max3A_15 = arith.maxsi %jit3A_13, %sub3A_12 : i32
    %min3A_16 = arith.minsi %jit3A_14, %max3A_15 : i32
    %add3A_17 = arith.constant 128 : i32
    %add3A_18 = arith.addi %min3A_16, %add3A_17 : i32
    %eq3A = arith.cmpi eq, %add3A_6, %add3A_18 : i32
    %add3A_19 = arith.constant 256 : i32
    %add3A_20 = arith.addi %mul3A_2, %add3A_19 : i32
    %sub3A_21 = arith.constant 1 : i32
    %sub3A_22 = arith.subi %add3A_20, %sub3A_21 : i32
    %sub3A_23 = arith.constant 4095 : i32
    %sub3A_24 = arith.subi %sub3A_22, %sub3A_23 : i32
    %jit3A_25 = arith.constant -128 : i32
    %jit3A_26 = arith.constant 128 : i32
    %max3A_27 = arith.maxsi %jit3A_25, %sub3A_24 : i32
    %min3A_28 = arith.minsi %jit3A_26, %max3A_27 : i32
    %add3A_29 = arith.constant 128 : i32
    %add3A_30 = arith.addi %min3A_28, %add3A_29 : i32
    %select_n3A = arith.select %eq3A, %add3A_6, %add3A_30 : i32
    %eq3A_31 = arith.constant 0 : i32
    %eq3A_32 = arith.cmpi eq, %select_n3A, %eq3A_31 : i32
    %jit3A_33 = arith.constant 0 : i32
    %jit3A_34 = arith.constant 32 : i32
    %select_n3A_35 = arith.select %eq3A_32, %jit3A_33, %jit3A_34 : i32
    "tpu.region"() ({
      %run_scoped3A = tpu.sem_alloc : memref<!tpu.dma_semaphore, #tpu.memory_space<semaphore_mem>>
      %dma_start3A = arith.constant 0 : i32
      %dma_start3A_192 = tpu.memref_slice %arg2[%select_n3A_35, %dma_start3A] : memref<64x1024xf32, #tpu.memory_space<hbm>> -> memref<32x1024xf32, #tpu.memory_space<hbm>>
      %dma_start3A_193 = arith.constant 0 : i32
      %dma_start3A_194 = tpu.memref_slice %arg2[%select_n3A_35, %dma_start3A_193] : memref<64x1024xf32, #tpu.memory_space<hbm>> -> memref<32x1024xf32, #tpu.memory_space<hbm>>
      tpu.enqueue_dma source(%dma_start3A_194 : memref<32x1024xf32, #tpu.memory_space<hbm>>) target(%arg7 : memref<32x1024xf32, #tpu.memory_space<vmem>>) target_semaphore(%run_scoped3A : memref<!tpu.dma_semaphore, #tpu.memory_space<semaphore_mem>>)
      %dma_wait3A = arith.constant 0 : i32
      %dma_wait3A_195 = tpu.memref_slice %arg2[%select_n3A_35, %dma_wait3A] : memref<64x1024xf32, #tpu.memory_space<hbm>> -> memref<32x1024xf32, #tpu.memory_space<hbm>>
      %dma_wait3A_196 = arith.constant 0 : i32
      %dma_wait3A_197 = tpu.memref_slice %arg2[%select_n3A_35, %dma_wait3A_196] : memref<64x1024xf32, #tpu.memory_space<hbm>> -> memref<32x1024xf32, #tpu.memory_space<hbm>>
      tpu.wait_dma2 semaphore(%run_scoped3A : memref<!tpu.dma_semaphore, #tpu.memory_space<semaphore_mem>>) src(%dma_wait3A_197 : memref<32x1024xf32, #tpu.memory_space<hbm>>) dst(%arg7 : memref<32x1024xf32, #tpu.memory_space<vmem>>)
      tpu.yield
    }) : () -> ()
    %add3A_36 = arith.constant 0 : i32
    %add3A_37 = arith.addi %mul3A_2, %add3A_36 : i32
    %sub3A_38 = arith.constant 4095 : i32
    %sub3A_39 = arith.subi %add3A_37, %sub3A_38 : i32
    %jit3A_40 = arith.constant -128 : i32
    %jit3A_41 = arith.constant 128 : i32
    %max3A_42 = arith.maxsi %jit3A_40, %sub3A_39 : i32
    %min3A_43 = arith.minsi %jit3A_41, %max3A_42 : i32
    %add3A_44 = arith.constant 128 : i32
    %add3A_45 = arith.addi %min3A_43, %add3A_44 : i32
    %add3A_46 = arith.constant 64 : i32
    %add3A_47 = arith.addi %add3A_37, %add3A_46 : i32
    %sub3A_48 = arith.constant 1 : i32
    %sub3A_49 = arith.subi %add3A_47, %sub3A_48 : i32
    %sub3A_50 = arith.constant 4095 : i32
    %sub3A_51 = arith.subi %sub3A_49, %sub3A_50 : i32
    %jit3A_52 = arith.constant -128 : i32
    %jit3A_53 = arith.constant 128 : i32
    %max3A_54 = arith.maxsi %jit3A_52, %sub3A_51 : i32
    %min3A_55 = arith.minsi %jit3A_53, %max3A_54 : i32
    %add3A_56 = arith.constant 128 : i32
    %add3A_57 = arith.addi %min3A_55, %add3A_56 : i32
    %eq3A_58 = arith.cmpi eq, %add3A_45, %add3A_57 : i32
    %eq3A_59 = arith.constant 8128 : i32
    %eq3A_60 = arith.cmpi eq, %add3A_37, %eq3A_59 : i32
    %not3A = arith.constant true
    %not3A_61 = arith.xori %eq3A_60, %not3A : i1
    %and3A = arith.andi %eq3A_58, %not3A_61 : i1
    %convert_element_type3A = arith.extui %and3A : i1 to i32
    %cond3A = arith.constant 0 : i32
    %cond3A_62 = arith.cmpi ne, %convert_element_type3A, %cond3A : i32
    scf.if %cond3A_62 {
      %add3A_192 = arith.constant 0 : i32
      %add3A_193 = arith.addi %add3A_37, %add3A_192 : i32
      %dma_start3A = arith.constant 0 : i32
      %dma_start3A_194 = tpu.memref_slice %arg4[%add3A_193, %dma_start3A] : memref<8191x1024xf32, #tpu.memory_space<hbm>> -> memref<32x1024xf32, #tpu.memory_space<hbm>>
      %dma_start3A_195 = arith.constant 0 : i32
      %dma_start3A_196 = tpu.memref_slice %arg4[%add3A_193, %dma_start3A_195] : memref<8191x1024xf32, #tpu.memory_space<hbm>> -> memref<32x1024xf32, #tpu.memory_space<hbm>>
      tpu.enqueue_dma source(%arg7 : memref<32x1024xf32, #tpu.memory_space<vmem>>) target(%dma_start3A_196 : memref<32x1024xf32, #tpu.memory_space<hbm>>) target_semaphore(%arg10 : memref<!tpu.dma_semaphore, #tpu.memory_space<semaphore_mem>>)
      %add3A_197 = arith.constant 32 : i32
      %add3A_198 = arith.addi %add3A_37, %add3A_197 : i32
      %dma_start3A_199 = arith.constant 0 : i32
      %dma_start3A_200 = tpu.memref_slice %arg4[%add3A_198, %dma_start3A_199] : memref<8191x1024xf32, #tpu.memory_space<hbm>> -> memref<32x1024xf32, #tpu.memory_space<hbm>>
      %dma_start3A_201 = arith.constant 0 : i32
      %dma_start3A_202 = tpu.memref_slice %arg4[%add3A_198, %dma_start3A_201] : memref<8191x1024xf32, #tpu.memory_space<hbm>> -> memref<32x1024xf32, #tpu.memory_space<hbm>>
      tpu.enqueue_dma source(%arg7 : memref<32x1024xf32, #tpu.memory_space<vmem>>) target(%dma_start3A_202 : memref<32x1024xf32, #tpu.memory_space<hbm>>) target_semaphore(%arg10 : memref<!tpu.dma_semaphore, #tpu.memory_space<semaphore_mem>>)
      %dma_wait3A = arith.constant 0 : i32
      %dma_wait3A_203 = tpu.memref_slice %arg4[%add3A_193, %dma_wait3A] : memref<8191x1024xf32, #tpu.memory_space<hbm>> -> memref<32x1024xf32, #tpu.memory_space<hbm>>
      %dma_wait3A_204 = arith.constant 0 : i32
      %dma_wait3A_205 = tpu.memref_slice %arg4[%add3A_193, %dma_wait3A_204] : memref<8191x1024xf32, #tpu.memory_space<hbm>> -> memref<32x1024xf32, #tpu.memory_space<hbm>>
      tpu.wait_dma2 semaphore(%arg10 : memref<!tpu.dma_semaphore, #tpu.memory_space<semaphore_mem>>) src(%arg7 : memref<32x1024xf32, #tpu.memory_space<vmem>>) dst(%dma_wait3A_205 : memref<32x1024xf32, #tpu.memory_space<hbm>>)
      %dma_wait3A_206 = arith.constant 0 : i32
      %dma_wait3A_207 = tpu.memref_slice %arg4[%add3A_198, %dma_wait3A_206] : memref<8191x1024xf32, #tpu.memory_space<hbm>> -> memref<32x1024xf32, #tpu.memory_space<hbm>>
      %dma_wait3A_208 = arith.constant 0 : i32
      %dma_wait3A_209 = tpu.memref_slice %arg4[%add3A_198, %dma_wait3A_208] : memref<8191x1024xf32, #tpu.memory_space<hbm>> -> memref<32x1024xf32, #tpu.memory_space<hbm>>
      tpu.wait_dma2 semaphore(%arg10 : memref<!tpu.dma_semaphore, #tpu.memory_space<semaphore_mem>>) src(%arg7 : memref<32x1024xf32, #tpu.memory_space<vmem>>) dst(%dma_wait3A_209 : memref<32x1024xf32, #tpu.memory_space<hbm>>)
    } else {
    }
    %and3A_63 = arith.andi %eq3A_58, %eq3A_60 : i1
    %convert_element_type3A_64 = arith.extui %and3A_63 : i1 to i32
    %cond3A_65 = arith.constant 0 : i32
    %cond3A_66 = arith.cmpi ne, %convert_element_type3A_64, %cond3A_65 : i32
    scf.if %cond3A_66 {
      %dma_start3A = arith.constant 0 : i32
      %dma_start3A_192 = tpu.memref_slice %arg4[%add3A_37, %dma_start3A] : memref<8191x1024xf32, #tpu.memory_space<hbm>> -> memref<32x1024xf32, #tpu.memory_space<hbm>>
      %dma_start3A_193 = arith.constant 0 : i32
      %dma_start3A_194 = tpu.memref_slice %arg4[%add3A_37, %dma_start3A_193] : memref<8191x1024xf32, #tpu.memory_space<hbm>> -> memref<32x1024xf32, #tpu.memory_space<hbm>>
      tpu.enqueue_dma source(%arg7 : memref<32x1024xf32, #tpu.memory_space<vmem>>) target(%dma_start3A_194 : memref<32x1024xf32, #tpu.memory_space<hbm>>) target_semaphore(%arg10 : memref<!tpu.dma_semaphore, #tpu.memory_space<semaphore_mem>>)
      %add3A_195 = arith.constant 32 : i32
      %add3A_196 = arith.addi %add3A_37, %add3A_195 : i32
      %dma_start3A_197 = arith.constant 0 : i32
      %dma_start3A_198 = arith.constant 0 : i32
      %dma_start3A_199 = tpu.memref_slice %arg7[%dma_start3A_197, %dma_start3A_198] : memref<32x1024xf32, #tpu.memory_space<vmem>> -> memref<16x1024xf32, #tpu.memory_space<vmem>>
      %dma_start3A_200 = arith.constant 0 : i32
      %dma_start3A_201 = tpu.memref_slice %arg4[%add3A_196, %dma_start3A_200] : memref<8191x1024xf32, #tpu.memory_space<hbm>> -> memref<16x1024xf32, #tpu.memory_space<hbm>>
      %dma_start3A_202 = arith.constant 0 : i32
      %dma_start3A_203 = tpu.memref_slice %arg4[%add3A_196, %dma_start3A_202] : memref<8191x1024xf32, #tpu.memory_space<hbm>> -> memref<16x1024xf32, #tpu.memory_space<hbm>>
      %dma_start3A_204 = arith.constant 0 : i32
      %dma_start3A_205 = arith.constant 0 : i32
      %dma_start3A_206 = tpu.memref_slice %arg7[%dma_start3A_204, %dma_start3A_205] : memref<32x1024xf32, #tpu.memory_space<vmem>> -> memref<16x1024xf32, #tpu.memory_space<vmem>>
      tpu.enqueue_dma source(%dma_start3A_206 : memref<16x1024xf32, #tpu.memory_space<vmem>>) target(%dma_start3A_203 : memref<16x1024xf32, #tpu.memory_space<hbm>>) target_semaphore(%arg10 : memref<!tpu.dma_semaphore, #tpu.memory_space<semaphore_mem>>)
      %add3A_207 = arith.constant 48 : i32
      %add3A_208 = arith.addi %add3A_37, %add3A_207 : i32
      %dma_start3A_209 = arith.constant 0 : i32
      %dma_start3A_210 = arith.constant 0 : i32
      %dma_start3A_211 = tpu.memref_slice %arg7[%dma_start3A_209, %dma_start3A_210] : memref<32x1024xf32, #tpu.memory_space<vmem>> -> memref<8x1024xf32, #tpu.memory_space<vmem>>
      %dma_start3A_212 = arith.constant 0 : i32
      %dma_start3A_213 = tpu.memref_slice %arg4[%add3A_208, %dma_start3A_212] : memref<8191x1024xf32, #tpu.memory_space<hbm>> -> memref<8x1024xf32, #tpu.memory_space<hbm>>
      %dma_start3A_214 = arith.constant 0 : i32
      %dma_start3A_215 = tpu.memref_slice %arg4[%add3A_208, %dma_start3A_214] : memref<8191x1024xf32, #tpu.memory_space<hbm>> -> memref<8x1024xf32, #tpu.memory_space<hbm>>
      %dma_start3A_216 = arith.constant 0 : i32
      %dma_start3A_217 = arith.constant 0 : i32
      %dma_start3A_218 = tpu.memref_slice %arg7[%dma_start3A_216, %dma_start3A_217] : memref<32x1024xf32, #tpu.memory_space<vmem>> -> memref<8x1024xf32, #tpu.memory_space<vmem>>
      tpu.enqueue_dma source(%dma_start3A_218 : memref<8x1024xf32, #tpu.memory_space<vmem>>) target(%dma_start3A_215 : memref<8x1024xf32, #tpu.memory_space<hbm>>) target_semaphore(%arg10 : memref<!tpu.dma_semaphore, #tpu.memory_space<semaphore_mem>>)
      %iota3A = tpu.iota {dimensions = array<i32: 0>} : vector<16xi32>
      %add3A_219 = arith.constant 8176 : i32
      %add3A_220 = vector.broadcast %add3A_219 : i32 to vector<16xi32>
      %add3A_221 = arith.addi %iota3A, %add3A_220 : vector<16xi32>
      %min3A_222 = arith.constant 8190 : i32
      %min3A_223 = vector.broadcast %min3A_222 : i32 to vector<16xi32>
      %min3A_224 = arith.minsi %add3A_221, %min3A_223 : vector<16xi32>
      %swap3A = arith.constant 0 : index
      %swap3A_225 = tpu.vector_load %arg6[%swap3A] {strides = array<i32>} : memref<16xi32, #tpu.memory_space<vmem>>, vector<16xi32>,
      %swap3A_226 = vector.shape_cast %swap3A_225 : vector<16xi32> to vector<16xi32>
      %swap3A_227 = vector.shape_cast %min3A_224 : vector<16xi32> to vector<16xi32>
      tpu.vector_store %arg6[%swap3A], %swap3A_227 {strides = array<i32>} : memref<16xi32, #tpu.memory_space<vmem>>, vector<16xi32>,
      %dma_start3A_228 = arith.constant 0 : i32
      %dma_start3A_229 = arith.constant 0 : i32
      %dma_start3A_230 = tpu.memref_slice %arg7[%dma_start3A_228, %dma_start3A_229] : memref<32x1024xf32, #tpu.memory_space<vmem>> -> memref<16x1024xf32, #tpu.memory_space<vmem>>
      %dma_start3A_231 = arith.constant 0 : i32
      %dma_start3A_232 = arith.constant 0 : i32
      %dma_start3A_233 = tpu.memref_slice %arg4[%dma_start3A_231, %dma_start3A_232] : memref<8191x1024xf32, #tpu.memory_space<hbm>> -> memref<8191x1024xf32, #tpu.memory_space<hbm>>
      tpu.enqueue_indirect_dma source(%dma_start3A_230 : memref<16x1024xf32, #tpu.memory_space<vmem>>) target(%dma_start3A_233 : memref<8191x1024xf32, #tpu.memory_space<hbm>>) offsets(%arg6 : memref<16xi32, #tpu.memory_space<vmem>>) semaphore(%arg10 : memref<!tpu.dma_semaphore, #tpu.memory_space<semaphore_mem>>)
      %dma_wait3A = arith.constant 0 : i32
      %dma_wait3A_234 = tpu.memref_slice %arg4[%add3A_37, %dma_wait3A] : memref<8191x1024xf32, #tpu.memory_space<hbm>> -> memref<32x1024xf32, #tpu.memory_space<hbm>>
      %dma_wait3A_235 = arith.constant 0 : i32
      %dma_wait3A_236 = tpu.memref_slice %arg4[%add3A_37, %dma_wait3A_235] : memref<8191x1024xf32, #tpu.memory_space<hbm>> -> memref<32x1024xf32, #tpu.memory_space<hbm>>
      tpu.wait_dma2 semaphore(%arg10 : memref<!tpu.dma_semaphore, #tpu.memory_space<semaphore_mem>>) src(%arg7 : memref<32x1024xf32, #tpu.memory_space<vmem>>) dst(%dma_wait3A_236 : memref<32x1024xf32, #tpu.memory_space<hbm>>)
      %dma_wait3A_237 = arith.constant 0 : i32
      %dma_wait3A_238 = arith.constant 0 : i32
      %dma_wait3A_239 = tpu.memref_slice %arg7[%dma_wait3A_237, %dma_wait3A_238] : memref<32x1024xf32, #tpu.memory_space<vmem>> -> memref<16x1024xf32, #tpu.memory_space<vmem>>
      %dma_wait3A_240 = arith.constant 0 : i32
      %dma_wait3A_241 = tpu.memref_slice %arg4[%add3A_196, %dma_wait3A_240] : memref<8191x1024xf32, #tpu.memory_space<hbm>> -> memref<16x1024xf32, #tpu.memory_space<hbm>>
      %dma_wait3A_242 = arith.constant 0 : i32
      %dma_wait3A_243 = tpu.memref_slice %arg4[%add3A_196, %dma_wait3A_242] : memref<8191x1024xf32, #tpu.memory_space<hbm>> -> memref<16x1024xf32, #tpu.memory_space<hbm>>
      %dma_wait3A_244 = arith.constant 0 : i32
      %dma_wait3A_245 = arith.constant 0 : i32
      %dma_wait3A_246 = tpu.memref_slice %arg7[%dma_wait3A_244, %dma_wait3A_245] : memref<32x1024xf32, #tpu.memory_space<vmem>> -> memref<16x1024xf32, #tpu.memory_space<vmem>>
      tpu.wait_dma2 semaphore(%arg10 : memref<!tpu.dma_semaphore, #tpu.memory_space<semaphore_mem>>) src(%dma_wait3A_246 : memref<16x1024xf32, #tpu.memory_space<vmem>>) dst(%dma_wait3A_243 : memref<16x1024xf32, #tpu.memory_space<hbm>>)
      %dma_wait3A_247 = arith.constant 0 : i32
      %dma_wait3A_248 = arith.constant 0 : i32
      %dma_wait3A_249 = tpu.memref_slice %arg7[%dma_wait3A_247, %dma_wait3A_248] : memref<32x1024xf32, #tpu.memory_space<vmem>> -> memref<8x1024xf32, #tpu.memory_space<vmem>>
      %dma_wait3A_250 = arith.constant 0 : i32
      %dma_wait3A_251 = tpu.memref_slice %arg4[%add3A_208, %dma_wait3A_250] : memref<8191x1024xf32, #tpu.memory_space<hbm>> -> memref<8x1024xf32, #tpu.memory_space<hbm>>
      %dma_wait3A_252 = arith.constant 0 : i32
      %dma_wait3A_253 = tpu.memref_slice %arg4[%add3A_208, %dma_wait3A_252] : memref<8191x1024xf32, #tpu.memory_space<hbm>> -> memref<8x1024xf32, #tpu.memory_space<hbm>>
      %dma_wait3A_254 = arith.constant 0 : i32
      %dma_wait3A_255 = arith.constant 0 : i32
      %dma_wait3A_256 = tpu.memref_slice %arg7[%dma_wait3A_254, %dma_wait3A_255] : memref<32x1024xf32, #tpu.memory_space<vmem>> -> memref<8x1024xf32, #tpu.memory_space<vmem>>
      tpu.wait_dma2 semaphore(%arg10 : memref<!tpu.dma_semaphore, #tpu.memory_space<semaphore_mem>>) src(%dma_wait3A_256 : memref<8x1024xf32, #tpu.memory_space<vmem>>) dst(%dma_wait3A_253 : memref<8x1024xf32, #tpu.memory_space<hbm>>)
      %dma_wait3A_257 = arith.constant 0 : i32
      %dma_wait3A_258 = arith.constant 0 : i32
      %dma_wait3A_259 = tpu.memref_slice %arg7[%dma_wait3A_257, %dma_wait3A_258] : memref<32x1024xf32, #tpu.memory_space<vmem>> -> memref<16x1024xf32, #tpu.memory_space<vmem>>
      %dma_wait3A_260 = arith.constant 0 : i32
      %dma_wait3A_261 = arith.constant 0 : i32
      %dma_wait3A_262 = tpu.memref_slice %arg4[%dma_wait3A_260, %dma_wait3A_261] : memref<8191x1024xf32, #tpu.memory_space<hbm>> -> memref<8191x1024xf32, #tpu.memory_space<hbm>>
      tpu.wait_indirect_dma semaphore(%arg10 : memref<!tpu.dma_semaphore, #tpu.memory_space<semaphore_mem>>) src(%dma_wait3A_259 : memref<16x1024xf32, #tpu.memory_space<vmem>>) dst(%dma_wait3A_262 : memref<8191x1024xf32, #tpu.memory_space<hbm>>)
    } else {
    }
    %not3A_67 = arith.constant true
    %not3A_68 = arith.xori %eq3A_58, %not3A_67 : i1
    %convert_element_type3A_69 = arith.extui %not3A_68 : i1 to i32
    %cond3A_70 = arith.constant 0 : i32
    %cond3A_71 = arith.cmpi ne, %convert_element_type3A_69, %cond3A_70 : i32
    scf.if %cond3A_71 {
      %iota3A = tpu.iota {dimensions = array<i32: 0>} : vector<16xi32>
      %add3A_192 = arith.constant 0 : i32
      %add3A_193 = arith.addi %add3A_37, %add3A_192 : i32
      %add3A_194 = vector.broadcast %add3A_193 : i32 to vector<16xi32>
      %add3A_195 = arith.addi %iota3A, %add3A_194 : vector<16xi32>
      %sub3A_196 = arith.constant 4095 : i32
      %sub3A_197 = vector.broadcast %sub3A_196 : i32 to vector<16xi32>
      %sub3A_198 = arith.subi %add3A_195, %sub3A_197 : vector<16xi32>
      %jit3A_199 = arith.constant -128 : i32
      %jit3A_200 = arith.constant 128 : i32
      %max3A_201 = vector.broadcast %jit3A_199 : i32 to vector<16xi32>
      %max3A_202 = arith.maxsi %max3A_201, %sub3A_198 : vector<16xi32>
      %min3A_203 = vector.broadcast %jit3A_200 : i32 to vector<16xi32>
      %min3A_204 = arith.minsi %min3A_203, %max3A_202 : vector<16xi32>
      %add3A_205 = arith.constant 128 : i32
      %add3A_206 = vector.broadcast %add3A_205 : i32 to vector<16xi32>
      %add3A_207 = arith.addi %min3A_204, %add3A_206 : vector<16xi32>
      %swap3A = arith.constant 0 : index
      %swap3A_208 = tpu.vector_load %arg5[%swap3A] {strides = array<i32>} : memref<64xi32, #tpu.memory_space<vmem>>, vector<16xi32>,
      %swap3A_209 = vector.shape_cast %swap3A_208 : vector<16xi32> to vector<16xi32>
      %swap3A_210 = vector.shape_cast %add3A_207 : vector<16xi32> to vector<16xi32>
      tpu.vector_store %arg5[%swap3A], %swap3A_210 {strides = array<i32>} : memref<64xi32, #tpu.memory_space<vmem>>, vector<16xi32>,
      %iota3A_211 = tpu.iota {dimensions = array<i32: 0>} : vector<16xi32>
      %add3A_212 = arith.constant 16 : i32
      %add3A_213 = arith.addi %add3A_37, %add3A_212 : i32
      %add3A_214 = vector.broadcast %add3A_213 : i32 to vector<16xi32>
      %add3A_215 = arith.addi %iota3A_211, %add3A_214 : vector<16xi32>
      %sub3A_216 = arith.constant 4095 : i32
      %sub3A_217 = vector.broadcast %sub3A_216 : i32 to vector<16xi32>
      %sub3A_218 = arith.subi %add3A_215, %sub3A_217 : vector<16xi32>
      %jit3A_219 = arith.constant -128 : i32
      %jit3A_220 = arith.constant 128 : i32
      %max3A_221 = vector.broadcast %jit3A_219 : i32 to vector<16xi32>
      %max3A_222 = arith.maxsi %max3A_221, %sub3A_218 : vector<16xi32>
      %min3A_223 = vector.broadcast %jit3A_220 : i32 to vector<16xi32>
      %min3A_224 = arith.minsi %min3A_223, %max3A_222 : vector<16xi32>
      %add3A_225 = arith.constant 128 : i32
      %add3A_226 = vector.broadcast %add3A_225 : i32 to vector<16xi32>
      %add3A_227 = arith.addi %min3A_224, %add3A_226 : vector<16xi32>
      %swap3A_228 = arith.constant 16 : index
      %swap3A_229 = tpu.vector_load %arg5[%swap3A_228] {strides = array<i32>} : memref<64xi32, #tpu.memory_space<vmem>>, vector<16xi32>,
      %swap3A_230 = vector.shape_cast %swap3A_229 : vector<16xi32> to vector<16xi32>
      %swap3A_231 = vector.shape_cast %add3A_227 : vector<16xi32> to vector<16xi32>
      tpu.vector_store %arg5[%swap3A_228], %swap3A_231 {strides = array<i32>} : memref<64xi32, #tpu.memory_space<vmem>>, vector<16xi32>,
      %iota3A_232 = tpu.iota {dimensions = array<i32: 0>} : vector<16xi32>
      %add3A_233 = arith.constant 32 : i32
      %add3A_234 = arith.addi %add3A_37, %add3A_233 : i32
      %add3A_235 = vector.broadcast %add3A_234 : i32 to vector<16xi32>
      %add3A_236 = arith.addi %iota3A_232, %add3A_235 : vector<16xi32>
      %sub3A_237 = arith.constant 4095 : i32
      %sub3A_238 = vector.broadcast %sub3A_237 : i32 to vector<16xi32>
      %sub3A_239 = arith.subi %add3A_236, %sub3A_238 : vector<16xi32>
      %jit3A_240 = arith.constant -128 : i32
      %jit3A_241 = arith.constant 128 : i32
      %max3A_242 = vector.broadcast %jit3A_240 : i32 to vector<16xi32>
      %max3A_243 = arith.maxsi %max3A_242, %sub3A_239 : vector<16xi32>
      %min3A_244 = vector.broadcast %jit3A_241 : i32 to vector<16xi32>
      %min3A_245 = arith.minsi %min3A_244, %max3A_243 : vector<16xi32>
      %add3A_246 = arith.constant 128 : i32
      %add3A_247 = vector.broadcast %add3A_246 : i32 to vector<16xi32>
      %add3A_248 = arith.addi %min3A_245, %add3A_247 : vector<16xi32>
      %swap3A_249 = arith.constant 32 : index
      %swap3A_250 = tpu.vector_load %arg5[%swap3A_249] {strides = array<i32>} : memref<64xi32, #tpu.memory_space<vmem>>, vector<16xi32>,
      %swap3A_251 = vector.shape_cast %swap3A_250 : vector<16xi32> to vector<16xi32>
      %swap3A_252 = vector.shape_cast %add3A_248 : vector<16xi32> to vector<16xi32>
      tpu.vector_store %arg5[%swap3A_249], %swap3A_252 {strides = array<i32>} : memref<64xi32, #tpu.memory_space<vmem>>, vector<16xi32>,
      %iota3A_253 = tpu.iota {dimensions = array<i32: 0>} : vector<16xi32>
      %add3A_254 = arith.constant 48 : i32
      %add3A_255 = arith.addi %add3A_37, %add3A_254 : i32
      %add3A_256 = vector.broadcast %add3A_255 : i32 to vector<16xi32>
      %add3A_257 = arith.addi %iota3A_253, %add3A_256 : vector<16xi32>
      %sub3A_258 = arith.constant 4095 : i32
      %sub3A_259 = vector.broadcast %sub3A_258 : i32 to vector<16xi32>
      %sub3A_260 = arith.subi %add3A_257, %sub3A_259 : vector<16xi32>
      %jit3A_261 = arith.constant -128 : i32
      %jit3A_262 = arith.constant 128 : i32
      %max3A_263 = vector.broadcast %jit3A_261 : i32 to vector<16xi32>
      %max3A_264 = arith.maxsi %max3A_263, %sub3A_260 : vector<16xi32>
      %min3A_265 = vector.broadcast %jit3A_262 : i32 to vector<16xi32>
      %min3A_266 = arith.minsi %min3A_265, %max3A_264 : vector<16xi32>
      %add3A_267 = arith.constant 128 : i32
      %add3A_268 = vector.broadcast %add3A_267 : i32 to vector<16xi32>
      %add3A_269 = arith.addi %min3A_266, %add3A_268 : vector<16xi32>
      %swap3A_270 = arith.constant 48 : index
      %swap3A_271 = tpu.vector_load %arg5[%swap3A_270] {strides = array<i32>} : memref<64xi32, #tpu.memory_space<vmem>>, vector<16xi32>,
      %swap3A_272 = vector.shape_cast %swap3A_271 : vector<16xi32> to vector<16xi32>
      %swap3A_273 = vector.shape_cast %add3A_269 : vector<16xi32> to vector<16xi32>
      tpu.vector_store %arg5[%swap3A_270], %swap3A_273 {strides = array<i32>} : memref<64xi32, #tpu.memory_space<vmem>>, vector<16xi32>,
      %dma_start3A = arith.constant 0 : i32
      %dma_start3A_274 = arith.constant 0 : i32
      %dma_start3A_275 = tpu.memref_slice %arg3[%dma_start3A, %dma_start3A_274] : memref<257x1024xf32, #tpu.memory_space<hbm>> -> memref<257x1024xf32, #tpu.memory_space<hbm>>
      tpu.enqueue_indirect_dma source(%dma_start3A_275 : memref<257x1024xf32, #tpu.memory_space<hbm>>) target(%arg8 : memref<64x1024xf32, #tpu.memory_space<vmem>>) offsets(%arg5 : memref<64xi32, #tpu.memory_space<vmem>>) semaphore(%arg9 : memref<!tpu.dma_semaphore, #tpu.memory_space<semaphore_mem>>)
      %dma_wait3A = arith.constant 0 : i32
      %dma_wait3A_276 = arith.constant 0 : i32
      %dma_wait3A_277 = tpu.memref_slice %arg3[%dma_wait3A, %dma_wait3A_276] : memref<257x1024xf32, #tpu.memory_space<hbm>> -> memref<257x1024xf32, #tpu.memory_space<hbm>>
      tpu.wait_indirect_dma semaphore(%arg9 : memref<!tpu.dma_semaphore, #tpu.memory_space<semaphore_mem>>) src(%dma_wait3A_277 : memref<257x1024xf32, #tpu.memory_space<hbm>>) dst(%arg8 : memref<64x1024xf32, #tpu.memory_space<vmem>>)
      "tpu.region"() ({
        %run_scoped3A = tpu.sem_alloc : memref<!tpu.dma_semaphore, #tpu.memory_space<semaphore_mem>>
        %dma_start3A_278 = arith.constant 0 : i32
        %dma_start3A_279 = tpu.memref_slice %arg4[%add3A_37, %dma_start3A_278] : memref<8191x1024xf32, #tpu.memory_space<hbm>> -> memref<64x1024xf32, #tpu.memory_space<hbm>>
        %dma_start3A_280 = arith.constant 0 : i32
        %dma_start3A_281 = tpu.memref_slice %arg4[%add3A_37, %dma_start3A_280] : memref<8191x1024xf32, #tpu.memory_space<hbm>> -> memref<64x1024xf32, #tpu.memory_space<hbm>>
        tpu.enqueue_dma source(%arg8 : memref<64x1024xf32, #tpu.memory_space<vmem>>) target(%dma_start3A_281 : memref<64x1024xf32, #tpu.memory_space<hbm>>) target_semaphore(%run_scoped3A : memref<!tpu.dma_semaphore, #tpu.memory_space<semaphore_mem>>)
        %dma_wait3A_282 = arith.constant 0 : i32
        %dma_wait3A_283 = tpu.memref_slice %arg4[%add3A_37, %dma_wait3A_282] : memref<8191x1024xf32, #tpu.memory_space<hbm>> -> memref<64x1024xf32, #tpu.memory_space<hbm>>
        %dma_wait3A_284 = arith.constant 0 : i32
        %dma_wait3A_285 = tpu.memref_slice %arg4[%add3A_37, %dma_wait3A_284] : memref<8191x1024xf32, #tpu.memory_space<hbm>> -> memref<64x1024xf32, #tpu.memory_space<hbm>>
        tpu.wait_dma2 semaphore(%run_scoped3A : memref<!tpu.dma_semaphore, #tpu.memory_space<semaphore_mem>>) src(%arg8 : memref<64x1024xf32, #tpu.memory_space<vmem>>) dst(%dma_wait3A_285 : memref<64x1024xf32, #tpu.memory_space<hbm>>)
        tpu.yield
      }) : () -> ()
    } else {
    }
    %add3A_72 = arith.constant 64 : i32
    %add3A_73 = arith.addi %mul3A_2, %add3A_72 : i32
    %sub3A_74 = arith.constant 4095 : i32
    %sub3A_75 = arith.subi %add3A_73, %sub3A_74 : i32
    %jit3A_76 = arith.constant -128 : i32
    %jit3A_77 = arith.constant 128 : i32
    %max3A_78 = arith.maxsi %jit3A_76, %sub3A_75 : i32
    %min3A_79 = arith.minsi %jit3A_77, %max3A_78 : i32
    %add3A_80 = arith.constant 128 : i32
    %add3A_81 = arith.addi %min3A_79, %add3A_80 : i32
    %add3A_82 = arith.constant 64 : i32
    %add3A_83 = arith.addi %add3A_73, %add3A_82 : i32
    %sub3A_84 = arith.constant 1 : i32
    %sub3A_85 = arith.subi %add3A_83, %sub3A_84 : i32
    %sub3A_86 = arith.constant 4095 : i32
    %sub3A_87 = arith.subi %sub3A_85, %sub3A_86 : i32
    %jit3A_88 = arith.constant -128 : i32
    %jit3A_89 = arith.constant 128 : i32
    %max3A_90 = arith.maxsi %jit3A_88, %sub3A_87 : i32
    %min3A_91 = arith.minsi %jit3A_89, %max3A_90 : i32
    %add3A_92 = arith.constant 128 : i32
    %add3A_93 = arith.addi %min3A_91, %add3A_92 : i32
    %eq3A_94 = arith.cmpi eq, %add3A_81, %add3A_93 : i32
    %eq3A_95 = arith.constant 8128 : i32
    %eq3A_96 = arith.cmpi eq, %add3A_73, %eq3A_95 : i32
    %not3A_97 = arith.constant true
    %not3A_98 = arith.xori %eq3A_96, %not3A_97 : i1
    %and3A_99 = arith.andi %eq3A_94, %not3A_98 : i1
    %convert_element_type3A_100 = arith.extui %and3A_99 : i1 to i32
    %cond3A_101 = arith.constant 0 : i32
    %cond3A_102 = arith.cmpi ne, %convert_element_type3A_100, %cond3A_101 : i32
    scf.if %cond3A_102 {
      %add3A_192 = arith.constant 0 : i32
      %add3A_193 = arith.addi %add3A_73, %add3A_192 : i32
      %dma_start3A = arith.constant 0 : i32
      %dma_start3A_194 = tpu.memref_slice %arg4[%add3A_193, %dma_start3A] : memref<8191x1024xf32, #tpu.memory_space<hbm>> -> memref<32x1024xf32, #tpu.memory_space<hbm>>
      %dma_start3A_195 = arith.constant 0 : i32
      %dma_start3A_196 = tpu.memref_slice %arg4[%add3A_193, %dma_start3A_195] : memref<8191x1024xf32, #tpu.memory_space<hbm>> -> memref<32x1024xf32, #tpu.memory_space<hbm>>
      tpu.enqueue_dma source(%arg7 : memref<32x1024xf32, #tpu.memory_space<vmem>>) target(%dma_start3A_196 : memref<32x1024xf32, #tpu.memory_space<hbm>>) target_semaphore(%arg10 : memref<!tpu.dma_semaphore, #tpu.memory_space<semaphore_mem>>)
      %add3A_197 = arith.constant 32 : i32
      %add3A_198 = arith.addi %add3A_73, %add3A_197 : i32
      %dma_start3A_199 = arith.constant 0 : i32
      %dma_start3A_200 = tpu.memref_slice %arg4[%add3A_198, %dma_start3A_199] : memref<8191x1024xf32, #tpu.memory_space<hbm>> -> memref<32x1024xf32, #tpu.memory_space<hbm>>
      %dma_start3A_201 = arith.constant 0 : i32
      %dma_start3A_202 = tpu.memref_slice %arg4[%add3A_198, %dma_start3A_201] : memref<8191x1024xf32, #tpu.memory_space<hbm>> -> memref<32x1024xf32, #tpu.memory_space<hbm>>
      tpu.enqueue_dma source(%arg7 : memref<32x1024xf32, #tpu.memory_space<vmem>>) target(%dma_start3A_202 : memref<32x1024xf32, #tpu.memory_space<hbm>>) target_semaphore(%arg10 : memref<!tpu.dma_semaphore, #tpu.memory_space<semaphore_mem>>)
      %dma_wait3A = arith.constant 0 : i32
      %dma_wait3A_203 = tpu.memref_slice %arg4[%add3A_193, %dma_wait3A] : memref<8191x1024xf32, #tpu.memory_space<hbm>> -> memref<32x1024xf32, #tpu.memory_space<hbm>>
      %dma_wait3A_204 = arith.constant 0 : i32
      %dma_wait3A_205 = tpu.memref_slice %arg4[%add3A_193, %dma_wait3A_204] : memref<8191x1024xf32, #tpu.memory_space<hbm>> -> memref<32x1024xf32, #tpu.memory_space<hbm>>
      tpu.wait_dma2 semaphore(%arg10 : memref<!tpu.dma_semaphore, #tpu.memory_space<semaphore_mem>>) src(%arg7 : memref<32x1024xf32, #tpu.memory_space<vmem>>) dst(%dma_wait3A_205 : memref<32x1024xf32, #tpu.memory_space<hbm>>)
      %dma_wait3A_206 = arith.constant 0 : i32
      %dma_wait3A_207 = tpu.memref_slice %arg4[%add3A_198, %dma_wait3A_206] : memref<8191x1024xf32, #tpu.memory_space<hbm>> -> memref<32x1024xf32, #tpu.memory_space<hbm>>
      %dma_wait3A_208 = arith.constant 0 : i32
      %dma_wait3A_209 = tpu.memref_slice %arg4[%add3A_198, %dma_wait3A_208] : memref<8191x1024xf32, #tpu.memory_space<hbm>> -> memref<32x1024xf32, #tpu.memory_space<hbm>>
      tpu.wait_dma2 semaphore(%arg10 : memref<!tpu.dma_semaphore, #tpu.memory_space<semaphore_mem>>) src(%arg7 : memref<32x1024xf32, #tpu.memory_space<vmem>>) dst(%dma_wait3A_209 : memref<32x1024xf32, #tpu.memory_space<hbm>>)
    } else {
    }
    %and3A_103 = arith.andi %eq3A_94, %eq3A_96 : i1
    %convert_element_type3A_104 = arith.extui %and3A_103 : i1 to i32
    %cond3A_105 = arith.constant 0 : i32
    %cond3A_106 = arith.cmpi ne, %convert_element_type3A_104, %cond3A_105 : i32
    scf.if %cond3A_106 {
      %dma_start3A = arith.constant 0 : i32
      %dma_start3A_192 = tpu.memref_slice %arg4[%add3A_73, %dma_start3A] : memref<8191x1024xf32, #tpu.memory_space<hbm>> -> memref<32x1024xf32, #tpu.memory_space<hbm>>
      %dma_start3A_193 = arith.constant 0 : i32
      %dma_start3A_194 = tpu.memref_slice %arg4[%add3A_73, %dma_start3A_193] : memref<8191x1024xf32, #tpu.memory_space<hbm>> -> memref<32x1024xf32, #tpu.memory_space<hbm>>
      tpu.enqueue_dma source(%arg7 : memref<32x1024xf32, #tpu.memory_space<vmem>>) target(%dma_start3A_194 : memref<32x1024xf32, #tpu.memory_space<hbm>>) target_semaphore(%arg10 : memref<!tpu.dma_semaphore, #tpu.memory_space<semaphore_mem>>)
      %add3A_195 = arith.constant 32 : i32
      %add3A_196 = arith.addi %add3A_73, %add3A_195 : i32
      %dma_start3A_197 = arith.constant 0 : i32
      %dma_start3A_198 = arith.constant 0 : i32
      %dma_start3A_199 = tpu.memref_slice %arg7[%dma_start3A_197, %dma_start3A_198] : memref<32x1024xf32, #tpu.memory_space<vmem>> -> memref<16x1024xf32, #tpu.memory_space<vmem>>
      %dma_start3A_200 = arith.constant 0 : i32
      %dma_start3A_201 = tpu.memref_slice %arg4[%add3A_196, %dma_start3A_200] : memref<8191x1024xf32, #tpu.memory_space<hbm>> -> memref<16x1024xf32, #tpu.memory_space<hbm>>
      %dma_start3A_202 = arith.constant 0 : i32
      %dma_start3A_203 = tpu.memref_slice %arg4[%add3A_196, %dma_start3A_202] : memref<8191x1024xf32, #tpu.memory_space<hbm>> -> memref<16x1024xf32, #tpu.memory_space<hbm>>
      %dma_start3A_204 = arith.constant 0 : i32
      %dma_start3A_205 = arith.constant 0 : i32
      %dma_start3A_206 = tpu.memref_slice %arg7[%dma_start3A_204, %dma_start3A_205] : memref<32x1024xf32, #tpu.memory_space<vmem>> -> memref<16x1024xf32, #tpu.memory_space<vmem>>
      tpu.enqueue_dma source(%dma_start3A_206 : memref<16x1024xf32, #tpu.memory_space<vmem>>) target(%dma_start3A_203 : memref<16x1024xf32, #tpu.memory_space<hbm>>) target_semaphore(%arg10 : memref<!tpu.dma_semaphore, #tpu.memory_space<semaphore_mem>>)
      %add3A_207 = arith.constant 48 : i32
      %add3A_208 = arith.addi %add3A_73, %add3A_207 : i32
      %dma_start3A_209 = arith.constant 0 : i32
      %dma_start3A_210 = arith.constant 0 : i32
      %dma_start3A_211 = tpu.memref_slice %arg7[%dma_start3A_209, %dma_start3A_210] : memref<32x1024xf32, #tpu.memory_space<vmem>> -> memref<8x1024xf32, #tpu.memory_space<vmem>>
      %dma_start3A_212 = arith.constant 0 : i32
      %dma_start3A_213 = tpu.memref_slice %arg4[%add3A_208, %dma_start3A_212] : memref<8191x1024xf32, #tpu.memory_space<hbm>> -> memref<8x1024xf32, #tpu.memory_space<hbm>>
      %dma_start3A_214 = arith.constant 0 : i32
      %dma_start3A_215 = tpu.memref_slice %arg4[%add3A_208, %dma_start3A_214] : memref<8191x1024xf32, #tpu.memory_space<hbm>> -> memref<8x1024xf32, #tpu.memory_space<hbm>>
      %dma_start3A_216 = arith.constant 0 : i32
      %dma_start3A_217 = arith.constant 0 : i32
      %dma_start3A_218 = tpu.memref_slice %arg7[%dma_start3A_216, %dma_start3A_217] : memref<32x1024xf32, #tpu.memory_space<vmem>> -> memref<8x1024xf32, #tpu.memory_space<vmem>>
      tpu.enqueue_dma source(%dma_start3A_218 : memref<8x1024xf32, #tpu.memory_space<vmem>>) target(%dma_start3A_215 : memref<8x1024xf32, #tpu.memory_space<hbm>>) target_semaphore(%arg10 : memref<!tpu.dma_semaphore, #tpu.memory_space<semaphore_mem>>)
      %iota3A = tpu.iota {dimensions = array<i32: 0>} : vector<16xi32>
      %add3A_219 = arith.constant 8176 : i32
      %add3A_220 = vector.broadcast %add3A_219 : i32 to vector<16xi32>
      %add3A_221 = arith.addi %iota3A, %add3A_220 : vector<16xi32>
      %min3A_222 = arith.constant 8190 : i32
      %min3A_223 = vector.broadcast %min3A_222 : i32 to vector<16xi32>
      %min3A_224 = arith.minsi %add3A_221, %min3A_223 : vector<16xi32>
      %swap3A = arith.constant 0 : index
      %swap3A_225 = tpu.vector_load %arg6[%swap3A] {strides = array<i32>} : memref<16xi32, #tpu.memory_space<vmem>>, vector<16xi32>,
      %swap3A_226 = vector.shape_cast %swap3A_225 : vector<16xi32> to vector<16xi32>
      %swap3A_227 = vector.shape_cast %min3A_224 : vector<16xi32> to vector<16xi32>
      tpu.vector_store %arg6[%swap3A], %swap3A_227 {strides = array<i32>} : memref<16xi32, #tpu.memory_space<vmem>>, vector<16xi32>,
      %dma_start3A_228 = arith.constant 0 : i32
      %dma_start3A_229 = arith.constant 0 : i32
      %dma_start3A_230 = tpu.memref_slice %arg7[%dma_start3A_228, %dma_start3A_229] : memref<32x1024xf32, #tpu.memory_space<vmem>> -> memref<16x1024xf32, #tpu.memory_space<vmem>>
      %dma_start3A_231 = arith.constant 0 : i32
      %dma_start3A_232 = arith.constant 0 : i32
      %dma_start3A_233 = tpu.memref_slice %arg4[%dma_start3A_231, %dma_start3A_232] : memref<8191x1024xf32, #tpu.memory_space<hbm>> -> memref<8191x1024xf32, #tpu.memory_space<hbm>>
      tpu.enqueue_indirect_dma source(%dma_start3A_230 : memref<16x1024xf32, #tpu.memory_space<vmem>>) target(%dma_start3A_233 : memref<8191x1024xf32, #tpu.memory_space<hbm>>) offsets(%arg6 : memref<16xi32, #tpu.memory_space<vmem>>) semaphore(%arg10 : memref<!tpu.dma_semaphore, #tpu.memory_space<semaphore_mem>>)
      %dma_wait3A = arith.constant 0 : i32
      %dma_wait3A_234 = tpu.memref_slice %arg4[%add3A_73, %dma_wait3A] : memref<8191x1024xf32, #tpu.memory_space<hbm>> -> memref<32x1024xf32, #tpu.memory_space<hbm>>
      %dma_wait3A_235 = arith.constant 0 : i32
      %dma_wait3A_236 = tpu.memref_slice %arg4[%add3A_73, %dma_wait3A_235] : memref<8191x1024xf32, #tpu.memory_space<hbm>> -> memref<32x1024xf32, #tpu.memory_space<hbm>>
      tpu.wait_dma2 semaphore(%arg10 : memref<!tpu.dma_semaphore, #tpu.memory_space<semaphore_mem>>) src(%arg7 : memref<32x1024xf32, #tpu.memory_space<vmem>>) dst(%dma_wait3A_236 : memref<32x1024xf32, #tpu.memory_space<hbm>>)
      %dma_wait3A_237 = arith.constant 0 : i32
      %dma_wait3A_238 = arith.constant 0 : i32
      %dma_wait3A_239 = tpu.memref_slice %arg7[%dma_wait3A_237, %dma_wait3A_238] : memref<32x1024xf32, #tpu.memory_space<vmem>> -> memref<16x1024xf32, #tpu.memory_space<vmem>>
      %dma_wait3A_240 = arith.constant 0 : i32
      %dma_wait3A_241 = tpu.memref_slice %arg4[%add3A_196, %dma_wait3A_240] : memref<8191x1024xf32, #tpu.memory_space<hbm>> -> memref<16x1024xf32, #tpu.memory_space<hbm>>
      %dma_wait3A_242 = arith.constant 0 : i32
      %dma_wait3A_243 = tpu.memref_slice %arg4[%add3A_196, %dma_wait3A_242] : memref<8191x1024xf32, #tpu.memory_space<hbm>> -> memref<16x1024xf32, #tpu.memory_space<hbm>>
      %dma_wait3A_244 = arith.constant 0 : i32
      %dma_wait3A_245 = arith.constant 0 : i32
      %dma_wait3A_246 = tpu.memref_slice %arg7[%dma_wait3A_244, %dma_wait3A_245] : memref<32x1024xf32, #tpu.memory_space<vmem>> -> memref<16x1024xf32, #tpu.memory_space<vmem>>
      tpu.wait_dma2 semaphore(%arg10 : memref<!tpu.dma_semaphore, #tpu.memory_space<semaphore_mem>>) src(%dma_wait3A_246 : memref<16x1024xf32, #tpu.memory_space<vmem>>) dst(%dma_wait3A_243 : memref<16x1024xf32, #tpu.memory_space<hbm>>)
      %dma_wait3A_247 = arith.constant 0 : i32
      %dma_wait3A_248 = arith.constant 0 : i32
      %dma_wait3A_249 = tpu.memref_slice %arg7[%dma_wait3A_247, %dma_wait3A_248] : memref<32x1024xf32, #tpu.memory_space<vmem>> -> memref<8x1024xf32, #tpu.memory_space<vmem>>
      %dma_wait3A_250 = arith.constant 0 : i32
      %dma_wait3A_251 = tpu.memref_slice %arg4[%add3A_208, %dma_wait3A_250] : memref<8191x1024xf32, #tpu.memory_space<hbm>> -> memref<8x1024xf32, #tpu.memory_space<hbm>>
      %dma_wait3A_252 = arith.constant 0 : i32
      %dma_wait3A_253 = tpu.memref_slice %arg4[%add3A_208, %dma_wait3A_252] : memref<8191x1024xf32, #tpu.memory_space<hbm>> -> memref<8x1024xf32, #tpu.memory_space<hbm>>
      %dma_wait3A_254 = arith.constant 0 : i32
      %dma_wait3A_255 = arith.constant 0 : i32
      %dma_wait3A_256 = tpu.memref_slice %arg7[%dma_wait3A_254, %dma_wait3A_255] : memref<32x1024xf32, #tpu.memory_space<vmem>> -> memref<8x1024xf32, #tpu.memory_space<vmem>>
      tpu.wait_dma2 semaphore(%arg10 : memref<!tpu.dma_semaphore, #tpu.memory_space<semaphore_mem>>) src(%dma_wait3A_256 : memref<8x1024xf32, #tpu.memory_space<vmem>>) dst(%dma_wait3A_253 : memref<8x1024xf32, #tpu.memory_space<hbm>>)
      %dma_wait3A_257 = arith.constant 0 : i32
      %dma_wait3A_258 = arith.constant 0 : i32
      %dma_wait3A_259 = tpu.memref_slice %arg7[%dma_wait3A_257, %dma_wait3A_258] : memref<32x1024xf32, #tpu.memory_space<vmem>> -> memref<16x1024xf32, #tpu.memory_space<vmem>>
      %dma_wait3A_260 = arith.constant 0 : i32
      %dma_wait3A_261 = arith.constant 0 : i32
      %dma_wait3A_262 = tpu.memref_slice %arg4[%dma_wait3A_260, %dma_wait3A_261] : memref<8191x1024xf32, #tpu.memory_space<hbm>> -> memref<8191x1024xf32, #tpu.memory_space<hbm>>
      tpu.wait_indirect_dma semaphore(%arg10 : memref<!tpu.dma_semaphore, #tpu.memory_space<semaphore_mem>>) src(%dma_wait3A_259 : memref<16x1024xf32, #tpu.memory_space<vmem>>) dst(%dma_wait3A_262 : memref<8191x1024xf32, #tpu.memory_space<hbm>>)
    } else {
    }
    %not3A_107 = arith.constant true
    %not3A_108 = arith.xori %eq3A_94, %not3A_107 : i1
    %convert_element_type3A_109 = arith.extui %not3A_108 : i1 to i32
    %cond3A_110 = arith.constant 0 : i32
    %cond3A_111 = arith.cmpi ne, %convert_element_type3A_109, %cond3A_110 : i32
    scf.if %cond3A_111 {
      %iota3A = tpu.iota {dimensions = array<i32: 0>} : vector<16xi32>
      %add3A_192 = arith.constant 0 : i32
      %add3A_193 = arith.addi %add3A_73, %add3A_192 : i32
      %add3A_194 = vector.broadcast %add3A_193 : i32 to vector<16xi32>
      %add3A_195 = arith.addi %iota3A, %add3A_194 : vector<16xi32>
      %sub3A_196 = arith.constant 4095 : i32
      %sub3A_197 = vector.broadcast %sub3A_196 : i32 to vector<16xi32>
      %sub3A_198 = arith.subi %add3A_195, %sub3A_197 : vector<16xi32>
      %jit3A_199 = arith.constant -128 : i32
      %jit3A_200 = arith.constant 128 : i32
      %max3A_201 = vector.broadcast %jit3A_199 : i32 to vector<16xi32>
      %max3A_202 = arith.maxsi %max3A_201, %sub3A_198 : vector<16xi32>
      %min3A_203 = vector.broadcast %jit3A_200 : i32 to vector<16xi32>
      %min3A_204 = arith.minsi %min3A_203, %max3A_202 : vector<16xi32>
      %add3A_205 = arith.constant 128 : i32
      %add3A_206 = vector.broadcast %add3A_205 : i32 to vector<16xi32>
      %add3A_207 = arith.addi %min3A_204, %add3A_206 : vector<16xi32>
      %swap3A = arith.constant 0 : index
      %swap3A_208 = tpu.vector_load %arg5[%swap3A] {strides = array<i32>} : memref<64xi32, #tpu.memory_space<vmem>>, vector<16xi32>,
      %swap3A_209 = vector.shape_cast %swap3A_208 : vector<16xi32> to vector<16xi32>
      %swap3A_210 = vector.shape_cast %add3A_207 : vector<16xi32> to vector<16xi32>
      tpu.vector_store %arg5[%swap3A], %swap3A_210 {strides = array<i32>} : memref<64xi32, #tpu.memory_space<vmem>>, vector<16xi32>,
      %iota3A_211 = tpu.iota {dimensions = array<i32: 0>} : vector<16xi32>
      %add3A_212 = arith.constant 16 : i32
      %add3A_213 = arith.addi %add3A_73, %add3A_212 : i32
      %add3A_214 = vector.broadcast %add3A_213 : i32 to vector<16xi32>
      %add3A_215 = arith.addi %iota3A_211, %add3A_214 : vector<16xi32>
      %sub3A_216 = arith.constant 4095 : i32
      %sub3A_217 = vector.broadcast %sub3A_216 : i32 to vector<16xi32>
      %sub3A_218 = arith.subi %add3A_215, %sub3A_217 : vector<16xi32>
      %jit3A_219 = arith.constant -128 : i32
      %jit3A_220 = arith.constant 128 : i32
      %max3A_221 = vector.broadcast %jit3A_219 : i32 to vector<16xi32>
      %max3A_222 = arith.maxsi %max3A_221, %sub3A_218 : vector<16xi32>
      %min3A_223 = vector.broadcast %jit3A_220 : i32 to vector<16xi32>
      %min3A_224 = arith.minsi %min3A_223, %max3A_222 : vector<16xi32>
      %add3A_225 = arith.constant 128 : i32
      %add3A_226 = vector.broadcast %add3A_225 : i32 to vector<16xi32>
      %add3A_227 = arith.addi %min3A_224, %add3A_226 : vector<16xi32>
      %swap3A_228 = arith.constant 16 : index
      %swap3A_229 = tpu.vector_load %arg5[%swap3A_228] {strides = array<i32>} : memref<64xi32, #tpu.memory_space<vmem>>, vector<16xi32>,
      %swap3A_230 = vector.shape_cast %swap3A_229 : vector<16xi32> to vector<16xi32>
      %swap3A_231 = vector.shape_cast %add3A_227 : vector<16xi32> to vector<16xi32>
      tpu.vector_store %arg5[%swap3A_228], %swap3A_231 {strides = array<i32>} : memref<64xi32, #tpu.memory_space<vmem>>, vector<16xi32>,
      %iota3A_232 = tpu.iota {dimensions = array<i32: 0>} : vector<16xi32>
      %add3A_233 = arith.constant 32 : i32
      %add3A_234 = arith.addi %add3A_73, %add3A_233 : i32
      %add3A_235 = vector.broadcast %add3A_234 : i32 to vector<16xi32>
      %add3A_236 = arith.addi %iota3A_232, %add3A_235 : vector<16xi32>
      %sub3A_237 = arith.constant 4095 : i32
      %sub3A_238 = vector.broadcast %sub3A_237 : i32 to vector<16xi32>
      %sub3A_239 = arith.subi %add3A_236, %sub3A_238 : vector<16xi32>
      %jit3A_240 = arith.constant -128 : i32
      %jit3A_241 = arith.constant 128 : i32
      %max3A_242 = vector.broadcast %jit3A_240 : i32 to vector<16xi32>
      %max3A_243 = arith.maxsi %max3A_242, %sub3A_239 : vector<16xi32>
      %min3A_244 = vector.broadcast %jit3A_241 : i32 to vector<16xi32>
      %min3A_245 = arith.minsi %min3A_244, %max3A_243 : vector<16xi32>
      %add3A_246 = arith.constant 128 : i32
      %add3A_247 = vector.broadcast %add3A_246 : i32 to vector<16xi32>
      %add3A_248 = arith.addi %min3A_245, %add3A_247 : vector<16xi32>
      %swap3A_249 = arith.constant 32 : index
      %swap3A_250 = tpu.vector_load %arg5[%swap3A_249] {strides = array<i32>} : memref<64xi32, #tpu.memory_space<vmem>>, vector<16xi32>,
      %swap3A_251 = vector.shape_cast %swap3A_250 : vector<16xi32> to vector<16xi32>
      %swap3A_252 = vector.shape_cast %add3A_248 : vector<16xi32> to vector<16xi32>
      tpu.vector_store %arg5[%swap3A_249], %swap3A_252 {strides = array<i32>} : memref<64xi32, #tpu.memory_space<vmem>>, vector<16xi32>,
      %iota3A_253 = tpu.iota {dimensions = array<i32: 0>} : vector<16xi32>
      %add3A_254 = arith.constant 48 : i32
      %add3A_255 = arith.addi %add3A_73, %add3A_254 : i32
      %add3A_256 = vector.broadcast %add3A_255 : i32 to vector<16xi32>
      %add3A_257 = arith.addi %iota3A_253, %add3A_256 : vector<16xi32>
      %sub3A_258 = arith.constant 4095 : i32
      %sub3A_259 = vector.broadcast %sub3A_258 : i32 to vector<16xi32>
      %sub3A_260 = arith.subi %add3A_257, %sub3A_259 : vector<16xi32>
      %jit3A_261 = arith.constant -128 : i32
      %jit3A_262 = arith.constant 128 : i32
      %max3A_263 = vector.broadcast %jit3A_261 : i32 to vector<16xi32>
      %max3A_264 = arith.maxsi %max3A_263, %sub3A_260 : vector<16xi32>
      %min3A_265 = vector.broadcast %jit3A_262 : i32 to vector<16xi32>
      %min3A_266 = arith.minsi %min3A_265, %max3A_264 : vector<16xi32>
      %add3A_267 = arith.constant 128 : i32
      %add3A_268 = vector.broadcast %add3A_267 : i32 to vector<16xi32>
      %add3A_269 = arith.addi %min3A_266, %add3A_268 : vector<16xi32>
      %swap3A_270 = arith.constant 48 : index
      %swap3A_271 = tpu.vector_load %arg5[%swap3A_270] {strides = array<i32>} : memref<64xi32, #tpu.memory_space<vmem>>, vector<16xi32>,
      %swap3A_272 = vector.shape_cast %swap3A_271 : vector<16xi32> to vector<16xi32>
      %swap3A_273 = vector.shape_cast %add3A_269 : vector<16xi32> to vector<16xi32>
      tpu.vector_store %arg5[%swap3A_270], %swap3A_273 {strides = array<i32>} : memref<64xi32, #tpu.memory_space<vmem>>, vector<16xi32>,
      %dma_start3A = arith.constant 0 : i32
      %dma_start3A_274 = arith.constant 0 : i32
      %dma_start3A_275 = tpu.memref_slice %arg3[%dma_start3A, %dma_start3A_274] : memref<257x1024xf32, #tpu.memory_space<hbm>> -> memref<257x1024xf32, #tpu.memory_space<hbm>>
      tpu.enqueue_indirect_dma source(%dma_start3A_275 : memref<257x1024xf32, #tpu.memory_space<hbm>>) target(%arg8 : memref<64x1024xf32, #tpu.memory_space<vmem>>) offsets(%arg5 : memref<64xi32, #tpu.memory_space<vmem>>) semaphore(%arg9 : memref<!tpu.dma_semaphore, #tpu.memory_space<semaphore_mem>>)
      %dma_wait3A = arith.constant 0 : i32
      %dma_wait3A_276 = arith.constant 0 : i32
      %dma_wait3A_277 = tpu.memref_slice %arg3[%dma_wait3A, %dma_wait3A_276] : memref<257x1024xf32, #tpu.memory_space<hbm>> -> memref<257x1024xf32, #tpu.memory_space<hbm>>
      tpu.wait_indirect_dma semaphore(%arg9 : memref<!tpu.dma_semaphore, #tpu.memory_space<semaphore_mem>>) src(%dma_wait3A_277 : memref<257x1024xf32, #tpu.memory_space<hbm>>) dst(%arg8 : memref<64x1024xf32, #tpu.memory_space<vmem>>)
      "tpu.region"() ({
        %run_scoped3A = tpu.sem_alloc : memref<!tpu.dma_semaphore, #tpu.memory_space<semaphore_mem>>
        %dma_start3A_278 = arith.constant 0 : i32
        %dma_start3A_279 = tpu.memref_slice %arg4[%add3A_73, %dma_start3A_278] : memref<8191x1024xf32, #tpu.memory_space<hbm>> -> memref<64x1024xf32, #tpu.memory_space<hbm>>
        %dma_start3A_280 = arith.constant 0 : i32
        %dma_start3A_281 = tpu.memref_slice %arg4[%add3A_73, %dma_start3A_280] : memref<8191x1024xf32, #tpu.memory_space<hbm>> -> memref<64x1024xf32, #tpu.memory_space<hbm>>
        tpu.enqueue_dma source(%arg8 : memref<64x1024xf32, #tpu.memory_space<vmem>>) target(%dma_start3A_281 : memref<64x1024xf32, #tpu.memory_space<hbm>>) target_semaphore(%run_scoped3A : memref<!tpu.dma_semaphore, #tpu.memory_space<semaphore_mem>>)
        %dma_wait3A_282 = arith.constant 0 : i32
        %dma_wait3A_283 = tpu.memref_slice %arg4[%add3A_73, %dma_wait3A_282] : memref<8191x1024xf32, #tpu.memory_space<hbm>> -> memref<64x1024xf32, #tpu.memory_space<hbm>>
        %dma_wait3A_284 = arith.constant 0 : i32
        %dma_wait3A_285 = tpu.memref_slice %arg4[%add3A_73, %dma_wait3A_284] : memref<8191x1024xf32, #tpu.memory_space<hbm>> -> memref<64x1024xf32, #tpu.memory_space<hbm>>
        tpu.wait_dma2 semaphore(%run_scoped3A : memref<!tpu.dma_semaphore, #tpu.memory_space<semaphore_mem>>) src(%arg8 : memref<64x1024xf32, #tpu.memory_space<vmem>>) dst(%dma_wait3A_285 : memref<64x1024xf32, #tpu.memory_space<hbm>>)
        tpu.yield
      }) : () -> ()
    } else {
    }
    %add3A_112 = arith.constant 128 : i32
    %add3A_113 = arith.addi %mul3A_2, %add3A_112 : i32
    %sub3A_114 = arith.constant 4095 : i32
    %sub3A_115 = arith.subi %add3A_113, %sub3A_114 : i32
    %jit3A_116 = arith.constant -128 : i32
    %jit3A_117 = arith.constant 128 : i32
    %max3A_118 = arith.maxsi %jit3A_116, %sub3A_115 : i32
    %min3A_119 = arith.minsi %jit3A_117, %max3A_118 : i32
    %add3A_120 = arith.constant 128 : i32
    %add3A_121 = arith.addi %min3A_119, %add3A_120 : i32
    %add3A_122 = arith.constant 64 : i32
    %add3A_123 = arith.addi %add3A_113, %add3A_122 : i32
    %sub3A_124 = arith.constant 1 : i32
    %sub3A_125 = arith.subi %add3A_123, %sub3A_124 : i32
    %sub3A_126 = arith.constant 4095 : i32
    %sub3A_127 = arith.subi %sub3A_125, %sub3A_126 : i32
    %jit3A_128 = arith.constant -128 : i32
    %jit3A_129 = arith.constant 128 : i32
    %max3A_130 = arith.maxsi %jit3A_128, %sub3A_127 : i32
    %min3A_131 = arith.minsi %jit3A_129, %max3A_130 : i32
    %add3A_132 = arith.constant 128 : i32
    %add3A_133 = arith.addi %min3A_131, %add3A_132 : i32
    %eq3A_134 = arith.cmpi eq, %add3A_121, %add3A_133 : i32
    %eq3A_135 = arith.constant 8128 : i32
    %eq3A_136 = arith.cmpi eq, %add3A_113, %eq3A_135 : i32
    %not3A_137 = arith.constant true
    %not3A_138 = arith.xori %eq3A_136, %not3A_137 : i1
    %and3A_139 = arith.andi %eq3A_134, %not3A_138 : i1
    %convert_element_type3A_140 = arith.extui %and3A_139 : i1 to i32
    %cond3A_141 = arith.constant 0 : i32
    %cond3A_142 = arith.cmpi ne, %convert_element_type3A_140, %cond3A_141 : i32
    scf.if %cond3A_142 {
      %add3A_192 = arith.constant 0 : i32
      %add3A_193 = arith.addi %add3A_113, %add3A_192 : i32
      %dma_start3A = arith.constant 0 : i32
      %dma_start3A_194 = tpu.memref_slice %arg4[%add3A_193, %dma_start3A] : memref<8191x1024xf32, #tpu.memory_space<hbm>> -> memref<32x1024xf32, #tpu.memory_space<hbm>>
      %dma_start3A_195 = arith.constant 0 : i32
      %dma_start3A_196 = tpu.memref_slice %arg4[%add3A_193, %dma_start3A_195] : memref<8191x1024xf32, #tpu.memory_space<hbm>> -> memref<32x1024xf32, #tpu.memory_space<hbm>>
      tpu.enqueue_dma source(%arg7 : memref<32x1024xf32, #tpu.memory_space<vmem>>) target(%dma_start3A_196 : memref<32x1024xf32, #tpu.memory_space<hbm>>) target_semaphore(%arg10 : memref<!tpu.dma_semaphore, #tpu.memory_space<semaphore_mem>>)
      %add3A_197 = arith.constant 32 : i32
      %add3A_198 = arith.addi %add3A_113, %add3A_197 : i32
      %dma_start3A_199 = arith.constant 0 : i32
      %dma_start3A_200 = tpu.memref_slice %arg4[%add3A_198, %dma_start3A_199] : memref<8191x1024xf32, #tpu.memory_space<hbm>> -> memref<32x1024xf32, #tpu.memory_space<hbm>>
      %dma_start3A_201 = arith.constant 0 : i32
      %dma_start3A_202 = tpu.memref_slice %arg4[%add3A_198, %dma_start3A_201] : memref<8191x1024xf32, #tpu.memory_space<hbm>> -> memref<32x1024xf32, #tpu.memory_space<hbm>>
      tpu.enqueue_dma source(%arg7 : memref<32x1024xf32, #tpu.memory_space<vmem>>) target(%dma_start3A_202 : memref<32x1024xf32, #tpu.memory_space<hbm>>) target_semaphore(%arg10 : memref<!tpu.dma_semaphore, #tpu.memory_space<semaphore_mem>>)
      %dma_wait3A = arith.constant 0 : i32
      %dma_wait3A_203 = tpu.memref_slice %arg4[%add3A_193, %dma_wait3A] : memref<8191x1024xf32, #tpu.memory_space<hbm>> -> memref<32x1024xf32, #tpu.memory_space<hbm>>
      %dma_wait3A_204 = arith.constant 0 : i32
      %dma_wait3A_205 = tpu.memref_slice %arg4[%add3A_193, %dma_wait3A_204] : memref<8191x1024xf32, #tpu.memory_space<hbm>> -> memref<32x1024xf32, #tpu.memory_space<hbm>>
      tpu.wait_dma2 semaphore(%arg10 : memref<!tpu.dma_semaphore, #tpu.memory_space<semaphore_mem>>) src(%arg7 : memref<32x1024xf32, #tpu.memory_space<vmem>>) dst(%dma_wait3A_205 : memref<32x1024xf32, #tpu.memory_space<hbm>>)
      %dma_wait3A_206 = arith.constant 0 : i32
      %dma_wait3A_207 = tpu.memref_slice %arg4[%add3A_198, %dma_wait3A_206] : memref<8191x1024xf32, #tpu.memory_space<hbm>> -> memref<32x1024xf32, #tpu.memory_space<hbm>>
      %dma_wait3A_208 = arith.constant 0 : i32
      %dma_wait3A_209 = tpu.memref_slice %arg4[%add3A_198, %dma_wait3A_208] : memref<8191x1024xf32, #tpu.memory_space<hbm>> -> memref<32x1024xf32, #tpu.memory_space<hbm>>
      tpu.wait_dma2 semaphore(%arg10 : memref<!tpu.dma_semaphore, #tpu.memory_space<semaphore_mem>>) src(%arg7 : memref<32x1024xf32, #tpu.memory_space<vmem>>) dst(%dma_wait3A_209 : memref<32x1024xf32, #tpu.memory_space<hbm>>)
    } else {
    }
    %and3A_143 = arith.andi %eq3A_134, %eq3A_136 : i1
    %convert_element_type3A_144 = arith.extui %and3A_143 : i1 to i32
    %cond3A_145 = arith.constant 0 : i32
    %cond3A_146 = arith.cmpi ne, %convert_element_type3A_144, %cond3A_145 : i32
    scf.if %cond3A_146 {
      %dma_start3A = arith.constant 0 : i32
      %dma_start3A_192 = tpu.memref_slice %arg4[%add3A_113, %dma_start3A] : memref<8191x1024xf32, #tpu.memory_space<hbm>> -> memref<32x1024xf32, #tpu.memory_space<hbm>>
      %dma_start3A_193 = arith.constant 0 : i32
      %dma_start3A_194 = tpu.memref_slice %arg4[%add3A_113, %dma_start3A_193] : memref<8191x1024xf32, #tpu.memory_space<hbm>> -> memref<32x1024xf32, #tpu.memory_space<hbm>>
      tpu.enqueue_dma source(%arg7 : memref<32x1024xf32, #tpu.memory_space<vmem>>) target(%dma_start3A_194 : memref<32x1024xf32, #tpu.memory_space<hbm>>) target_semaphore(%arg10 : memref<!tpu.dma_semaphore, #tpu.memory_space<semaphore_mem>>)
      %add3A_195 = arith.constant 32 : i32
      %add3A_196 = arith.addi %add3A_113, %add3A_195 : i32
      %dma_start3A_197 = arith.constant 0 : i32
      %dma_start3A_198 = arith.constant 0 : i32
      %dma_start3A_199 = tpu.memref_slice %arg7[%dma_start3A_197, %dma_start3A_198] : memref<32x1024xf32, #tpu.memory_space<vmem>> -> memref<16x1024xf32, #tpu.memory_space<vmem>>
      %dma_start3A_200 = arith.constant 0 : i32
      %dma_start3A_201 = tpu.memref_slice %arg4[%add3A_196, %dma_start3A_200] : memref<8191x1024xf32, #tpu.memory_space<hbm>> -> memref<16x1024xf32, #tpu.memory_space<hbm>>
      %dma_start3A_202 = arith.constant 0 : i32
      %dma_start3A_203 = tpu.memref_slice %arg4[%add3A_196, %dma_start3A_202] : memref<8191x1024xf32, #tpu.memory_space<hbm>> -> memref<16x1024xf32, #tpu.memory_space<hbm>>
      %dma_start3A_204 = arith.constant 0 : i32
      %dma_start3A_205 = arith.constant 0 : i32
      %dma_start3A_206 = tpu.memref_slice %arg7[%dma_start3A_204, %dma_start3A_205] : memref<32x1024xf32, #tpu.memory_space<vmem>> -> memref<16x1024xf32, #tpu.memory_space<vmem>>
      tpu.enqueue_dma source(%dma_start3A_206 : memref<16x1024xf32, #tpu.memory_space<vmem>>) target(%dma_start3A_203 : memref<16x1024xf32, #tpu.memory_space<hbm>>) target_semaphore(%arg10 : memref<!tpu.dma_semaphore, #tpu.memory_space<semaphore_mem>>)
      %add3A_207 = arith.constant 48 : i32
      %add3A_208 = arith.addi %add3A_113, %add3A_207 : i32
      %dma_start3A_209 = arith.constant 0 : i32
      %dma_start3A_210 = arith.constant 0 : i32
      %dma_start3A_211 = tpu.memref_slice %arg7[%dma_start3A_209, %dma_start3A_210] : memref<32x1024xf32, #tpu.memory_space<vmem>> -> memref<8x1024xf32, #tpu.memory_space<vmem>>
      %dma_start3A_212 = arith.constant 0 : i32
      %dma_start3A_213 = tpu.memref_slice %arg4[%add3A_208, %dma_start3A_212] : memref<8191x1024xf32, #tpu.memory_space<hbm>> -> memref<8x1024xf32, #tpu.memory_space<hbm>>
      %dma_start3A_214 = arith.constant 0 : i32
      %dma_start3A_215 = tpu.memref_slice %arg4[%add3A_208, %dma_start3A_214] : memref<8191x1024xf32, #tpu.memory_space<hbm>> -> memref<8x1024xf32, #tpu.memory_space<hbm>>
      %dma_start3A_216 = arith.constant 0 : i32
      %dma_start3A_217 = arith.constant 0 : i32
      %dma_start3A_218 = tpu.memref_slice %arg7[%dma_start3A_216, %dma_start3A_217] : memref<32x1024xf32, #tpu.memory_space<vmem>> -> memref<8x1024xf32, #tpu.memory_space<vmem>>
      tpu.enqueue_dma source(%dma_start3A_218 : memref<8x1024xf32, #tpu.memory_space<vmem>>) target(%dma_start3A_215 : memref<8x1024xf32, #tpu.memory_space<hbm>>) target_semaphore(%arg10 : memref<!tpu.dma_semaphore, #tpu.memory_space<semaphore_mem>>)
      %iota3A = tpu.iota {dimensions = array<i32: 0>} : vector<16xi32>
      %add3A_219 = arith.constant 8176 : i32
      %add3A_220 = vector.broadcast %add3A_219 : i32 to vector<16xi32>
      %add3A_221 = arith.addi %iota3A, %add3A_220 : vector<16xi32>
      %min3A_222 = arith.constant 8190 : i32
      %min3A_223 = vector.broadcast %min3A_222 : i32 to vector<16xi32>
      %min3A_224 = arith.minsi %add3A_221, %min3A_223 : vector<16xi32>
      %swap3A = arith.constant 0 : index
      %swap3A_225 = tpu.vector_load %arg6[%swap3A] {strides = array<i32>} : memref<16xi32, #tpu.memory_space<vmem>>, vector<16xi32>,
      %swap3A_226 = vector.shape_cast %swap3A_225 : vector<16xi32> to vector<16xi32>
      %swap3A_227 = vector.shape_cast %min3A_224 : vector<16xi32> to vector<16xi32>
      tpu.vector_store %arg6[%swap3A], %swap3A_227 {strides = array<i32>} : memref<16xi32, #tpu.memory_space<vmem>>, vector<16xi32>,
      %dma_start3A_228 = arith.constant 0 : i32
      %dma_start3A_229 = arith.constant 0 : i32
      %dma_start3A_230 = tpu.memref_slice %arg7[%dma_start3A_228, %dma_start3A_229] : memref<32x1024xf32, #tpu.memory_space<vmem>> -> memref<16x1024xf32, #tpu.memory_space<vmem>>
      %dma_start3A_231 = arith.constant 0 : i32
      %dma_start3A_232 = arith.constant 0 : i32
      %dma_start3A_233 = tpu.memref_slice %arg4[%dma_start3A_231, %dma_start3A_232] : memref<8191x1024xf32, #tpu.memory_space<hbm>> -> memref<8191x1024xf32, #tpu.memory_space<hbm>>
      tpu.enqueue_indirect_dma source(%dma_start3A_230 : memref<16x1024xf32, #tpu.memory_space<vmem>>) target(%dma_start3A_233 : memref<8191x1024xf32, #tpu.memory_space<hbm>>) offsets(%arg6 : memref<16xi32, #tpu.memory_space<vmem>>) semaphore(%arg10 : memref<!tpu.dma_semaphore, #tpu.memory_space<semaphore_mem>>)
      %dma_wait3A = arith.constant 0 : i32
      %dma_wait3A_234 = tpu.memref_slice %arg4[%add3A_113, %dma_wait3A] : memref<8191x1024xf32, #tpu.memory_space<hbm>> -> memref<32x1024xf32, #tpu.memory_space<hbm>>
      %dma_wait3A_235 = arith.constant 0 : i32
      %dma_wait3A_236 = tpu.memref_slice %arg4[%add3A_113, %dma_wait3A_235] : memref<8191x1024xf32, #tpu.memory_space<hbm>> -> memref<32x1024xf32, #tpu.memory_space<hbm>>
      tpu.wait_dma2 semaphore(%arg10 : memref<!tpu.dma_semaphore, #tpu.memory_space<semaphore_mem>>) src(%arg7 : memref<32x1024xf32, #tpu.memory_space<vmem>>) dst(%dma_wait3A_236 : memref<32x1024xf32, #tpu.memory_space<hbm>>)
      %dma_wait3A_237 = arith.constant 0 : i32
      %dma_wait3A_238 = arith.constant 0 : i32
      %dma_wait3A_239 = tpu.memref_slice %arg7[%dma_wait3A_237, %dma_wait3A_238] : memref<32x1024xf32, #tpu.memory_space<vmem>> -> memref<16x1024xf32, #tpu.memory_space<vmem>>
      %dma_wait3A_240 = arith.constant 0 : i32
      %dma_wait3A_241 = tpu.memref_slice %arg4[%add3A_196, %dma_wait3A_240] : memref<8191x1024xf32, #tpu.memory_space<hbm>> -> memref<16x1024xf32, #tpu.memory_space<hbm>>
      %dma_wait3A_242 = arith.constant 0 : i32
      %dma_wait3A_243 = tpu.memref_slice %arg4[%add3A_196, %dma_wait3A_242] : memref<8191x1024xf32, #tpu.memory_space<hbm>> -> memref<16x1024xf32, #tpu.memory_space<hbm>>
      %dma_wait3A_244 = arith.constant 0 : i32
      %dma_wait3A_245 = arith.constant 0 : i32
      %dma_wait3A_246 = tpu.memref_slice %arg7[%dma_wait3A_244, %dma_wait3A_245] : memref<32x1024xf32, #tpu.memory_space<vmem>> -> memref<16x1024xf32, #tpu.memory_space<vmem>>
      tpu.wait_dma2 semaphore(%arg10 : memref<!tpu.dma_semaphore, #tpu.memory_space<semaphore_mem>>) src(%dma_wait3A_246 : memref<16x1024xf32, #tpu.memory_space<vmem>>) dst(%dma_wait3A_243 : memref<16x1024xf32, #tpu.memory_space<hbm>>)
      %dma_wait3A_247 = arith.constant 0 : i32
      %dma_wait3A_248 = arith.constant 0 : i32
      %dma_wait3A_249 = tpu.memref_slice %arg7[%dma_wait3A_247, %dma_wait3A_248] : memref<32x1024xf32, #tpu.memory_space<vmem>> -> memref<8x1024xf32, #tpu.memory_space<vmem>>
      %dma_wait3A_250 = arith.constant 0 : i32
      %dma_wait3A_251 = tpu.memref_slice %arg4[%add3A_208, %dma_wait3A_250] : memref<8191x1024xf32, #tpu.memory_space<hbm>> -> memref<8x1024xf32, #tpu.memory_space<hbm>>
      %dma_wait3A_252 = arith.constant 0 : i32
      %dma_wait3A_253 = tpu.memref_slice %arg4[%add3A_208, %dma_wait3A_252] : memref<8191x1024xf32, #tpu.memory_space<hbm>> -> memref<8x1024xf32, #tpu.memory_space<hbm>>
      %dma_wait3A_254 = arith.constant 0 : i32
      %dma_wait3A_255 = arith.constant 0 : i32
      %dma_wait3A_256 = tpu.memref_slice %arg7[%dma_wait3A_254, %dma_wait3A_255] : memref<32x1024xf32, #tpu.memory_space<vmem>> -> memref<8x1024xf32, #tpu.memory_space<vmem>>
      tpu.wait_dma2 semaphore(%arg10 : memref<!tpu.dma_semaphore, #tpu.memory_space<semaphore_mem>>) src(%dma_wait3A_256 : memref<8x1024xf32, #tpu.memory_space<vmem>>) dst(%dma_wait3A_253 : memref<8x1024xf32, #tpu.memory_space<hbm>>)
      %dma_wait3A_257 = arith.constant 0 : i32
      %dma_wait3A_258 = arith.constant 0 : i32
      %dma_wait3A_259 = tpu.memref_slice %arg7[%dma_wait3A_257, %dma_wait3A_258] : memref<32x1024xf32, #tpu.memory_space<vmem>> -> memref<16x1024xf32, #tpu.memory_space<vmem>>
      %dma_wait3A_260 = arith.constant 0 : i32
      %dma_wait3A_261 = arith.constant 0 : i32
      %dma_wait3A_262 = tpu.memref_slice %arg4[%dma_wait3A_260, %dma_wait3A_261] : memref<8191x1024xf32, #tpu.memory_space<hbm>> -> memref<8191x1024xf32, #tpu.memory_space<hbm>>
      tpu.wait_indirect_dma semaphore(%arg10 : memref<!tpu.dma_semaphore, #tpu.memory_space<semaphore_mem>>) src(%dma_wait3A_259 : memref<16x1024xf32, #tpu.memory_space<vmem>>) dst(%dma_wait3A_262 : memref<8191x1024xf32, #tpu.memory_space<hbm>>)
    } else {
    }
    %not3A_147 = arith.constant true
    %not3A_148 = arith.xori %eq3A_134, %not3A_147 : i1
    %convert_element_type3A_149 = arith.extui %not3A_148 : i1 to i32
    %cond3A_150 = arith.constant 0 : i32
    %cond3A_151 = arith.cmpi ne, %convert_element_type3A_149, %cond3A_150 : i32
    scf.if %cond3A_151 {
      %iota3A = tpu.iota {dimensions = array<i32: 0>} : vector<16xi32>
      %add3A_192 = arith.constant 0 : i32
      %add3A_193 = arith.addi %add3A_113, %add3A_192 : i32
      %add3A_194 = vector.broadcast %add3A_193 : i32 to vector<16xi32>
      %add3A_195 = arith.addi %iota3A, %add3A_194 : vector<16xi32>
      %sub3A_196 = arith.constant 4095 : i32
      %sub3A_197 = vector.broadcast %sub3A_196 : i32 to vector<16xi32>
      %sub3A_198 = arith.subi %add3A_195, %sub3A_197 : vector<16xi32>
      %jit3A_199 = arith.constant -128 : i32
      %jit3A_200 = arith.constant 128 : i32
      %max3A_201 = vector.broadcast %jit3A_199 : i32 to vector<16xi32>
      %max3A_202 = arith.maxsi %max3A_201, %sub3A_198 : vector<16xi32>
      %min3A_203 = vector.broadcast %jit3A_200 : i32 to vector<16xi32>
      %min3A_204 = arith.minsi %min3A_203, %max3A_202 : vector<16xi32>
      %add3A_205 = arith.constant 128 : i32
      %add3A_206 = vector.broadcast %add3A_205 : i32 to vector<16xi32>
      %add3A_207 = arith.addi %min3A_204, %add3A_206 : vector<16xi32>
      %swap3A = arith.constant 0 : index
      %swap3A_208 = tpu.vector_load %arg5[%swap3A] {strides = array<i32>} : memref<64xi32, #tpu.memory_space<vmem>>, vector<16xi32>,
      %swap3A_209 = vector.shape_cast %swap3A_208 : vector<16xi32> to vector<16xi32>
      %swap3A_210 = vector.shape_cast %add3A_207 : vector<16xi32> to vector<16xi32>
      tpu.vector_store %arg5[%swap3A], %swap3A_210 {strides = array<i32>} : memref<64xi32, #tpu.memory_space<vmem>>, vector<16xi32>,
      %iota3A_211 = tpu.iota {dimensions = array<i32: 0>} : vector<16xi32>
      %add3A_212 = arith.constant 16 : i32
      %add3A_213 = arith.addi %add3A_113, %add3A_212 : i32
      %add3A_214 = vector.broadcast %add3A_213 : i32 to vector<16xi32>
      %add3A_215 = arith.addi %iota3A_211, %add3A_214 : vector<16xi32>
      %sub3A_216 = arith.constant 4095 : i32
      %sub3A_217 = vector.broadcast %sub3A_216 : i32 to vector<16xi32>
      %sub3A_218 = arith.subi %add3A_215, %sub3A_217 : vector<16xi32>
      %jit3A_219 = arith.constant -128 : i32
      %jit3A_220 = arith.constant 128 : i32
      %max3A_221 = vector.broadcast %jit3A_219 : i32 to vector<16xi32>
      %max3A_222 = arith.maxsi %max3A_221, %sub3A_218 : vector<16xi32>
      %min3A_223 = vector.broadcast %jit3A_220 : i32 to vector<16xi32>
      %min3A_224 = arith.minsi %min3A_223, %max3A_222 : vector<16xi32>
      %add3A_225 = arith.constant 128 : i32
      %add3A_226 = vector.broadcast %add3A_225 : i32 to vector<16xi32>
      %add3A_227 = arith.addi %min3A_224, %add3A_226 : vector<16xi32>
      %swap3A_228 = arith.constant 16 : index
      %swap3A_229 = tpu.vector_load %arg5[%swap3A_228] {strides = array<i32>} : memref<64xi32, #tpu.memory_space<vmem>>, vector<16xi32>,
      %swap3A_230 = vector.shape_cast %swap3A_229 : vector<16xi32> to vector<16xi32>
      %swap3A_231 = vector.shape_cast %add3A_227 : vector<16xi32> to vector<16xi32>
      tpu.vector_store %arg5[%swap3A_228], %swap3A_231 {strides = array<i32>} : memref<64xi32, #tpu.memory_space<vmem>>, vector<16xi32>,
      %iota3A_232 = tpu.iota {dimensions = array<i32: 0>} : vector<16xi32>
      %add3A_233 = arith.constant 32 : i32
      %add3A_234 = arith.addi %add3A_113, %add3A_233 : i32
      %add3A_235 = vector.broadcast %add3A_234 : i32 to vector<16xi32>
      %add3A_236 = arith.addi %iota3A_232, %add3A_235 : vector<16xi32>
      %sub3A_237 = arith.constant 4095 : i32
      %sub3A_238 = vector.broadcast %sub3A_237 : i32 to vector<16xi32>
      %sub3A_239 = arith.subi %add3A_236, %sub3A_238 : vector<16xi32>
      %jit3A_240 = arith.constant -128 : i32
      %jit3A_241 = arith.constant 128 : i32
      %max3A_242 = vector.broadcast %jit3A_240 : i32 to vector<16xi32>
      %max3A_243 = arith.maxsi %max3A_242, %sub3A_239 : vector<16xi32>
      %min3A_244 = vector.broadcast %jit3A_241 : i32 to vector<16xi32>
      %min3A_245 = arith.minsi %min3A_244, %max3A_243 : vector<16xi32>
      %add3A_246 = arith.constant 128 : i32
      %add3A_247 = vector.broadcast %add3A_246 : i32 to vector<16xi32>
      %add3A_248 = arith.addi %min3A_245, %add3A_247 : vector<16xi32>
      %swap3A_249 = arith.constant 32 : index
      %swap3A_250 = tpu.vector_load %arg5[%swap3A_249] {strides = array<i32>} : memref<64xi32, #tpu.memory_space<vmem>>, vector<16xi32>,
      %swap3A_251 = vector.shape_cast %swap3A_250 : vector<16xi32> to vector<16xi32>
      %swap3A_252 = vector.shape_cast %add3A_248 : vector<16xi32> to vector<16xi32>
      tpu.vector_store %arg5[%swap3A_249], %swap3A_252 {strides = array<i32>} : memref<64xi32, #tpu.memory_space<vmem>>, vector<16xi32>,
      %iota3A_253 = tpu.iota {dimensions = array<i32: 0>} : vector<16xi32>
      %add3A_254 = arith.constant 48 : i32
      %add3A_255 = arith.addi %add3A_113, %add3A_254 : i32
      %add3A_256 = vector.broadcast %add3A_255 : i32 to vector<16xi32>
      %add3A_257 = arith.addi %iota3A_253, %add3A_256 : vector<16xi32>
      %sub3A_258 = arith.constant 4095 : i32
      %sub3A_259 = vector.broadcast %sub3A_258 : i32 to vector<16xi32>
      %sub3A_260 = arith.subi %add3A_257, %sub3A_259 : vector<16xi32>
      %jit3A_261 = arith.constant -128 : i32
      %jit3A_262 = arith.constant 128 : i32
      %max3A_263 = vector.broadcast %jit3A_261 : i32 to vector<16xi32>
      %max3A_264 = arith.maxsi %max3A_263, %sub3A_260 : vector<16xi32>
      %min3A_265 = vector.broadcast %jit3A_262 : i32 to vector<16xi32>
      %min3A_266 = arith.minsi %min3A_265, %max3A_264 : vector<16xi32>
      %add3A_267 = arith.constant 128 : i32
      %add3A_268 = vector.broadcast %add3A_267 : i32 to vector<16xi32>
      %add3A_269 = arith.addi %min3A_266, %add3A_268 : vector<16xi32>
      %swap3A_270 = arith.constant 48 : index
      %swap3A_271 = tpu.vector_load %arg5[%swap3A_270] {strides = array<i32>} : memref<64xi32, #tpu.memory_space<vmem>>, vector<16xi32>,
      %swap3A_272 = vector.shape_cast %swap3A_271 : vector<16xi32> to vector<16xi32>
      %swap3A_273 = vector.shape_cast %add3A_269 : vector<16xi32> to vector<16xi32>
      tpu.vector_store %arg5[%swap3A_270], %swap3A_273 {strides = array<i32>} : memref<64xi32, #tpu.memory_space<vmem>>, vector<16xi32>,
      %dma_start3A = arith.constant 0 : i32
      %dma_start3A_274 = arith.constant 0 : i32
      %dma_start3A_275 = tpu.memref_slice %arg3[%dma_start3A, %dma_start3A_274] : memref<257x1024xf32, #tpu.memory_space<hbm>> -> memref<257x1024xf32, #tpu.memory_space<hbm>>
      tpu.enqueue_indirect_dma source(%dma_start3A_275 : memref<257x1024xf32, #tpu.memory_space<hbm>>) target(%arg8 : memref<64x1024xf32, #tpu.memory_space<vmem>>) offsets(%arg5 : memref<64xi32, #tpu.memory_space<vmem>>) semaphore(%arg9 : memref<!tpu.dma_semaphore, #tpu.memory_space<semaphore_mem>>)
      %dma_wait3A = arith.constant 0 : i32
      %dma_wait3A_276 = arith.constant 0 : i32
      %dma_wait3A_277 = tpu.memref_slice %arg3[%dma_wait3A, %dma_wait3A_276] : memref<257x1024xf32, #tpu.memory_space<hbm>> -> memref<257x1024xf32, #tpu.memory_space<hbm>>
      tpu.wait_indirect_dma semaphore(%arg9 : memref<!tpu.dma_semaphore, #tpu.memory_space<semaphore_mem>>) src(%dma_wait3A_277 : memref<257x1024xf32, #tpu.memory_space<hbm>>) dst(%arg8 : memref<64x1024xf32, #tpu.memory_space<vmem>>)
      "tpu.region"() ({
        %run_scoped3A = tpu.sem_alloc : memref<!tpu.dma_semaphore, #tpu.memory_space<semaphore_mem>>
        %dma_start3A_278 = arith.constant 0 : i32
        %dma_start3A_279 = tpu.memref_slice %arg4[%add3A_113, %dma_start3A_278] : memref<8191x1024xf32, #tpu.memory_space<hbm>> -> memref<64x1024xf32, #tpu.memory_space<hbm>>
        %dma_start3A_280 = arith.constant 0 : i32
        %dma_start3A_281 = tpu.memref_slice %arg4[%add3A_113, %dma_start3A_280] : memref<8191x1024xf32, #tpu.memory_space<hbm>> -> memref<64x1024xf32, #tpu.memory_space<hbm>>
        tpu.enqueue_dma source(%arg8 : memref<64x1024xf32, #tpu.memory_space<vmem>>) target(%dma_start3A_281 : memref<64x1024xf32, #tpu.memory_space<hbm>>) target_semaphore(%run_scoped3A : memref<!tpu.dma_semaphore, #tpu.memory_space<semaphore_mem>>)
        %dma_wait3A_282 = arith.constant 0 : i32
        %dma_wait3A_283 = tpu.memref_slice %arg4[%add3A_113, %dma_wait3A_282] : memref<8191x1024xf32, #tpu.memory_space<hbm>> -> memref<64x1024xf32, #tpu.memory_space<hbm>>
        %dma_wait3A_284 = arith.constant 0 : i32
        %dma_wait3A_285 = tpu.memref_slice %arg4[%add3A_113, %dma_wait3A_284] : memref<8191x1024xf32, #tpu.memory_space<hbm>> -> memref<64x1024xf32, #tpu.memory_space<hbm>>
        tpu.wait_dma2 semaphore(%run_scoped3A : memref<!tpu.dma_semaphore, #tpu.memory_space<semaphore_mem>>) src(%arg8 : memref<64x1024xf32, #tpu.memory_space<vmem>>) dst(%dma_wait3A_285 : memref<64x1024xf32, #tpu.memory_space<hbm>>)
        tpu.yield
      }) : () -> ()
    } else {
    }
    %add3A_152 = arith.constant 192 : i32
    %add3A_153 = arith.addi %mul3A_2, %add3A_152 : i32
    %sub3A_154 = arith.constant 4095 : i32
    %sub3A_155 = arith.subi %add3A_153, %sub3A_154 : i32
    %jit3A_156 = arith.constant -128 : i32
    %jit3A_157 = arith.constant 128 : i32
    %max3A_158 = arith.maxsi %jit3A_156, %sub3A_155 : i32
    %min3A_159 = arith.minsi %jit3A_157, %max3A_158 : i32
    %add3A_160 = arith.constant 128 : i32
    %add3A_161 = arith.addi %min3A_159, %add3A_160 : i32
    %add3A_162 = arith.constant 64 : i32
    %add3A_163 = arith.addi %add3A_153, %add3A_162 : i32
    %sub3A_164 = arith.constant 1 : i32
    %sub3A_165 = arith.subi %add3A_163, %sub3A_164 : i32
    %sub3A_166 = arith.constant 4095 : i32
    %sub3A_167 = arith.subi %sub3A_165, %sub3A_166 : i32
    %jit3A_168 = arith.constant -128 : i32
    %jit3A_169 = arith.constant 128 : i32
    %max3A_170 = arith.maxsi %jit3A_168, %sub3A_167 : i32
    %min3A_171 = arith.minsi %jit3A_169, %max3A_170 : i32
    %add3A_172 = arith.constant 128 : i32
    %add3A_173 = arith.addi %min3A_171, %add3A_172 : i32
    %eq3A_174 = arith.cmpi eq, %add3A_161, %add3A_173 : i32
    %eq3A_175 = arith.constant 8128 : i32
    %eq3A_176 = arith.cmpi eq, %add3A_153, %eq3A_175 : i32
    %not3A_177 = arith.constant true
    %not3A_178 = arith.xori %eq3A_176, %not3A_177 : i1
    %and3A_179 = arith.andi %eq3A_174, %not3A_178 : i1
    %convert_element_type3A_180 = arith.extui %and3A_179 : i1 to i32
    %cond3A_181 = arith.constant 0 : i32
    %cond3A_182 = arith.cmpi ne, %convert_element_type3A_180, %cond3A_181 : i32
    scf.if %cond3A_182 {
      %add3A_192 = arith.constant 0 : i32
      %add3A_193 = arith.addi %add3A_153, %add3A_192 : i32
      %dma_start3A = arith.constant 0 : i32
      %dma_start3A_194 = tpu.memref_slice %arg4[%add3A_193, %dma_start3A] : memref<8191x1024xf32, #tpu.memory_space<hbm>> -> memref<32x1024xf32, #tpu.memory_space<hbm>>
      %dma_start3A_195 = arith.constant 0 : i32
      %dma_start3A_196 = tpu.memref_slice %arg4[%add3A_193, %dma_start3A_195] : memref<8191x1024xf32, #tpu.memory_space<hbm>> -> memref<32x1024xf32, #tpu.memory_space<hbm>>
      tpu.enqueue_dma source(%arg7 : memref<32x1024xf32, #tpu.memory_space<vmem>>) target(%dma_start3A_196 : memref<32x1024xf32, #tpu.memory_space<hbm>>) target_semaphore(%arg10 : memref<!tpu.dma_semaphore, #tpu.memory_space<semaphore_mem>>)
      %add3A_197 = arith.constant 32 : i32
      %add3A_198 = arith.addi %add3A_153, %add3A_197 : i32
      %dma_start3A_199 = arith.constant 0 : i32
      %dma_start3A_200 = tpu.memref_slice %arg4[%add3A_198, %dma_start3A_199] : memref<8191x1024xf32, #tpu.memory_space<hbm>> -> memref<32x1024xf32, #tpu.memory_space<hbm>>
      %dma_start3A_201 = arith.constant 0 : i32
      %dma_start3A_202 = tpu.memref_slice %arg4[%add3A_198, %dma_start3A_201] : memref<8191x1024xf32, #tpu.memory_space<hbm>> -> memref<32x1024xf32, #tpu.memory_space<hbm>>
      tpu.enqueue_dma source(%arg7 : memref<32x1024xf32, #tpu.memory_space<vmem>>) target(%dma_start3A_202 : memref<32x1024xf32, #tpu.memory_space<hbm>>) target_semaphore(%arg10 : memref<!tpu.dma_semaphore, #tpu.memory_space<semaphore_mem>>)
      %dma_wait3A = arith.constant 0 : i32
      %dma_wait3A_203 = tpu.memref_slice %arg4[%add3A_193, %dma_wait3A] : memref<8191x1024xf32, #tpu.memory_space<hbm>> -> memref<32x1024xf32, #tpu.memory_space<hbm>>
      %dma_wait3A_204 = arith.constant 0 : i32
      %dma_wait3A_205 = tpu.memref_slice %arg4[%add3A_193, %dma_wait3A_204] : memref<8191x1024xf32, #tpu.memory_space<hbm>> -> memref<32x1024xf32, #tpu.memory_space<hbm>>
      tpu.wait_dma2 semaphore(%arg10 : memref<!tpu.dma_semaphore, #tpu.memory_space<semaphore_mem>>) src(%arg7 : memref<32x1024xf32, #tpu.memory_space<vmem>>) dst(%dma_wait3A_205 : memref<32x1024xf32, #tpu.memory_space<hbm>>)
      %dma_wait3A_206 = arith.constant 0 : i32
      %dma_wait3A_207 = tpu.memref_slice %arg4[%add3A_198, %dma_wait3A_206] : memref<8191x1024xf32, #tpu.memory_space<hbm>> -> memref<32x1024xf32, #tpu.memory_space<hbm>>
      %dma_wait3A_208 = arith.constant 0 : i32
      %dma_wait3A_209 = tpu.memref_slice %arg4[%add3A_198, %dma_wait3A_208] : memref<8191x1024xf32, #tpu.memory_space<hbm>> -> memref<32x1024xf32, #tpu.memory_space<hbm>>
      tpu.wait_dma2 semaphore(%arg10 : memref<!tpu.dma_semaphore, #tpu.memory_space<semaphore_mem>>) src(%arg7 : memref<32x1024xf32, #tpu.memory_space<vmem>>) dst(%dma_wait3A_209 : memref<32x1024xf32, #tpu.memory_space<hbm>>)
    } else {
    }
    %and3A_183 = arith.andi %eq3A_174, %eq3A_176 : i1
    %convert_element_type3A_184 = arith.extui %and3A_183 : i1 to i32
    %cond3A_185 = arith.constant 0 : i32
    %cond3A_186 = arith.cmpi ne, %convert_element_type3A_184, %cond3A_185 : i32
    scf.if %cond3A_186 {
      %dma_start3A = arith.constant 0 : i32
      %dma_start3A_192 = tpu.memref_slice %arg4[%add3A_153, %dma_start3A] : memref<8191x1024xf32, #tpu.memory_space<hbm>> -> memref<32x1024xf32, #tpu.memory_space<hbm>>
      %dma_start3A_193 = arith.constant 0 : i32
      %dma_start3A_194 = tpu.memref_slice %arg4[%add3A_153, %dma_start3A_193] : memref<8191x1024xf32, #tpu.memory_space<hbm>> -> memref<32x1024xf32, #tpu.memory_space<hbm>>
      tpu.enqueue_dma source(%arg7 : memref<32x1024xf32, #tpu.memory_space<vmem>>) target(%dma_start3A_194 : memref<32x1024xf32, #tpu.memory_space<hbm>>) target_semaphore(%arg10 : memref<!tpu.dma_semaphore, #tpu.memory_space<semaphore_mem>>)
      %add3A_195 = arith.constant 32 : i32
      %add3A_196 = arith.addi %add3A_153, %add3A_195 : i32
      %dma_start3A_197 = arith.constant 0 : i32
      %dma_start3A_198 = arith.constant 0 : i32
      %dma_start3A_199 = tpu.memref_slice %arg7[%dma_start3A_197, %dma_start3A_198] : memref<32x1024xf32, #tpu.memory_space<vmem>> -> memref<16x1024xf32, #tpu.memory_space<vmem>>
      %dma_start3A_200 = arith.constant 0 : i32
      %dma_start3A_201 = tpu.memref_slice %arg4[%add3A_196, %dma_start3A_200] : memref<8191x1024xf32, #tpu.memory_space<hbm>> -> memref<16x1024xf32, #tpu.memory_space<hbm>>
      %dma_start3A_202 = arith.constant 0 : i32
      %dma_start3A_203 = tpu.memref_slice %arg4[%add3A_196, %dma_start3A_202] : memref<8191x1024xf32, #tpu.memory_space<hbm>> -> memref<16x1024xf32, #tpu.memory_space<hbm>>
      %dma_start3A_204 = arith.constant 0 : i32
      %dma_start3A_205 = arith.constant 0 : i32
      %dma_start3A_206 = tpu.memref_slice %arg7[%dma_start3A_204, %dma_start3A_205] : memref<32x1024xf32, #tpu.memory_space<vmem>> -> memref<16x1024xf32, #tpu.memory_space<vmem>>
      tpu.enqueue_dma source(%dma_start3A_206 : memref<16x1024xf32, #tpu.memory_space<vmem>>) target(%dma_start3A_203 : memref<16x1024xf32, #tpu.memory_space<hbm>>) target_semaphore(%arg10 : memref<!tpu.dma_semaphore, #tpu.memory_space<semaphore_mem>>)
      %add3A_207 = arith.constant 48 : i32
      %add3A_208 = arith.addi %add3A_153, %add3A_207 : i32
      %dma_start3A_209 = arith.constant 0 : i32
      %dma_start3A_210 = arith.constant 0 : i32
      %dma_start3A_211 = tpu.memref_slice %arg7[%dma_start3A_209, %dma_start3A_210] : memref<32x1024xf32, #tpu.memory_space<vmem>> -> memref<8x1024xf32, #tpu.memory_space<vmem>>
      %dma_start3A_212 = arith.constant 0 : i32
      %dma_start3A_213 = tpu.memref_slice %arg4[%add3A_208, %dma_start3A_212] : memref<8191x1024xf32, #tpu.memory_space<hbm>> -> memref<8x1024xf32, #tpu.memory_space<hbm>>
      %dma_start3A_214 = arith.constant 0 : i32
      %dma_start3A_215 = tpu.memref_slice %arg4[%add3A_208, %dma_start3A_214] : memref<8191x1024xf32, #tpu.memory_space<hbm>> -> memref<8x1024xf32, #tpu.memory_space<hbm>>
      %dma_start3A_216 = arith.constant 0 : i32
      %dma_start3A_217 = arith.constant 0 : i32
      %dma_start3A_218 = tpu.memref_slice %arg7[%dma_start3A_216, %dma_start3A_217] : memref<32x1024xf32, #tpu.memory_space<vmem>> -> memref<8x1024xf32, #tpu.memory_space<vmem>>
      tpu.enqueue_dma source(%dma_start3A_218 : memref<8x1024xf32, #tpu.memory_space<vmem>>) target(%dma_start3A_215 : memref<8x1024xf32, #tpu.memory_space<hbm>>) target_semaphore(%arg10 : memref<!tpu.dma_semaphore, #tpu.memory_space<semaphore_mem>>)
      %iota3A = tpu.iota {dimensions = array<i32: 0>} : vector<16xi32>
      %add3A_219 = arith.constant 8176 : i32
      %add3A_220 = vector.broadcast %add3A_219 : i32 to vector<16xi32>
      %add3A_221 = arith.addi %iota3A, %add3A_220 : vector<16xi32>
      %min3A_222 = arith.constant 8190 : i32
      %min3A_223 = vector.broadcast %min3A_222 : i32 to vector<16xi32>
      %min3A_224 = arith.minsi %add3A_221, %min3A_223 : vector<16xi32>
      %swap3A = arith.constant 0 : index
      %swap3A_225 = tpu.vector_load %arg6[%swap3A] {strides = array<i32>} : memref<16xi32, #tpu.memory_space<vmem>>, vector<16xi32>,
      %swap3A_226 = vector.shape_cast %swap3A_225 : vector<16xi32> to vector<16xi32>
      %swap3A_227 = vector.shape_cast %min3A_224 : vector<16xi32> to vector<16xi32>
      tpu.vector_store %arg6[%swap3A], %swap3A_227 {strides = array<i32>} : memref<16xi32, #tpu.memory_space<vmem>>, vector<16xi32>,
      %dma_start3A_228 = arith.constant 0 : i32
      %dma_start3A_229 = arith.constant 0 : i32
      %dma_start3A_230 = tpu.memref_slice %arg7[%dma_start3A_228, %dma_start3A_229] : memref<32x1024xf32, #tpu.memory_space<vmem>> -> memref<16x1024xf32, #tpu.memory_space<vmem>>
      %dma_start3A_231 = arith.constant 0 : i32
      %dma_start3A_232 = arith.constant 0 : i32
      %dma_start3A_233 = tpu.memref_slice %arg4[%dma_start3A_231, %dma_start3A_232] : memref<8191x1024xf32, #tpu.memory_space<hbm>> -> memref<8191x1024xf32, #tpu.memory_space<hbm>>
      tpu.enqueue_indirect_dma source(%dma_start3A_230 : memref<16x1024xf32, #tpu.memory_space<vmem>>) target(%dma_start3A_233 : memref<8191x1024xf32, #tpu.memory_space<hbm>>) offsets(%arg6 : memref<16xi32, #tpu.memory_space<vmem>>) semaphore(%arg10 : memref<!tpu.dma_semaphore, #tpu.memory_space<semaphore_mem>>)
      %dma_wait3A = arith.constant 0 : i32
      %dma_wait3A_234 = tpu.memref_slice %arg4[%add3A_153, %dma_wait3A] : memref<8191x1024xf32, #tpu.memory_space<hbm>> -> memref<32x1024xf32, #tpu.memory_space<hbm>>
      %dma_wait3A_235 = arith.constant 0 : i32
      %dma_wait3A_236 = tpu.memref_slice %arg4[%add3A_153, %dma_wait3A_235] : memref<8191x1024xf32, #tpu.memory_space<hbm>> -> memref<32x1024xf32, #tpu.memory_space<hbm>>
      tpu.wait_dma2 semaphore(%arg10 : memref<!tpu.dma_semaphore, #tpu.memory_space<semaphore_mem>>) src(%arg7 : memref<32x1024xf32, #tpu.memory_space<vmem>>) dst(%dma_wait3A_236 : memref<32x1024xf32, #tpu.memory_space<hbm>>)
      %dma_wait3A_237 = arith.constant 0 : i32
      %dma_wait3A_238 = arith.constant 0 : i32
      %dma_wait3A_239 = tpu.memref_slice %arg7[%dma_wait3A_237, %dma_wait3A_238] : memref<32x1024xf32, #tpu.memory_space<vmem>> -> memref<16x1024xf32, #tpu.memory_space<vmem>>
      %dma_wait3A_240 = arith.constant 0 : i32
      %dma_wait3A_241 = tpu.memref_slice %arg4[%add3A_196, %dma_wait3A_240] : memref<8191x1024xf32, #tpu.memory_space<hbm>> -> memref<16x1024xf32, #tpu.memory_space<hbm>>
      %dma_wait3A_242 = arith.constant 0 : i32
      %dma_wait3A_243 = tpu.memref_slice %arg4[%add3A_196, %dma_wait3A_242] : memref<8191x1024xf32, #tpu.memory_space<hbm>> -> memref<16x1024xf32, #tpu.memory_space<hbm>>
      %dma_wait3A_244 = arith.constant 0 : i32
      %dma_wait3A_245 = arith.constant 0 : i32
      %dma_wait3A_246 = tpu.memref_slice %arg7[%dma_wait3A_244, %dma_wait3A_245] : memref<32x1024xf32, #tpu.memory_space<vmem>> -> memref<16x1024xf32, #tpu.memory_space<vmem>>
      tpu.wait_dma2 semaphore(%arg10 : memref<!tpu.dma_semaphore, #tpu.memory_space<semaphore_mem>>) src(%dma_wait3A_246 : memref<16x1024xf32, #tpu.memory_space<vmem>>) dst(%dma_wait3A_243 : memref<16x1024xf32, #tpu.memory_space<hbm>>)
      %dma_wait3A_247 = arith.constant 0 : i32
      %dma_wait3A_248 = arith.constant 0 : i32
      %dma_wait3A_249 = tpu.memref_slice %arg7[%dma_wait3A_247, %dma_wait3A_248] : memref<32x1024xf32, #tpu.memory_space<vmem>> -> memref<8x1024xf32, #tpu.memory_space<vmem>>
      %dma_wait3A_250 = arith.constant 0 : i32
      %dma_wait3A_251 = tpu.memref_slice %arg4[%add3A_208, %dma_wait3A_250] : memref<8191x1024xf32, #tpu.memory_space<hbm>> -> memref<8x1024xf32, #tpu.memory_space<hbm>>
      %dma_wait3A_252 = arith.constant 0 : i32
      %dma_wait3A_253 = tpu.memref_slice %arg4[%add3A_208, %dma_wait3A_252] : memref<8191x1024xf32, #tpu.memory_space<hbm>> -> memref<8x1024xf32, #tpu.memory_space<hbm>>
      %dma_wait3A_254 = arith.constant 0 : i32
      %dma_wait3A_255 = arith.constant 0 : i32
      %dma_wait3A_256 = tpu.memref_slice %arg7[%dma_wait3A_254, %dma_wait3A_255] : memref<32x1024xf32, #tpu.memory_space<vmem>> -> memref<8x1024xf32, #tpu.memory_space<vmem>>
      tpu.wait_dma2 semaphore(%arg10 : memref<!tpu.dma_semaphore, #tpu.memory_space<semaphore_mem>>) src(%dma_wait3A_256 : memref<8x1024xf32, #tpu.memory_space<vmem>>) dst(%dma_wait3A_253 : memref<8x1024xf32, #tpu.memory_space<hbm>>)
      %dma_wait3A_257 = arith.constant 0 : i32
      %dma_wait3A_258 = arith.constant 0 : i32
      %dma_wait3A_259 = tpu.memref_slice %arg7[%dma_wait3A_257, %dma_wait3A_258] : memref<32x1024xf32, #tpu.memory_space<vmem>> -> memref<16x1024xf32, #tpu.memory_space<vmem>>
      %dma_wait3A_260 = arith.constant 0 : i32
      %dma_wait3A_261 = arith.constant 0 : i32
      %dma_wait3A_262 = tpu.memref_slice %arg4[%dma_wait3A_260, %dma_wait3A_261] : memref<8191x1024xf32, #tpu.memory_space<hbm>> -> memref<8191x1024xf32, #tpu.memory_space<hbm>>
      tpu.wait_indirect_dma semaphore(%arg10 : memref<!tpu.dma_semaphore, #tpu.memory_space<semaphore_mem>>) src(%dma_wait3A_259 : memref<16x1024xf32, #tpu.memory_space<vmem>>) dst(%dma_wait3A_262 : memref<8191x1024xf32, #tpu.memory_space<hbm>>)
    } else {
    }
    %not3A_187 = arith.constant true
    %not3A_188 = arith.xori %eq3A_174, %not3A_187 : i1
    %convert_element_type3A_189 = arith.extui %not3A_188 : i1 to i32
    %cond3A_190 = arith.constant 0 : i32
    %cond3A_191 = arith.cmpi ne, %convert_element_type3A_189, %cond3A_190 : i32
    scf.if %cond3A_191 {
      %iota3A = tpu.iota {dimensions = array<i32: 0>} : vector<16xi32>
      %add3A_192 = arith.constant 0 : i32
      %add3A_193 = arith.addi %add3A_153, %add3A_192 : i32
      %add3A_194 = vector.broadcast %add3A_193 : i32 to vector<16xi32>
      %add3A_195 = arith.addi %iota3A, %add3A_194 : vector<16xi32>
      %sub3A_196 = arith.constant 4095 : i32
      %sub3A_197 = vector.broadcast %sub3A_196 : i32 to vector<16xi32>
      %sub3A_198 = arith.subi %add3A_195, %sub3A_197 : vector<16xi32>
      %jit3A_199 = arith.constant -128 : i32
      %jit3A_200 = arith.constant 128 : i32
      %max3A_201 = vector.broadcast %jit3A_199 : i32 to vector<16xi32>
      %max3A_202 = arith.maxsi %max3A_201, %sub3A_198 : vector<16xi32>
      %min3A_203 = vector.broadcast %jit3A_200 : i32 to vector<16xi32>
      %min3A_204 = arith.minsi %min3A_203, %max3A_202 : vector<16xi32>
      %add3A_205 = arith.constant 128 : i32
      %add3A_206 = vector.broadcast %add3A_205 : i32 to vector<16xi32>
      %add3A_207 = arith.addi %min3A_204, %add3A_206 : vector<16xi32>
      %swap3A = arith.constant 0 : index
      %swap3A_208 = tpu.vector_load %arg5[%swap3A] {strides = array<i32>} : memref<64xi32, #tpu.memory_space<vmem>>, vector<16xi32>,
      %swap3A_209 = vector.shape_cast %swap3A_208 : vector<16xi32> to vector<16xi32>
      %swap3A_210 = vector.shape_cast %add3A_207 : vector<16xi32> to vector<16xi32>
      tpu.vector_store %arg5[%swap3A], %swap3A_210 {strides = array<i32>} : memref<64xi32, #tpu.memory_space<vmem>>, vector<16xi32>,
      %iota3A_211 = tpu.iota {dimensions = array<i32: 0>} : vector<16xi32>
      %add3A_212 = arith.constant 16 : i32
      %add3A_213 = arith.addi %add3A_153, %add3A_212 : i32
      %add3A_214 = vector.broadcast %add3A_213 : i32 to vector<16xi32>
      %add3A_215 = arith.addi %iota3A_211, %add3A_214 : vector<16xi32>
      %sub3A_216 = arith.constant 4095 : i32
      %sub3A_217 = vector.broadcast %sub3A_216 : i32 to vector<16xi32>
      %sub3A_218 = arith.subi %add3A_215, %sub3A_217 : vector<16xi32>
      %jit3A_219 = arith.constant -128 : i32
      %jit3A_220 = arith.constant 128 : i32
      %max3A_221 = vector.broadcast %jit3A_219 : i32 to vector<16xi32>
      %max3A_222 = arith.maxsi %max3A_221, %sub3A_218 : vector<16xi32>
      %min3A_223 = vector.broadcast %jit3A_220 : i32 to vector<16xi32>
      %min3A_224 = arith.minsi %min3A_223, %max3A_222 : vector<16xi32>
      %add3A_225 = arith.constant 128 : i32
      %add3A_226 = vector.broadcast %add3A_225 : i32 to vector<16xi32>
      %add3A_227 = arith.addi %min3A_224, %add3A_226 : vector<16xi32>
      %swap3A_228 = arith.constant 16 : index
      %swap3A_229 = tpu.vector_load %arg5[%swap3A_228] {strides = array<i32>} : memref<64xi32, #tpu.memory_space<vmem>>, vector<16xi32>,
      %swap3A_230 = vector.shape_cast %swap3A_229 : vector<16xi32> to vector<16xi32>
      %swap3A_231 = vector.shape_cast %add3A_227 : vector<16xi32> to vector<16xi32>
      tpu.vector_store %arg5[%swap3A_228], %swap3A_231 {strides = array<i32>} : memref<64xi32, #tpu.memory_space<vmem>>, vector<16xi32>,
      %iota3A_232 = tpu.iota {dimensions = array<i32: 0>} : vector<16xi32>
      %add3A_233 = arith.constant 32 : i32
      %add3A_234 = arith.addi %add3A_153, %add3A_233 : i32
      %add3A_235 = vector.broadcast %add3A_234 : i32 to vector<16xi32>
      %add3A_236 = arith.addi %iota3A_232, %add3A_235 : vector<16xi32>
      %sub3A_237 = arith.constant 4095 : i32
      %sub3A_238 = vector.broadcast %sub3A_237 : i32 to vector<16xi32>
      %sub3A_239 = arith.subi %add3A_236, %sub3A_238 : vector<16xi32>
      %jit3A_240 = arith.constant -128 : i32
      %jit3A_241 = arith.constant 128 : i32
      %max3A_242 = vector.broadcast %jit3A_240 : i32 to vector<16xi32>
      %max3A_243 = arith.maxsi %max3A_242, %sub3A_239 : vector<16xi32>
      %min3A_244 = vector.broadcast %jit3A_241 : i32 to vector<16xi32>
      %min3A_245 = arith.minsi %min3A_244, %max3A_243 : vector<16xi32>
      %add3A_246 = arith.constant 128 : i32
      %add3A_247 = vector.broadcast %add3A_246 : i32 to vector<16xi32>
      %add3A_248 = arith.addi %min3A_245, %add3A_247 : vector<16xi32>
      %swap3A_249 = arith.constant 32 : index
      %swap3A_250 = tpu.vector_load %arg5[%swap3A_249] {strides = array<i32>} : memref<64xi32, #tpu.memory_space<vmem>>, vector<16xi32>,
      %swap3A_251 = vector.shape_cast %swap3A_250 : vector<16xi32> to vector<16xi32>
      %swap3A_252 = vector.shape_cast %add3A_248 : vector<16xi32> to vector<16xi32>
      tpu.vector_store %arg5[%swap3A_249], %swap3A_252 {strides = array<i32>} : memref<64xi32, #tpu.memory_space<vmem>>, vector<16xi32>,
      %iota3A_253 = tpu.iota {dimensions = array<i32: 0>} : vector<16xi32>
      %add3A_254 = arith.constant 48 : i32
      %add3A_255 = arith.addi %add3A_153, %add3A_254 : i32
      %add3A_256 = vector.broadcast %add3A_255 : i32 to vector<16xi32>
      %add3A_257 = arith.addi %iota3A_253, %add3A_256 : vector<16xi32>
      %sub3A_258 = arith.constant 4095 : i32
      %sub3A_259 = vector.broadcast %sub3A_258 : i32 to vector<16xi32>
      %sub3A_260 = arith.subi %add3A_257, %sub3A_259 : vector<16xi32>
      %jit3A_261 = arith.constant -128 : i32
      %jit3A_262 = arith.constant 128 : i32
      %max3A_263 = vector.broadcast %jit3A_261 : i32 to vector<16xi32>
      %max3A_264 = arith.maxsi %max3A_263, %sub3A_260 : vector<16xi32>
      %min3A_265 = vector.broadcast %jit3A_262 : i32 to vector<16xi32>
      %min3A_266 = arith.minsi %min3A_265, %max3A_264 : vector<16xi32>
      %add3A_267 = arith.constant 128 : i32
      %add3A_268 = vector.broadcast %add3A_267 : i32 to vector<16xi32>
      %add3A_269 = arith.addi %min3A_266, %add3A_268 : vector<16xi32>
      %swap3A_270 = arith.constant 48 : index
      %swap3A_271 = tpu.vector_load %arg5[%swap3A_270] {strides = array<i32>} : memref<64xi32, #tpu.memory_space<vmem>>, vector<16xi32>,
      %swap3A_272 = vector.shape_cast %swap3A_271 : vector<16xi32> to vector<16xi32>
      %swap3A_273 = vector.shape_cast %add3A_269 : vector<16xi32> to vector<16xi32>
      tpu.vector_store %arg5[%swap3A_270], %swap3A_273 {strides = array<i32>} : memref<64xi32, #tpu.memory_space<vmem>>, vector<16xi32>,
      %dma_start3A = arith.constant 0 : i32
      %dma_start3A_274 = arith.constant 0 : i32
      %dma_start3A_275 = tpu.memref_slice %arg3[%dma_start3A, %dma_start3A_274] : memref<257x1024xf32, #tpu.memory_space<hbm>> -> memref<257x1024xf32, #tpu.memory_space<hbm>>
      tpu.enqueue_indirect_dma source(%dma_start3A_275 : memref<257x1024xf32, #tpu.memory_space<hbm>>) target(%arg8 : memref<64x1024xf32, #tpu.memory_space<vmem>>) offsets(%arg5 : memref<64xi32, #tpu.memory_space<vmem>>) semaphore(%arg9 : memref<!tpu.dma_semaphore, #tpu.memory_space<semaphore_mem>>)
      %dma_wait3A = arith.constant 0 : i32
      %dma_wait3A_276 = arith.constant 0 : i32
      %dma_wait3A_277 = tpu.memref_slice %arg3[%dma_wait3A, %dma_wait3A_276] : memref<257x1024xf32, #tpu.memory_space<hbm>> -> memref<257x1024xf32, #tpu.memory_space<hbm>>
      tpu.wait_indirect_dma semaphore(%arg9 : memref<!tpu.dma_semaphore, #tpu.memory_space<semaphore_mem>>) src(%dma_wait3A_277 : memref<257x1024xf32, #tpu.memory_space<hbm>>) dst(%arg8 : memref<64x1024xf32, #tpu.memory_space<vmem>>)
      "tpu.region"() ({
        %run_scoped3A = tpu.sem_alloc : memref<!tpu.dma_semaphore, #tpu.memory_space<semaphore_mem>>
        %dma_start3A_278 = arith.constant 0 : i32
        %dma_start3A_279 = tpu.memref_slice %arg4[%add3A_153, %dma_start3A_278] : memref<8191x1024xf32, #tpu.memory_space<hbm>> -> memref<64x1024xf32, #tpu.memory_space<hbm>>
        %dma_start3A_280 = arith.constant 0 : i32
        %dma_start3A_281 = tpu.memref_slice %arg4[%add3A_153, %dma_start3A_280] : memref<8191x1024xf32, #tpu.memory_space<hbm>> -> memref<64x1024xf32, #tpu.memory_space<hbm>>
        tpu.enqueue_dma source(%arg8 : memref<64x1024xf32, #tpu.memory_space<vmem>>) target(%dma_start3A_281 : memref<64x1024xf32, #tpu.memory_space<hbm>>) target_semaphore(%run_scoped3A : memref<!tpu.dma_semaphore, #tpu.memory_space<semaphore_mem>>)
        %dma_wait3A_282 = arith.constant 0 : i32
        %dma_wait3A_283 = tpu.memref_slice %arg4[%add3A_153, %dma_wait3A_282] : memref<8191x1024xf32, #tpu.memory_space<hbm>> -> memref<64x1024xf32, #tpu.memory_space<hbm>>
        %dma_wait3A_284 = arith.constant 0 : i32
        %dma_wait3A_285 = tpu.memref_slice %arg4[%add3A_153, %dma_wait3A_284] : memref<8191x1024xf32, #tpu.memory_space<hbm>> -> memref<64x1024xf32, #tpu.memory_space<hbm>>
        tpu.wait_dma2 semaphore(%run_scoped3A : memref<!tpu.dma_semaphore, #tpu.memory_space<semaphore_mem>>) src(%arg8 : memref<64x1024xf32, #tpu.memory_space<vmem>>) dst(%dma_wait3A_285 : memref<64x1024xf32, #tpu.memory_space<hbm>>)
        tpu.yield
      }) : () -> ()
    } else {
    }
    return
  }
}

module attributes {stable_mosaic.version = 14 : i64} {
  func.func @copy_body(%arg0: memref<16384x1024xf32, #tpu.memory_space<hbm>>, %arg1: memref<16384x1024xf32, #tpu.memory_space<hbm>>, %arg2: memref<4x2048x1024xf32, #tpu.memory_space<vmem>>, %arg3: memref<4x!tpu.dma_semaphore, #tpu.memory_space<semaphore_mem>>, %arg4: memref<4x!tpu.dma_semaphore, #tpu.memory_space<semaphore_mem>>) attributes {dimension_semantics = [], scalar_prefetch = 0 : i64, scratch_operands = 3 : i64, tpu.core_type = #tpu.core_type<tc>} {
    %dma_start3A = arith.constant 0 : i32
    %dma_start3A_0 = arith.constant 0 : i32
    %dma_start3A_1 = tpu.memref_slice %arg3[%dma_start3A_0] : memref<4x!tpu.dma_semaphore, #tpu.memory_space<semaphore_mem>> -> memref<1x!tpu.dma_semaphore, #tpu.memory_space<semaphore_mem>>
    %dma_start3A_2 = tpu.memref_squeeze %dma_start3A_1 : memref<1x!tpu.dma_semaphore, #tpu.memory_space<semaphore_mem>> -> memref<!tpu.dma_semaphore, #tpu.memory_space<semaphore_mem>>
    %dma_start3A_3 = arith.constant 0 : i32
    %dma_start3A_4 = arith.constant 0 : i32
    %dma_start3A_5 = tpu.memref_slice %arg2[%dma_start3A, %dma_start3A_3, %dma_start3A_4] : memref<4x2048x1024xf32, #tpu.memory_space<vmem>> -> memref<1x2048x1024xf32, #tpu.memory_space<vmem>>
    %dma_start3A_6 = tpu.memref_squeeze %dma_start3A_5 : memref<1x2048x1024xf32, #tpu.memory_space<vmem>> -> memref<2048x1024xf32, #tpu.memory_space<vmem>>
    %dma_start3A_7 = arith.constant 0 : i32
    %dma_start3A_8 = arith.constant 0 : i32
    %dma_start3A_9 = tpu.memref_slice %arg0[%dma_start3A_7, %dma_start3A_8] : memref<16384x1024xf32, #tpu.memory_space<hbm>> -> memref<2048x1024xf32, #tpu.memory_space<hbm>>
    tpu.enqueue_dma source(%dma_start3A_9 : memref<2048x1024xf32, #tpu.memory_space<hbm>>) target(%dma_start3A_6 : memref<2048x1024xf32, #tpu.memory_space<vmem>>) target_semaphore(%dma_start3A_2 : memref<!tpu.dma_semaphore, #tpu.memory_space<semaphore_mem>>)
    %dma_start3A_10 = arith.constant 1 : i32
    %dma_start3A_11 = arith.constant 1 : i32
    %dma_start3A_12 = tpu.memref_slice %arg3[%dma_start3A_11] : memref<4x!tpu.dma_semaphore, #tpu.memory_space<semaphore_mem>> -> memref<1x!tpu.dma_semaphore, #tpu.memory_space<semaphore_mem>>
    %dma_start3A_13 = tpu.memref_squeeze %dma_start3A_12 : memref<1x!tpu.dma_semaphore, #tpu.memory_space<semaphore_mem>> -> memref<!tpu.dma_semaphore, #tpu.memory_space<semaphore_mem>>
    %dma_start3A_14 = arith.constant 0 : i32
    %dma_start3A_15 = arith.constant 0 : i32
    %dma_start3A_16 = tpu.memref_slice %arg2[%dma_start3A_10, %dma_start3A_14, %dma_start3A_15] : memref<4x2048x1024xf32, #tpu.memory_space<vmem>> -> memref<1x2048x1024xf32, #tpu.memory_space<vmem>>
    %dma_start3A_17 = tpu.memref_squeeze %dma_start3A_16 : memref<1x2048x1024xf32, #tpu.memory_space<vmem>> -> memref<2048x1024xf32, #tpu.memory_space<vmem>>
    %dma_start3A_18 = arith.constant 2048 : i32
    %dma_start3A_19 = arith.constant 0 : i32
    %dma_start3A_20 = tpu.memref_slice %arg0[%dma_start3A_18, %dma_start3A_19] : memref<16384x1024xf32, #tpu.memory_space<hbm>> -> memref<2048x1024xf32, #tpu.memory_space<hbm>>
    tpu.enqueue_dma source(%dma_start3A_20 : memref<2048x1024xf32, #tpu.memory_space<hbm>>) target(%dma_start3A_17 : memref<2048x1024xf32, #tpu.memory_space<vmem>>) target_semaphore(%dma_start3A_13 : memref<!tpu.dma_semaphore, #tpu.memory_space<semaphore_mem>>)
    %dma_start3A_21 = arith.constant 2 : i32
    %dma_start3A_22 = arith.constant 2 : i32
    %dma_start3A_23 = tpu.memref_slice %arg3[%dma_start3A_22] : memref<4x!tpu.dma_semaphore, #tpu.memory_space<semaphore_mem>> -> memref<1x!tpu.dma_semaphore, #tpu.memory_space<semaphore_mem>>
    %dma_start3A_24 = tpu.memref_squeeze %dma_start3A_23 : memref<1x!tpu.dma_semaphore, #tpu.memory_space<semaphore_mem>> -> memref<!tpu.dma_semaphore, #tpu.memory_space<semaphore_mem>>
    %dma_start3A_25 = arith.constant 0 : i32
    %dma_start3A_26 = arith.constant 0 : i32
    %dma_start3A_27 = tpu.memref_slice %arg2[%dma_start3A_21, %dma_start3A_25, %dma_start3A_26] : memref<4x2048x1024xf32, #tpu.memory_space<vmem>> -> memref<1x2048x1024xf32, #tpu.memory_space<vmem>>
    %dma_start3A_28 = tpu.memref_squeeze %dma_start3A_27 : memref<1x2048x1024xf32, #tpu.memory_space<vmem>> -> memref<2048x1024xf32, #tpu.memory_space<vmem>>
    %dma_start3A_29 = arith.constant 4096 : i32
    %dma_start3A_30 = arith.constant 0 : i32
    %dma_start3A_31 = tpu.memref_slice %arg0[%dma_start3A_29, %dma_start3A_30] : memref<16384x1024xf32, #tpu.memory_space<hbm>> -> memref<2048x1024xf32, #tpu.memory_space<hbm>>
    tpu.enqueue_dma source(%dma_start3A_31 : memref<2048x1024xf32, #tpu.memory_space<hbm>>) target(%dma_start3A_28 : memref<2048x1024xf32, #tpu.memory_space<vmem>>) target_semaphore(%dma_start3A_24 : memref<!tpu.dma_semaphore, #tpu.memory_space<semaphore_mem>>)
    %dma_start3A_32 = arith.constant 3 : i32
    %dma_start3A_33 = arith.constant 3 : i32
    %dma_start3A_34 = tpu.memref_slice %arg3[%dma_start3A_33] : memref<4x!tpu.dma_semaphore, #tpu.memory_space<semaphore_mem>> -> memref<1x!tpu.dma_semaphore, #tpu.memory_space<semaphore_mem>>
    %dma_start3A_35 = tpu.memref_squeeze %dma_start3A_34 : memref<1x!tpu.dma_semaphore, #tpu.memory_space<semaphore_mem>> -> memref<!tpu.dma_semaphore, #tpu.memory_space<semaphore_mem>>
    %dma_start3A_36 = arith.constant 0 : i32
    %dma_start3A_37 = arith.constant 0 : i32
    %dma_start3A_38 = tpu.memref_slice %arg2[%dma_start3A_32, %dma_start3A_36, %dma_start3A_37] : memref<4x2048x1024xf32, #tpu.memory_space<vmem>> -> memref<1x2048x1024xf32, #tpu.memory_space<vmem>>
    %dma_start3A_39 = tpu.memref_squeeze %dma_start3A_38 : memref<1x2048x1024xf32, #tpu.memory_space<vmem>> -> memref<2048x1024xf32, #tpu.memory_space<vmem>>
    %dma_start3A_40 = arith.constant 6144 : i32
    %dma_start3A_41 = arith.constant 0 : i32
    %dma_start3A_42 = tpu.memref_slice %arg0[%dma_start3A_40, %dma_start3A_41] : memref<16384x1024xf32, #tpu.memory_space<hbm>> -> memref<2048x1024xf32, #tpu.memory_space<hbm>>
    tpu.enqueue_dma source(%dma_start3A_42 : memref<2048x1024xf32, #tpu.memory_space<hbm>>) target(%dma_start3A_39 : memref<2048x1024xf32, #tpu.memory_space<vmem>>) target_semaphore(%dma_start3A_35 : memref<!tpu.dma_semaphore, #tpu.memory_space<semaphore_mem>>)
    %dma_wait3A = arith.constant 0 : i32
    %dma_wait3A_43 = arith.constant 0 : i32
    %dma_wait3A_44 = tpu.memref_slice %arg3[%dma_wait3A_43] : memref<4x!tpu.dma_semaphore, #tpu.memory_space<semaphore_mem>> -> memref<1x!tpu.dma_semaphore, #tpu.memory_space<semaphore_mem>>
    %dma_wait3A_45 = tpu.memref_squeeze %dma_wait3A_44 : memref<1x!tpu.dma_semaphore, #tpu.memory_space<semaphore_mem>> -> memref<!tpu.dma_semaphore, #tpu.memory_space<semaphore_mem>>
    %dma_wait3A_46 = arith.constant 0 : i32
    %dma_wait3A_47 = arith.constant 0 : i32
    %dma_wait3A_48 = tpu.memref_slice %arg2[%dma_wait3A, %dma_wait3A_46, %dma_wait3A_47] : memref<4x2048x1024xf32, #tpu.memory_space<vmem>> -> memref<1x2048x1024xf32, #tpu.memory_space<vmem>>
    %dma_wait3A_49 = tpu.memref_squeeze %dma_wait3A_48 : memref<1x2048x1024xf32, #tpu.memory_space<vmem>> -> memref<2048x1024xf32, #tpu.memory_space<vmem>>
    %dma_wait3A_50 = arith.constant 0 : i32
    %dma_wait3A_51 = arith.constant 0 : i32
    %dma_wait3A_52 = tpu.memref_slice %arg0[%dma_wait3A_50, %dma_wait3A_51] : memref<16384x1024xf32, #tpu.memory_space<hbm>> -> memref<2048x1024xf32, #tpu.memory_space<hbm>>
    tpu.wait_dma2 semaphore(%dma_wait3A_45 : memref<!tpu.dma_semaphore, #tpu.memory_space<semaphore_mem>>) src(%dma_wait3A_52 : memref<2048x1024xf32, #tpu.memory_space<hbm>>) dst(%dma_wait3A_49 : memref<2048x1024xf32, #tpu.memory_space<vmem>>)
    %dma_start3A_53 = arith.constant 0 : i32
    %dma_start3A_54 = arith.constant 0 : i32
    %dma_start3A_55 = tpu.memref_slice %arg4[%dma_start3A_54] : memref<4x!tpu.dma_semaphore, #tpu.memory_space<semaphore_mem>> -> memref<1x!tpu.dma_semaphore, #tpu.memory_space<semaphore_mem>>
    %dma_start3A_56 = tpu.memref_squeeze %dma_start3A_55 : memref<1x!tpu.dma_semaphore, #tpu.memory_space<semaphore_mem>> -> memref<!tpu.dma_semaphore, #tpu.memory_space<semaphore_mem>>
    %dma_start3A_57 = arith.constant 0 : i32
    %dma_start3A_58 = arith.constant 0 : i32
    %dma_start3A_59 = tpu.memref_slice %arg1[%dma_start3A_57, %dma_start3A_58] : memref<16384x1024xf32, #tpu.memory_space<hbm>> -> memref<2048x1024xf32, #tpu.memory_space<hbm>>
    %dma_start3A_60 = arith.constant 0 : i32
    %dma_start3A_61 = arith.constant 0 : i32
    %dma_start3A_62 = tpu.memref_slice %arg2[%dma_start3A_53, %dma_start3A_60, %dma_start3A_61] : memref<4x2048x1024xf32, #tpu.memory_space<vmem>> -> memref<1x2048x1024xf32, #tpu.memory_space<vmem>>
    %dma_start3A_63 = tpu.memref_squeeze %dma_start3A_62 : memref<1x2048x1024xf32, #tpu.memory_space<vmem>> -> memref<2048x1024xf32, #tpu.memory_space<vmem>>
    tpu.enqueue_dma source(%dma_start3A_63 : memref<2048x1024xf32, #tpu.memory_space<vmem>>) target(%dma_start3A_59 : memref<2048x1024xf32, #tpu.memory_space<hbm>>) target_semaphore(%dma_start3A_56 : memref<!tpu.dma_semaphore, #tpu.memory_space<semaphore_mem>>)
    %dma_wait3A_64 = arith.constant 0 : i32
    %dma_wait3A_65 = arith.constant 0 : i32
    %dma_wait3A_66 = tpu.memref_slice %arg4[%dma_wait3A_65] : memref<4x!tpu.dma_semaphore, #tpu.memory_space<semaphore_mem>> -> memref<1x!tpu.dma_semaphore, #tpu.memory_space<semaphore_mem>>
    %dma_wait3A_67 = tpu.memref_squeeze %dma_wait3A_66 : memref<1x!tpu.dma_semaphore, #tpu.memory_space<semaphore_mem>> -> memref<!tpu.dma_semaphore, #tpu.memory_space<semaphore_mem>>
    %dma_wait3A_68 = arith.constant 0 : i32
    %dma_wait3A_69 = arith.constant 0 : i32
    %dma_wait3A_70 = tpu.memref_slice %arg1[%dma_wait3A_68, %dma_wait3A_69] : memref<16384x1024xf32, #tpu.memory_space<hbm>> -> memref<2048x1024xf32, #tpu.memory_space<hbm>>
    %dma_wait3A_71 = arith.constant 0 : i32
    %dma_wait3A_72 = arith.constant 0 : i32
    %dma_wait3A_73 = tpu.memref_slice %arg2[%dma_wait3A_64, %dma_wait3A_71, %dma_wait3A_72] : memref<4x2048x1024xf32, #tpu.memory_space<vmem>> -> memref<1x2048x1024xf32, #tpu.memory_space<vmem>>
    %dma_wait3A_74 = tpu.memref_squeeze %dma_wait3A_73 : memref<1x2048x1024xf32, #tpu.memory_space<vmem>> -> memref<2048x1024xf32, #tpu.memory_space<vmem>>
    tpu.wait_dma2 semaphore(%dma_wait3A_67 : memref<!tpu.dma_semaphore, #tpu.memory_space<semaphore_mem>>) src(%dma_wait3A_74 : memref<2048x1024xf32, #tpu.memory_space<vmem>>) dst(%dma_wait3A_70 : memref<2048x1024xf32, #tpu.memory_space<hbm>>)
    %dma_start3A_75 = arith.constant 0 : i32
    %dma_start3A_76 = arith.constant 0 : i32
    %dma_start3A_77 = tpu.memref_slice %arg3[%dma_start3A_76] : memref<4x!tpu.dma_semaphore, #tpu.memory_space<semaphore_mem>> -> memref<1x!tpu.dma_semaphore, #tpu.memory_space<semaphore_mem>>
    %dma_start3A_78 = tpu.memref_squeeze %dma_start3A_77 : memref<1x!tpu.dma_semaphore, #tpu.memory_space<semaphore_mem>> -> memref<!tpu.dma_semaphore, #tpu.memory_space<semaphore_mem>>
    %dma_start3A_79 = arith.constant 0 : i32
    %dma_start3A_80 = arith.constant 0 : i32
    %dma_start3A_81 = tpu.memref_slice %arg2[%dma_start3A_75, %dma_start3A_79, %dma_start3A_80] : memref<4x2048x1024xf32, #tpu.memory_space<vmem>> -> memref<1x2048x1024xf32, #tpu.memory_space<vmem>>
    %dma_start3A_82 = tpu.memref_squeeze %dma_start3A_81 : memref<1x2048x1024xf32, #tpu.memory_space<vmem>> -> memref<2048x1024xf32, #tpu.memory_space<vmem>>
    %dma_start3A_83 = arith.constant 8192 : i32
    %dma_start3A_84 = arith.constant 0 : i32
    %dma_start3A_85 = tpu.memref_slice %arg0[%dma_start3A_83, %dma_start3A_84] : memref<16384x1024xf32, #tpu.memory_space<hbm>> -> memref<2048x1024xf32, #tpu.memory_space<hbm>>
    tpu.enqueue_dma source(%dma_start3A_85 : memref<2048x1024xf32, #tpu.memory_space<hbm>>) target(%dma_start3A_82 : memref<2048x1024xf32, #tpu.memory_space<vmem>>) target_semaphore(%dma_start3A_78 : memref<!tpu.dma_semaphore, #tpu.memory_space<semaphore_mem>>)
    %dma_wait3A_86 = arith.constant 1 : i32
    %dma_wait3A_87 = arith.constant 1 : i32
    %dma_wait3A_88 = tpu.memref_slice %arg3[%dma_wait3A_87] : memref<4x!tpu.dma_semaphore, #tpu.memory_space<semaphore_mem>> -> memref<1x!tpu.dma_semaphore, #tpu.memory_space<semaphore_mem>>
    %dma_wait3A_89 = tpu.memref_squeeze %dma_wait3A_88 : memref<1x!tpu.dma_semaphore, #tpu.memory_space<semaphore_mem>> -> memref<!tpu.dma_semaphore, #tpu.memory_space<semaphore_mem>>
    %dma_wait3A_90 = arith.constant 0 : i32
    %dma_wait3A_91 = arith.constant 0 : i32
    %dma_wait3A_92 = tpu.memref_slice %arg2[%dma_wait3A_86, %dma_wait3A_90, %dma_wait3A_91] : memref<4x2048x1024xf32, #tpu.memory_space<vmem>> -> memref<1x2048x1024xf32, #tpu.memory_space<vmem>>
    %dma_wait3A_93 = tpu.memref_squeeze %dma_wait3A_92 : memref<1x2048x1024xf32, #tpu.memory_space<vmem>> -> memref<2048x1024xf32, #tpu.memory_space<vmem>>
    %dma_wait3A_94 = arith.constant 2048 : i32
    %dma_wait3A_95 = arith.constant 0 : i32
    %dma_wait3A_96 = tpu.memref_slice %arg0[%dma_wait3A_94, %dma_wait3A_95] : memref<16384x1024xf32, #tpu.memory_space<hbm>> -> memref<2048x1024xf32, #tpu.memory_space<hbm>>
    tpu.wait_dma2 semaphore(%dma_wait3A_89 : memref<!tpu.dma_semaphore, #tpu.memory_space<semaphore_mem>>) src(%dma_wait3A_96 : memref<2048x1024xf32, #tpu.memory_space<hbm>>) dst(%dma_wait3A_93 : memref<2048x1024xf32, #tpu.memory_space<vmem>>)
    %dma_start3A_97 = arith.constant 1 : i32
    %dma_start3A_98 = arith.constant 1 : i32
    %dma_start3A_99 = tpu.memref_slice %arg4[%dma_start3A_98] : memref<4x!tpu.dma_semaphore, #tpu.memory_space<semaphore_mem>> -> memref<1x!tpu.dma_semaphore, #tpu.memory_space<semaphore_mem>>
    %dma_start3A_100 = tpu.memref_squeeze %dma_start3A_99 : memref<1x!tpu.dma_semaphore, #tpu.memory_space<semaphore_mem>> -> memref<!tpu.dma_semaphore, #tpu.memory_space<semaphore_mem>>
    %dma_start3A_101 = arith.constant 2048 : i32
    %dma_start3A_102 = arith.constant 0 : i32
    %dma_start3A_103 = tpu.memref_slice %arg1[%dma_start3A_101, %dma_start3A_102] : memref<16384x1024xf32, #tpu.memory_space<hbm>> -> memref<2048x1024xf32, #tpu.memory_space<hbm>>
    %dma_start3A_104 = arith.constant 0 : i32
    %dma_start3A_105 = arith.constant 0 : i32
    %dma_start3A_106 = tpu.memref_slice %arg2[%dma_start3A_97, %dma_start3A_104, %dma_start3A_105] : memref<4x2048x1024xf32, #tpu.memory_space<vmem>> -> memref<1x2048x1024xf32, #tpu.memory_space<vmem>>
    %dma_start3A_107 = tpu.memref_squeeze %dma_start3A_106 : memref<1x2048x1024xf32, #tpu.memory_space<vmem>> -> memref<2048x1024xf32, #tpu.memory_space<vmem>>
    tpu.enqueue_dma source(%dma_start3A_107 : memref<2048x1024xf32, #tpu.memory_space<vmem>>) target(%dma_start3A_103 : memref<2048x1024xf32, #tpu.memory_space<hbm>>) target_semaphore(%dma_start3A_100 : memref<!tpu.dma_semaphore, #tpu.memory_space<semaphore_mem>>)
    %dma_wait3A_108 = arith.constant 1 : i32
    %dma_wait3A_109 = arith.constant 1 : i32
    %dma_wait3A_110 = tpu.memref_slice %arg4[%dma_wait3A_109] : memref<4x!tpu.dma_semaphore, #tpu.memory_space<semaphore_mem>> -> memref<1x!tpu.dma_semaphore, #tpu.memory_space<semaphore_mem>>
    %dma_wait3A_111 = tpu.memref_squeeze %dma_wait3A_110 : memref<1x!tpu.dma_semaphore, #tpu.memory_space<semaphore_mem>> -> memref<!tpu.dma_semaphore, #tpu.memory_space<semaphore_mem>>
    %dma_wait3A_112 = arith.constant 2048 : i32
    %dma_wait3A_113 = arith.constant 0 : i32
    %dma_wait3A_114 = tpu.memref_slice %arg1[%dma_wait3A_112, %dma_wait3A_113] : memref<16384x1024xf32, #tpu.memory_space<hbm>> -> memref<2048x1024xf32, #tpu.memory_space<hbm>>
    %dma_wait3A_115 = arith.constant 0 : i32
    %dma_wait3A_116 = arith.constant 0 : i32
    %dma_wait3A_117 = tpu.memref_slice %arg2[%dma_wait3A_108, %dma_wait3A_115, %dma_wait3A_116] : memref<4x2048x1024xf32, #tpu.memory_space<vmem>> -> memref<1x2048x1024xf32, #tpu.memory_space<vmem>>
    %dma_wait3A_118 = tpu.memref_squeeze %dma_wait3A_117 : memref<1x2048x1024xf32, #tpu.memory_space<vmem>> -> memref<2048x1024xf32, #tpu.memory_space<vmem>>
    tpu.wait_dma2 semaphore(%dma_wait3A_111 : memref<!tpu.dma_semaphore, #tpu.memory_space<semaphore_mem>>) src(%dma_wait3A_118 : memref<2048x1024xf32, #tpu.memory_space<vmem>>) dst(%dma_wait3A_114 : memref<2048x1024xf32, #tpu.memory_space<hbm>>)
    %dma_start3A_119 = arith.constant 1 : i32
    %dma_start3A_120 = arith.constant 1 : i32
    %dma_start3A_121 = tpu.memref_slice %arg3[%dma_start3A_120] : memref<4x!tpu.dma_semaphore, #tpu.memory_space<semaphore_mem>> -> memref<1x!tpu.dma_semaphore, #tpu.memory_space<semaphore_mem>>
    %dma_start3A_122 = tpu.memref_squeeze %dma_start3A_121 : memref<1x!tpu.dma_semaphore, #tpu.memory_space<semaphore_mem>> -> memref<!tpu.dma_semaphore, #tpu.memory_space<semaphore_mem>>
    %dma_start3A_123 = arith.constant 0 : i32
    %dma_start3A_124 = arith.constant 0 : i32
    %dma_start3A_125 = tpu.memref_slice %arg2[%dma_start3A_119, %dma_start3A_123, %dma_start3A_124] : memref<4x2048x1024xf32, #tpu.memory_space<vmem>> -> memref<1x2048x1024xf32, #tpu.memory_space<vmem>>
    %dma_start3A_126 = tpu.memref_squeeze %dma_start3A_125 : memref<1x2048x1024xf32, #tpu.memory_space<vmem>> -> memref<2048x1024xf32, #tpu.memory_space<vmem>>
    %dma_start3A_127 = arith.constant 10240 : i32
    %dma_start3A_128 = arith.constant 0 : i32
    %dma_start3A_129 = tpu.memref_slice %arg0[%dma_start3A_127, %dma_start3A_128] : memref<16384x1024xf32, #tpu.memory_space<hbm>> -> memref<2048x1024xf32, #tpu.memory_space<hbm>>
    tpu.enqueue_dma source(%dma_start3A_129 : memref<2048x1024xf32, #tpu.memory_space<hbm>>) target(%dma_start3A_126 : memref<2048x1024xf32, #tpu.memory_space<vmem>>) target_semaphore(%dma_start3A_122 : memref<!tpu.dma_semaphore, #tpu.memory_space<semaphore_mem>>)
    %dma_wait3A_130 = arith.constant 2 : i32
    %dma_wait3A_131 = arith.constant 2 : i32
    %dma_wait3A_132 = tpu.memref_slice %arg3[%dma_wait3A_131] : memref<4x!tpu.dma_semaphore, #tpu.memory_space<semaphore_mem>> -> memref<1x!tpu.dma_semaphore, #tpu.memory_space<semaphore_mem>>
    %dma_wait3A_133 = tpu.memref_squeeze %dma_wait3A_132 : memref<1x!tpu.dma_semaphore, #tpu.memory_space<semaphore_mem>> -> memref<!tpu.dma_semaphore, #tpu.memory_space<semaphore_mem>>
    %dma_wait3A_134 = arith.constant 0 : i32
    %dma_wait3A_135 = arith.constant 0 : i32
    %dma_wait3A_136 = tpu.memref_slice %arg2[%dma_wait3A_130, %dma_wait3A_134, %dma_wait3A_135] : memref<4x2048x1024xf32, #tpu.memory_space<vmem>> -> memref<1x2048x1024xf32, #tpu.memory_space<vmem>>
    %dma_wait3A_137 = tpu.memref_squeeze %dma_wait3A_136 : memref<1x2048x1024xf32, #tpu.memory_space<vmem>> -> memref<2048x1024xf32, #tpu.memory_space<vmem>>
    %dma_wait3A_138 = arith.constant 4096 : i32
    %dma_wait3A_139 = arith.constant 0 : i32
    %dma_wait3A_140 = tpu.memref_slice %arg0[%dma_wait3A_138, %dma_wait3A_139] : memref<16384x1024xf32, #tpu.memory_space<hbm>> -> memref<2048x1024xf32, #tpu.memory_space<hbm>>
    tpu.wait_dma2 semaphore(%dma_wait3A_133 : memref<!tpu.dma_semaphore, #tpu.memory_space<semaphore_mem>>) src(%dma_wait3A_140 : memref<2048x1024xf32, #tpu.memory_space<hbm>>) dst(%dma_wait3A_137 : memref<2048x1024xf32, #tpu.memory_space<vmem>>)
    %dma_start3A_141 = arith.constant 2 : i32
    %dma_start3A_142 = arith.constant 2 : i32
    %dma_start3A_143 = tpu.memref_slice %arg4[%dma_start3A_142] : memref<4x!tpu.dma_semaphore, #tpu.memory_space<semaphore_mem>> -> memref<1x!tpu.dma_semaphore, #tpu.memory_space<semaphore_mem>>
    %dma_start3A_144 = tpu.memref_squeeze %dma_start3A_143 : memref<1x!tpu.dma_semaphore, #tpu.memory_space<semaphore_mem>> -> memref<!tpu.dma_semaphore, #tpu.memory_space<semaphore_mem>>
    %dma_start3A_145 = arith.constant 4096 : i32
    %dma_start3A_146 = arith.constant 0 : i32
    %dma_start3A_147 = tpu.memref_slice %arg1[%dma_start3A_145, %dma_start3A_146] : memref<16384x1024xf32, #tpu.memory_space<hbm>> -> memref<2048x1024xf32, #tpu.memory_space<hbm>>
    %dma_start3A_148 = arith.constant 0 : i32
    %dma_start3A_149 = arith.constant 0 : i32
    %dma_start3A_150 = tpu.memref_slice %arg2[%dma_start3A_141, %dma_start3A_148, %dma_start3A_149] : memref<4x2048x1024xf32, #tpu.memory_space<vmem>> -> memref<1x2048x1024xf32, #tpu.memory_space<vmem>>
    %dma_start3A_151 = tpu.memref_squeeze %dma_start3A_150 : memref<1x2048x1024xf32, #tpu.memory_space<vmem>> -> memref<2048x1024xf32, #tpu.memory_space<vmem>>
    tpu.enqueue_dma source(%dma_start3A_151 : memref<2048x1024xf32, #tpu.memory_space<vmem>>) target(%dma_start3A_147 : memref<2048x1024xf32, #tpu.memory_space<hbm>>) target_semaphore(%dma_start3A_144 : memref<!tpu.dma_semaphore, #tpu.memory_space<semaphore_mem>>)
    %dma_wait3A_152 = arith.constant 2 : i32
    %dma_wait3A_153 = arith.constant 2 : i32
    %dma_wait3A_154 = tpu.memref_slice %arg4[%dma_wait3A_153] : memref<4x!tpu.dma_semaphore, #tpu.memory_space<semaphore_mem>> -> memref<1x!tpu.dma_semaphore, #tpu.memory_space<semaphore_mem>>
    %dma_wait3A_155 = tpu.memref_squeeze %dma_wait3A_154 : memref<1x!tpu.dma_semaphore, #tpu.memory_space<semaphore_mem>> -> memref<!tpu.dma_semaphore, #tpu.memory_space<semaphore_mem>>
    %dma_wait3A_156 = arith.constant 4096 : i32
    %dma_wait3A_157 = arith.constant 0 : i32
    %dma_wait3A_158 = tpu.memref_slice %arg1[%dma_wait3A_156, %dma_wait3A_157] : memref<16384x1024xf32, #tpu.memory_space<hbm>> -> memref<2048x1024xf32, #tpu.memory_space<hbm>>
    %dma_wait3A_159 = arith.constant 0 : i32
    %dma_wait3A_160 = arith.constant 0 : i32
    %dma_wait3A_161 = tpu.memref_slice %arg2[%dma_wait3A_152, %dma_wait3A_159, %dma_wait3A_160] : memref<4x2048x1024xf32, #tpu.memory_space<vmem>> -> memref<1x2048x1024xf32, #tpu.memory_space<vmem>>
    %dma_wait3A_162 = tpu.memref_squeeze %dma_wait3A_161 : memref<1x2048x1024xf32, #tpu.memory_space<vmem>> -> memref<2048x1024xf32, #tpu.memory_space<vmem>>
    tpu.wait_dma2 semaphore(%dma_wait3A_155 : memref<!tpu.dma_semaphore, #tpu.memory_space<semaphore_mem>>) src(%dma_wait3A_162 : memref<2048x1024xf32, #tpu.memory_space<vmem>>) dst(%dma_wait3A_158 : memref<2048x1024xf32, #tpu.memory_space<hbm>>)
    %dma_start3A_163 = arith.constant 2 : i32
    %dma_start3A_164 = arith.constant 2 : i32
    %dma_start3A_165 = tpu.memref_slice %arg3[%dma_start3A_164] : memref<4x!tpu.dma_semaphore, #tpu.memory_space<semaphore_mem>> -> memref<1x!tpu.dma_semaphore, #tpu.memory_space<semaphore_mem>>
    %dma_start3A_166 = tpu.memref_squeeze %dma_start3A_165 : memref<1x!tpu.dma_semaphore, #tpu.memory_space<semaphore_mem>> -> memref<!tpu.dma_semaphore, #tpu.memory_space<semaphore_mem>>
    %dma_start3A_167 = arith.constant 0 : i32
    %dma_start3A_168 = arith.constant 0 : i32
    %dma_start3A_169 = tpu.memref_slice %arg2[%dma_start3A_163, %dma_start3A_167, %dma_start3A_168] : memref<4x2048x1024xf32, #tpu.memory_space<vmem>> -> memref<1x2048x1024xf32, #tpu.memory_space<vmem>>
    %dma_start3A_170 = tpu.memref_squeeze %dma_start3A_169 : memref<1x2048x1024xf32, #tpu.memory_space<vmem>> -> memref<2048x1024xf32, #tpu.memory_space<vmem>>
    %dma_start3A_171 = arith.constant 12288 : i32
    %dma_start3A_172 = arith.constant 0 : i32
    %dma_start3A_173 = tpu.memref_slice %arg0[%dma_start3A_171, %dma_start3A_172] : memref<16384x1024xf32, #tpu.memory_space<hbm>> -> memref<2048x1024xf32, #tpu.memory_space<hbm>>
    tpu.enqueue_dma source(%dma_start3A_173 : memref<2048x1024xf32, #tpu.memory_space<hbm>>) target(%dma_start3A_170 : memref<2048x1024xf32, #tpu.memory_space<vmem>>) target_semaphore(%dma_start3A_166 : memref<!tpu.dma_semaphore, #tpu.memory_space<semaphore_mem>>)
    %dma_wait3A_174 = arith.constant 3 : i32
    %dma_wait3A_175 = arith.constant 3 : i32
    %dma_wait3A_176 = tpu.memref_slice %arg3[%dma_wait3A_175] : memref<4x!tpu.dma_semaphore, #tpu.memory_space<semaphore_mem>> -> memref<1x!tpu.dma_semaphore, #tpu.memory_space<semaphore_mem>>
    %dma_wait3A_177 = tpu.memref_squeeze %dma_wait3A_176 : memref<1x!tpu.dma_semaphore, #tpu.memory_space<semaphore_mem>> -> memref<!tpu.dma_semaphore, #tpu.memory_space<semaphore_mem>>
    %dma_wait3A_178 = arith.constant 0 : i32
    %dma_wait3A_179 = arith.constant 0 : i32
    %dma_wait3A_180 = tpu.memref_slice %arg2[%dma_wait3A_174, %dma_wait3A_178, %dma_wait3A_179] : memref<4x2048x1024xf32, #tpu.memory_space<vmem>> -> memref<1x2048x1024xf32, #tpu.memory_space<vmem>>
    %dma_wait3A_181 = tpu.memref_squeeze %dma_wait3A_180 : memref<1x2048x1024xf32, #tpu.memory_space<vmem>> -> memref<2048x1024xf32, #tpu.memory_space<vmem>>
    %dma_wait3A_182 = arith.constant 6144 : i32
    %dma_wait3A_183 = arith.constant 0 : i32
    %dma_wait3A_184 = tpu.memref_slice %arg0[%dma_wait3A_182, %dma_wait3A_183] : memref<16384x1024xf32, #tpu.memory_space<hbm>> -> memref<2048x1024xf32, #tpu.memory_space<hbm>>
    tpu.wait_dma2 semaphore(%dma_wait3A_177 : memref<!tpu.dma_semaphore, #tpu.memory_space<semaphore_mem>>) src(%dma_wait3A_184 : memref<2048x1024xf32, #tpu.memory_space<hbm>>) dst(%dma_wait3A_181 : memref<2048x1024xf32, #tpu.memory_space<vmem>>)
    %dma_start3A_185 = arith.constant 3 : i32
    %dma_start3A_186 = arith.constant 3 : i32
    %dma_start3A_187 = tpu.memref_slice %arg4[%dma_start3A_186] : memref<4x!tpu.dma_semaphore, #tpu.memory_space<semaphore_mem>> -> memref<1x!tpu.dma_semaphore, #tpu.memory_space<semaphore_mem>>
    %dma_start3A_188 = tpu.memref_squeeze %dma_start3A_187 : memref<1x!tpu.dma_semaphore, #tpu.memory_space<semaphore_mem>> -> memref<!tpu.dma_semaphore, #tpu.memory_space<semaphore_mem>>
    %dma_start3A_189 = arith.constant 6144 : i32
    %dma_start3A_190 = arith.constant 0 : i32
    %dma_start3A_191 = tpu.memref_slice %arg1[%dma_start3A_189, %dma_start3A_190] : memref<16384x1024xf32, #tpu.memory_space<hbm>> -> memref<2048x1024xf32, #tpu.memory_space<hbm>>
    %dma_start3A_192 = arith.constant 0 : i32
    %dma_start3A_193 = arith.constant 0 : i32
    %dma_start3A_194 = tpu.memref_slice %arg2[%dma_start3A_185, %dma_start3A_192, %dma_start3A_193] : memref<4x2048x1024xf32, #tpu.memory_space<vmem>> -> memref<1x2048x1024xf32, #tpu.memory_space<vmem>>
    %dma_start3A_195 = tpu.memref_squeeze %dma_start3A_194 : memref<1x2048x1024xf32, #tpu.memory_space<vmem>> -> memref<2048x1024xf32, #tpu.memory_space<vmem>>
    tpu.enqueue_dma source(%dma_start3A_195 : memref<2048x1024xf32, #tpu.memory_space<vmem>>) target(%dma_start3A_191 : memref<2048x1024xf32, #tpu.memory_space<hbm>>) target_semaphore(%dma_start3A_188 : memref<!tpu.dma_semaphore, #tpu.memory_space<semaphore_mem>>)
    %dma_wait3A_196 = arith.constant 3 : i32
    %dma_wait3A_197 = arith.constant 3 : i32
    %dma_wait3A_198 = tpu.memref_slice %arg4[%dma_wait3A_197] : memref<4x!tpu.dma_semaphore, #tpu.memory_space<semaphore_mem>> -> memref<1x!tpu.dma_semaphore, #tpu.memory_space<semaphore_mem>>
    %dma_wait3A_199 = tpu.memref_squeeze %dma_wait3A_198 : memref<1x!tpu.dma_semaphore, #tpu.memory_space<semaphore_mem>> -> memref<!tpu.dma_semaphore, #tpu.memory_space<semaphore_mem>>
    %dma_wait3A_200 = arith.constant 6144 : i32
    %dma_wait3A_201 = arith.constant 0 : i32
    %dma_wait3A_202 = tpu.memref_slice %arg1[%dma_wait3A_200, %dma_wait3A_201] : memref<16384x1024xf32, #tpu.memory_space<hbm>> -> memref<2048x1024xf32, #tpu.memory_space<hbm>>
    %dma_wait3A_203 = arith.constant 0 : i32
    %dma_wait3A_204 = arith.constant 0 : i32
    %dma_wait3A_205 = tpu.memref_slice %arg2[%dma_wait3A_196, %dma_wait3A_203, %dma_wait3A_204] : memref<4x2048x1024xf32, #tpu.memory_space<vmem>> -> memref<1x2048x1024xf32, #tpu.memory_space<vmem>>
    %dma_wait3A_206 = tpu.memref_squeeze %dma_wait3A_205 : memref<1x2048x1024xf32, #tpu.memory_space<vmem>> -> memref<2048x1024xf32, #tpu.memory_space<vmem>>
    tpu.wait_dma2 semaphore(%dma_wait3A_199 : memref<!tpu.dma_semaphore, #tpu.memory_space<semaphore_mem>>) src(%dma_wait3A_206 : memref<2048x1024xf32, #tpu.memory_space<vmem>>) dst(%dma_wait3A_202 : memref<2048x1024xf32, #tpu.memory_space<hbm>>)
    %dma_start3A_207 = arith.constant 3 : i32
    %dma_start3A_208 = arith.constant 3 : i32
    %dma_start3A_209 = tpu.memref_slice %arg3[%dma_start3A_208] : memref<4x!tpu.dma_semaphore, #tpu.memory_space<semaphore_mem>> -> memref<1x!tpu.dma_semaphore, #tpu.memory_space<semaphore_mem>>
    %dma_start3A_210 = tpu.memref_squeeze %dma_start3A_209 : memref<1x!tpu.dma_semaphore, #tpu.memory_space<semaphore_mem>> -> memref<!tpu.dma_semaphore, #tpu.memory_space<semaphore_mem>>
    %dma_start3A_211 = arith.constant 0 : i32
    %dma_start3A_212 = arith.constant 0 : i32
    %dma_start3A_213 = tpu.memref_slice %arg2[%dma_start3A_207, %dma_start3A_211, %dma_start3A_212] : memref<4x2048x1024xf32, #tpu.memory_space<vmem>> -> memref<1x2048x1024xf32, #tpu.memory_space<vmem>>
    %dma_start3A_214 = tpu.memref_squeeze %dma_start3A_213 : memref<1x2048x1024xf32, #tpu.memory_space<vmem>> -> memref<2048x1024xf32, #tpu.memory_space<vmem>>
    %dma_start3A_215 = arith.constant 14336 : i32
    %dma_start3A_216 = arith.constant 0 : i32
    %dma_start3A_217 = tpu.memref_slice %arg0[%dma_start3A_215, %dma_start3A_216] : memref<16384x1024xf32, #tpu.memory_space<hbm>> -> memref<2048x1024xf32, #tpu.memory_space<hbm>>
    tpu.enqueue_dma source(%dma_start3A_217 : memref<2048x1024xf32, #tpu.memory_space<hbm>>) target(%dma_start3A_214 : memref<2048x1024xf32, #tpu.memory_space<vmem>>) target_semaphore(%dma_start3A_210 : memref<!tpu.dma_semaphore, #tpu.memory_space<semaphore_mem>>)
    %dma_wait3A_218 = arith.constant 0 : i32
    %dma_wait3A_219 = arith.constant 0 : i32
    %dma_wait3A_220 = tpu.memref_slice %arg3[%dma_wait3A_219] : memref<4x!tpu.dma_semaphore, #tpu.memory_space<semaphore_mem>> -> memref<1x!tpu.dma_semaphore, #tpu.memory_space<semaphore_mem>>
    %dma_wait3A_221 = tpu.memref_squeeze %dma_wait3A_220 : memref<1x!tpu.dma_semaphore, #tpu.memory_space<semaphore_mem>> -> memref<!tpu.dma_semaphore, #tpu.memory_space<semaphore_mem>>
    %dma_wait3A_222 = arith.constant 0 : i32
    %dma_wait3A_223 = arith.constant 0 : i32
    %dma_wait3A_224 = tpu.memref_slice %arg2[%dma_wait3A_218, %dma_wait3A_222, %dma_wait3A_223] : memref<4x2048x1024xf32, #tpu.memory_space<vmem>> -> memref<1x2048x1024xf32, #tpu.memory_space<vmem>>
    %dma_wait3A_225 = tpu.memref_squeeze %dma_wait3A_224 : memref<1x2048x1024xf32, #tpu.memory_space<vmem>> -> memref<2048x1024xf32, #tpu.memory_space<vmem>>
    %dma_wait3A_226 = arith.constant 8192 : i32
    %dma_wait3A_227 = arith.constant 0 : i32
    %dma_wait3A_228 = tpu.memref_slice %arg0[%dma_wait3A_226, %dma_wait3A_227] : memref<16384x1024xf32, #tpu.memory_space<hbm>> -> memref<2048x1024xf32, #tpu.memory_space<hbm>>
    tpu.wait_dma2 semaphore(%dma_wait3A_221 : memref<!tpu.dma_semaphore, #tpu.memory_space<semaphore_mem>>) src(%dma_wait3A_228 : memref<2048x1024xf32, #tpu.memory_space<hbm>>) dst(%dma_wait3A_225 : memref<2048x1024xf32, #tpu.memory_space<vmem>>)
    %dma_start3A_229 = arith.constant 0 : i32
    %dma_start3A_230 = arith.constant 0 : i32
    %dma_start3A_231 = tpu.memref_slice %arg4[%dma_start3A_230] : memref<4x!tpu.dma_semaphore, #tpu.memory_space<semaphore_mem>> -> memref<1x!tpu.dma_semaphore, #tpu.memory_space<semaphore_mem>>
    %dma_start3A_232 = tpu.memref_squeeze %dma_start3A_231 : memref<1x!tpu.dma_semaphore, #tpu.memory_space<semaphore_mem>> -> memref<!tpu.dma_semaphore, #tpu.memory_space<semaphore_mem>>
    %dma_start3A_233 = arith.constant 8192 : i32
    %dma_start3A_234 = arith.constant 0 : i32
    %dma_start3A_235 = tpu.memref_slice %arg1[%dma_start3A_233, %dma_start3A_234] : memref<16384x1024xf32, #tpu.memory_space<hbm>> -> memref<2048x1024xf32, #tpu.memory_space<hbm>>
    %dma_start3A_236 = arith.constant 0 : i32
    %dma_start3A_237 = arith.constant 0 : i32
    %dma_start3A_238 = tpu.memref_slice %arg2[%dma_start3A_229, %dma_start3A_236, %dma_start3A_237] : memref<4x2048x1024xf32, #tpu.memory_space<vmem>> -> memref<1x2048x1024xf32, #tpu.memory_space<vmem>>
    %dma_start3A_239 = tpu.memref_squeeze %dma_start3A_238 : memref<1x2048x1024xf32, #tpu.memory_space<vmem>> -> memref<2048x1024xf32, #tpu.memory_space<vmem>>
    tpu.enqueue_dma source(%dma_start3A_239 : memref<2048x1024xf32, #tpu.memory_space<vmem>>) target(%dma_start3A_235 : memref<2048x1024xf32, #tpu.memory_space<hbm>>) target_semaphore(%dma_start3A_232 : memref<!tpu.dma_semaphore, #tpu.memory_space<semaphore_mem>>)
    %dma_wait3A_240 = arith.constant 1 : i32
    %dma_wait3A_241 = arith.constant 1 : i32
    %dma_wait3A_242 = tpu.memref_slice %arg3[%dma_wait3A_241] : memref<4x!tpu.dma_semaphore, #tpu.memory_space<semaphore_mem>> -> memref<1x!tpu.dma_semaphore, #tpu.memory_space<semaphore_mem>>
    %dma_wait3A_243 = tpu.memref_squeeze %dma_wait3A_242 : memref<1x!tpu.dma_semaphore, #tpu.memory_space<semaphore_mem>> -> memref<!tpu.dma_semaphore, #tpu.memory_space<semaphore_mem>>
    %dma_wait3A_244 = arith.constant 0 : i32
    %dma_wait3A_245 = arith.constant 0 : i32
    %dma_wait3A_246 = tpu.memref_slice %arg2[%dma_wait3A_240, %dma_wait3A_244, %dma_wait3A_245] : memref<4x2048x1024xf32, #tpu.memory_space<vmem>> -> memref<1x2048x1024xf32, #tpu.memory_space<vmem>>
    %dma_wait3A_247 = tpu.memref_squeeze %dma_wait3A_246 : memref<1x2048x1024xf32, #tpu.memory_space<vmem>> -> memref<2048x1024xf32, #tpu.memory_space<vmem>>
    %dma_wait3A_248 = arith.constant 10240 : i32
    %dma_wait3A_249 = arith.constant 0 : i32
    %dma_wait3A_250 = tpu.memref_slice %arg0[%dma_wait3A_248, %dma_wait3A_249] : memref<16384x1024xf32, #tpu.memory_space<hbm>> -> memref<2048x1024xf32, #tpu.memory_space<hbm>>
    tpu.wait_dma2 semaphore(%dma_wait3A_243 : memref<!tpu.dma_semaphore, #tpu.memory_space<semaphore_mem>>) src(%dma_wait3A_250 : memref<2048x1024xf32, #tpu.memory_space<hbm>>) dst(%dma_wait3A_247 : memref<2048x1024xf32, #tpu.memory_space<vmem>>)
    %dma_start3A_251 = arith.constant 1 : i32
    %dma_start3A_252 = arith.constant 1 : i32
    %dma_start3A_253 = tpu.memref_slice %arg4[%dma_start3A_252] : memref<4x!tpu.dma_semaphore, #tpu.memory_space<semaphore_mem>> -> memref<1x!tpu.dma_semaphore, #tpu.memory_space<semaphore_mem>>
    %dma_start3A_254 = tpu.memref_squeeze %dma_start3A_253 : memref<1x!tpu.dma_semaphore, #tpu.memory_space<semaphore_mem>> -> memref<!tpu.dma_semaphore, #tpu.memory_space<semaphore_mem>>
    %dma_start3A_255 = arith.constant 10240 : i32
    %dma_start3A_256 = arith.constant 0 : i32
    %dma_start3A_257 = tpu.memref_slice %arg1[%dma_start3A_255, %dma_start3A_256] : memref<16384x1024xf32, #tpu.memory_space<hbm>> -> memref<2048x1024xf32, #tpu.memory_space<hbm>>
    %dma_start3A_258 = arith.constant 0 : i32
    %dma_start3A_259 = arith.constant 0 : i32
    %dma_start3A_260 = tpu.memref_slice %arg2[%dma_start3A_251, %dma_start3A_258, %dma_start3A_259] : memref<4x2048x1024xf32, #tpu.memory_space<vmem>> -> memref<1x2048x1024xf32, #tpu.memory_space<vmem>>
    %dma_start3A_261 = tpu.memref_squeeze %dma_start3A_260 : memref<1x2048x1024xf32, #tpu.memory_space<vmem>> -> memref<2048x1024xf32, #tpu.memory_space<vmem>>
    tpu.enqueue_dma source(%dma_start3A_261 : memref<2048x1024xf32, #tpu.memory_space<vmem>>) target(%dma_start3A_257 : memref<2048x1024xf32, #tpu.memory_space<hbm>>) target_semaphore(%dma_start3A_254 : memref<!tpu.dma_semaphore, #tpu.memory_space<semaphore_mem>>)
    %dma_wait3A_262 = arith.constant 2 : i32
    %dma_wait3A_263 = arith.constant 2 : i32
    %dma_wait3A_264 = tpu.memref_slice %arg3[%dma_wait3A_263] : memref<4x!tpu.dma_semaphore, #tpu.memory_space<semaphore_mem>> -> memref<1x!tpu.dma_semaphore, #tpu.memory_space<semaphore_mem>>
    %dma_wait3A_265 = tpu.memref_squeeze %dma_wait3A_264 : memref<1x!tpu.dma_semaphore, #tpu.memory_space<semaphore_mem>> -> memref<!tpu.dma_semaphore, #tpu.memory_space<semaphore_mem>>
    %dma_wait3A_266 = arith.constant 0 : i32
    %dma_wait3A_267 = arith.constant 0 : i32
    %dma_wait3A_268 = tpu.memref_slice %arg2[%dma_wait3A_262, %dma_wait3A_266, %dma_wait3A_267] : memref<4x2048x1024xf32, #tpu.memory_space<vmem>> -> memref<1x2048x1024xf32, #tpu.memory_space<vmem>>
    %dma_wait3A_269 = tpu.memref_squeeze %dma_wait3A_268 : memref<1x2048x1024xf32, #tpu.memory_space<vmem>> -> memref<2048x1024xf32, #tpu.memory_space<vmem>>
    %dma_wait3A_270 = arith.constant 12288 : i32
    %dma_wait3A_271 = arith.constant 0 : i32
    %dma_wait3A_272 = tpu.memref_slice %arg0[%dma_wait3A_270, %dma_wait3A_271] : memref<16384x1024xf32, #tpu.memory_space<hbm>> -> memref<2048x1024xf32, #tpu.memory_space<hbm>>
    tpu.wait_dma2 semaphore(%dma_wait3A_265 : memref<!tpu.dma_semaphore, #tpu.memory_space<semaphore_mem>>) src(%dma_wait3A_272 : memref<2048x1024xf32, #tpu.memory_space<hbm>>) dst(%dma_wait3A_269 : memref<2048x1024xf32, #tpu.memory_space<vmem>>)
    %dma_start3A_273 = arith.constant 2 : i32
    %dma_start3A_274 = arith.constant 2 : i32
    %dma_start3A_275 = tpu.memref_slice %arg4[%dma_start3A_274] : memref<4x!tpu.dma_semaphore, #tpu.memory_space<semaphore_mem>> -> memref<1x!tpu.dma_semaphore, #tpu.memory_space<semaphore_mem>>
    %dma_start3A_276 = tpu.memref_squeeze %dma_start3A_275 : memref<1x!tpu.dma_semaphore, #tpu.memory_space<semaphore_mem>> -> memref<!tpu.dma_semaphore, #tpu.memory_space<semaphore_mem>>
    %dma_start3A_277 = arith.constant 12288 : i32
    %dma_start3A_278 = arith.constant 0 : i32
    %dma_start3A_279 = tpu.memref_slice %arg1[%dma_start3A_277, %dma_start3A_278] : memref<16384x1024xf32, #tpu.memory_space<hbm>> -> memref<2048x1024xf32, #tpu.memory_space<hbm>>
    %dma_start3A_280 = arith.constant 0 : i32
    %dma_start3A_281 = arith.constant 0 : i32
    %dma_start3A_282 = tpu.memref_slice %arg2[%dma_start3A_273, %dma_start3A_280, %dma_start3A_281] : memref<4x2048x1024xf32, #tpu.memory_space<vmem>> -> memref<1x2048x1024xf32, #tpu.memory_space<vmem>>
    %dma_start3A_283 = tpu.memref_squeeze %dma_start3A_282 : memref<1x2048x1024xf32, #tpu.memory_space<vmem>> -> memref<2048x1024xf32, #tpu.memory_space<vmem>>
    tpu.enqueue_dma source(%dma_start3A_283 : memref<2048x1024xf32, #tpu.memory_space<vmem>>) target(%dma_start3A_279 : memref<2048x1024xf32, #tpu.memory_space<hbm>>) target_semaphore(%dma_start3A_276 : memref<!tpu.dma_semaphore, #tpu.memory_space<semaphore_mem>>)
    %dma_wait3A_284 = arith.constant 3 : i32
    %dma_wait3A_285 = arith.constant 3 : i32
    %dma_wait3A_286 = tpu.memref_slice %arg3[%dma_wait3A_285] : memref<4x!tpu.dma_semaphore, #tpu.memory_space<semaphore_mem>> -> memref<1x!tpu.dma_semaphore, #tpu.memory_space<semaphore_mem>>
    %dma_wait3A_287 = tpu.memref_squeeze %dma_wait3A_286 : memref<1x!tpu.dma_semaphore, #tpu.memory_space<semaphore_mem>> -> memref<!tpu.dma_semaphore, #tpu.memory_space<semaphore_mem>>
    %dma_wait3A_288 = arith.constant 0 : i32
    %dma_wait3A_289 = arith.constant 0 : i32
    %dma_wait3A_290 = tpu.memref_slice %arg2[%dma_wait3A_284, %dma_wait3A_288, %dma_wait3A_289] : memref<4x2048x1024xf32, #tpu.memory_space<vmem>> -> memref<1x2048x1024xf32, #tpu.memory_space<vmem>>
    %dma_wait3A_291 = tpu.memref_squeeze %dma_wait3A_290 : memref<1x2048x1024xf32, #tpu.memory_space<vmem>> -> memref<2048x1024xf32, #tpu.memory_space<vmem>>
    %dma_wait3A_292 = arith.constant 14336 : i32
    %dma_wait3A_293 = arith.constant 0 : i32
    %dma_wait3A_294 = tpu.memref_slice %arg0[%dma_wait3A_292, %dma_wait3A_293] : memref<16384x1024xf32, #tpu.memory_space<hbm>> -> memref<2048x1024xf32, #tpu.memory_space<hbm>>
    tpu.wait_dma2 semaphore(%dma_wait3A_287 : memref<!tpu.dma_semaphore, #tpu.memory_space<semaphore_mem>>) src(%dma_wait3A_294 : memref<2048x1024xf32, #tpu.memory_space<hbm>>) dst(%dma_wait3A_291 : memref<2048x1024xf32, #tpu.memory_space<vmem>>)
    %dma_start3A_295 = arith.constant 3 : i32
    %dma_start3A_296 = arith.constant 3 : i32
    %dma_start3A_297 = tpu.memref_slice %arg4[%dma_start3A_296] : memref<4x!tpu.dma_semaphore, #tpu.memory_space<semaphore_mem>> -> memref<1x!tpu.dma_semaphore, #tpu.memory_space<semaphore_mem>>
    %dma_start3A_298 = tpu.memref_squeeze %dma_start3A_297 : memref<1x!tpu.dma_semaphore, #tpu.memory_space<semaphore_mem>> -> memref<!tpu.dma_semaphore, #tpu.memory_space<semaphore_mem>>
    %dma_start3A_299 = arith.constant 14336 : i32
    %dma_start3A_300 = arith.constant 0 : i32
    %dma_start3A_301 = tpu.memref_slice %arg1[%dma_start3A_299, %dma_start3A_300] : memref<16384x1024xf32, #tpu.memory_space<hbm>> -> memref<2048x1024xf32, #tpu.memory_space<hbm>>
    %dma_start3A_302 = arith.constant 0 : i32
    %dma_start3A_303 = arith.constant 0 : i32
    %dma_start3A_304 = tpu.memref_slice %arg2[%dma_start3A_295, %dma_start3A_302, %dma_start3A_303] : memref<4x2048x1024xf32, #tpu.memory_space<vmem>> -> memref<1x2048x1024xf32, #tpu.memory_space<vmem>>
    %dma_start3A_305 = tpu.memref_squeeze %dma_start3A_304 : memref<1x2048x1024xf32, #tpu.memory_space<vmem>> -> memref<2048x1024xf32, #tpu.memory_space<vmem>>
    tpu.enqueue_dma source(%dma_start3A_305 : memref<2048x1024xf32, #tpu.memory_space<vmem>>) target(%dma_start3A_301 : memref<2048x1024xf32, #tpu.memory_space<hbm>>) target_semaphore(%dma_start3A_298 : memref<!tpu.dma_semaphore, #tpu.memory_space<semaphore_mem>>)
    %dma_wait3A_306 = arith.constant 0 : i32
    %dma_wait3A_307 = arith.constant 0 : i32
    %dma_wait3A_308 = tpu.memref_slice %arg4[%dma_wait3A_307] : memref<4x!tpu.dma_semaphore, #tpu.memory_space<semaphore_mem>> -> memref<1x!tpu.dma_semaphore, #tpu.memory_space<semaphore_mem>>
    %dma_wait3A_309 = tpu.memref_squeeze %dma_wait3A_308 : memref<1x!tpu.dma_semaphore, #tpu.memory_space<semaphore_mem>> -> memref<!tpu.dma_semaphore, #tpu.memory_space<semaphore_mem>>
    %dma_wait3A_310 = arith.constant 8192 : i32
    %dma_wait3A_311 = arith.constant 0 : i32
    %dma_wait3A_312 = tpu.memref_slice %arg1[%dma_wait3A_310, %dma_wait3A_311] : memref<16384x1024xf32, #tpu.memory_space<hbm>> -> memref<2048x1024xf32, #tpu.memory_space<hbm>>
    %dma_wait3A_313 = arith.constant 0 : i32
    %dma_wait3A_314 = arith.constant 0 : i32
    %dma_wait3A_315 = tpu.memref_slice %arg2[%dma_wait3A_306, %dma_wait3A_313, %dma_wait3A_314] : memref<4x2048x1024xf32, #tpu.memory_space<vmem>> -> memref<1x2048x1024xf32, #tpu.memory_space<vmem>>
    %dma_wait3A_316 = tpu.memref_squeeze %dma_wait3A_315 : memref<1x2048x1024xf32, #tpu.memory_space<vmem>> -> memref<2048x1024xf32, #tpu.memory_space<vmem>>
    tpu.wait_dma2 semaphore(%dma_wait3A_309 : memref<!tpu.dma_semaphore, #tpu.memory_space<semaphore_mem>>) src(%dma_wait3A_316 : memref<2048x1024xf32, #tpu.memory_space<vmem>>) dst(%dma_wait3A_312 : memref<2048x1024xf32, #tpu.memory_space<hbm>>)
    %dma_wait3A_317 = arith.constant 1 : i32
    %dma_wait3A_318 = arith.constant 1 : i32
    %dma_wait3A_319 = tpu.memref_slice %arg4[%dma_wait3A_318] : memref<4x!tpu.dma_semaphore, #tpu.memory_space<semaphore_mem>> -> memref<1x!tpu.dma_semaphore, #tpu.memory_space<semaphore_mem>>
    %dma_wait3A_320 = tpu.memref_squeeze %dma_wait3A_319 : memref<1x!tpu.dma_semaphore, #tpu.memory_space<semaphore_mem>> -> memref<!tpu.dma_semaphore, #tpu.memory_space<semaphore_mem>>
    %dma_wait3A_321 = arith.constant 10240 : i32
    %dma_wait3A_322 = arith.constant 0 : i32
    %dma_wait3A_323 = tpu.memref_slice %arg1[%dma_wait3A_321, %dma_wait3A_322] : memref<16384x1024xf32, #tpu.memory_space<hbm>> -> memref<2048x1024xf32, #tpu.memory_space<hbm>>
    %dma_wait3A_324 = arith.constant 0 : i32
    %dma_wait3A_325 = arith.constant 0 : i32
    %dma_wait3A_326 = tpu.memref_slice %arg2[%dma_wait3A_317, %dma_wait3A_324, %dma_wait3A_325] : memref<4x2048x1024xf32, #tpu.memory_space<vmem>> -> memref<1x2048x1024xf32, #tpu.memory_space<vmem>>
    %dma_wait3A_327 = tpu.memref_squeeze %dma_wait3A_326 : memref<1x2048x1024xf32, #tpu.memory_space<vmem>> -> memref<2048x1024xf32, #tpu.memory_space<vmem>>
    tpu.wait_dma2 semaphore(%dma_wait3A_320 : memref<!tpu.dma_semaphore, #tpu.memory_space<semaphore_mem>>) src(%dma_wait3A_327 : memref<2048x1024xf32, #tpu.memory_space<vmem>>) dst(%dma_wait3A_323 : memref<2048x1024xf32, #tpu.memory_space<hbm>>)
    %dma_wait3A_328 = arith.constant 2 : i32
    %dma_wait3A_329 = arith.constant 2 : i32
    %dma_wait3A_330 = tpu.memref_slice %arg4[%dma_wait3A_329] : memref<4x!tpu.dma_semaphore, #tpu.memory_space<semaphore_mem>> -> memref<1x!tpu.dma_semaphore, #tpu.memory_space<semaphore_mem>>
    %dma_wait3A_331 = tpu.memref_squeeze %dma_wait3A_330 : memref<1x!tpu.dma_semaphore, #tpu.memory_space<semaphore_mem>> -> memref<!tpu.dma_semaphore, #tpu.memory_space<semaphore_mem>>
    %dma_wait3A_332 = arith.constant 12288 : i32
    %dma_wait3A_333 = arith.constant 0 : i32
    %dma_wait3A_334 = tpu.memref_slice %arg1[%dma_wait3A_332, %dma_wait3A_333] : memref<16384x1024xf32, #tpu.memory_space<hbm>> -> memref<2048x1024xf32, #tpu.memory_space<hbm>>
    %dma_wait3A_335 = arith.constant 0 : i32
    %dma_wait3A_336 = arith.constant 0 : i32
    %dma_wait3A_337 = tpu.memref_slice %arg2[%dma_wait3A_328, %dma_wait3A_335, %dma_wait3A_336] : memref<4x2048x1024xf32, #tpu.memory_space<vmem>> -> memref<1x2048x1024xf32, #tpu.memory_space<vmem>>
    %dma_wait3A_338 = tpu.memref_squeeze %dma_wait3A_337 : memref<1x2048x1024xf32, #tpu.memory_space<vmem>> -> memref<2048x1024xf32, #tpu.memory_space<vmem>>
    tpu.wait_dma2 semaphore(%dma_wait3A_331 : memref<!tpu.dma_semaphore, #tpu.memory_space<semaphore_mem>>) src(%dma_wait3A_338 : memref<2048x1024xf32, #tpu.memory_space<vmem>>) dst(%dma_wait3A_334 : memref<2048x1024xf32, #tpu.memory_space<hbm>>)
    %dma_wait3A_339 = arith.constant 3 : i32
    %dma_wait3A_340 = arith.constant 3 : i32
    %dma_wait3A_341 = tpu.memref_slice %arg4[%dma_wait3A_340] : memref<4x!tpu.dma_semaphore, #tpu.memory_space<semaphore_mem>> -> memref<1x!tpu.dma_semaphore, #tpu.memory_space<semaphore_mem>>
    %dma_wait3A_342 = tpu.memref_squeeze %dma_wait3A_341 : memref<1x!tpu.dma_semaphore, #tpu.memory_space<semaphore_mem>> -> memref<!tpu.dma_semaphore, #tpu.memory_space<semaphore_mem>>
    %dma_wait3A_343 = arith.constant 14336 : i32
    %dma_wait3A_344 = arith.constant 0 : i32
    %dma_wait3A_345 = tpu.memref_slice %arg1[%dma_wait3A_343, %dma_wait3A_344] : memref<16384x1024xf32, #tpu.memory_space<hbm>> -> memref<2048x1024xf32, #tpu.memory_space<hbm>>
    %dma_wait3A_346 = arith.constant 0 : i32
    %dma_wait3A_347 = arith.constant 0 : i32
    %dma_wait3A_348 = tpu.memref_slice %arg2[%dma_wait3A_339, %dma_wait3A_346, %dma_wait3A_347] : memref<4x2048x1024xf32, #tpu.memory_space<vmem>> -> memref<1x2048x1024xf32, #tpu.memory_space<vmem>>
    %dma_wait3A_349 = tpu.memref_squeeze %dma_wait3A_348 : memref<1x2048x1024xf32, #tpu.memory_space<vmem>> -> memref<2048x1024xf32, #tpu.memory_space<vmem>>
    tpu.wait_dma2 semaphore(%dma_wait3A_342 : memref<!tpu.dma_semaphore, #tpu.memory_space<semaphore_mem>>) src(%dma_wait3A_349 : memref<2048x1024xf32, #tpu.memory_space<vmem>>) dst(%dma_wait3A_345 : memref<2048x1024xf32, #tpu.memory_space<hbm>>)
    return
  }
}

</mosaic_0001>

<sc_bundles>
// kernel: kernel.4.cloned.1.call-start
scs
__scs_entry_jumppad:
0x0: {  	(pc) =	sbr.rel $0x88, $3  }
0x1: {  	(tag) =	ssettag $0x0;
	lr =	simm.s32 $0x1  }
0x2: {  	[smem:$0x3F9F] =	sst lr;
	_ =	strace $0xD0000000  }
0x3: {  	_ = 	snop  }
0x4: {  	_ = 	snop  }
0x5: {  	_ = 	snop  }
0x6: {  	_ = 	snop  }
0x7: {  	_ = 	snop  }
__scs_overlays_trampoline_lowered:
0x8: {  	[smem:$0x3FAE] =	sst s0  }
0x9: {  	[smem:$0x3FAF] =	sst s1  }
0xa: {  	[smem:$0x3FB0] =	sst s2  }
0xb: {  	[smem:$0x3FB1] =	sst s3  }
0xc: {  	[smem:$0x3FB2] =	sst s4  }
0xd: {  	[smem:$0x3FB3] =	sst s5  }
0xe: {  	[smem:$0x3FB4] =	sst s6  }
0xf: {  	[smem:$0x3FB5] =	sst s7  }
0x10: {  	[smem:$0x3FB6] =	sst s8  }
0x11: {  	[smem:$0x3FB7] =	sst s9;
	s0 =	simm.s32 @!p0 $0x0  }
0x12: {  	s1 =	sld [smem:$0x3F9D];
	s0 =	simm.s32 @p0 $0x1  }
0x13: {  	[smem:$0x3FB8] =	sst s0;
	s0 =	simm.s32 @!p1 $0x0  }
0x14: {  	s2 =	sld [smem:$0x3F9C];
	s0 =	simm.s32 @p1 $0x1  }
0x15: {  	[smem:$0x3FB9] =	sst s0;
	s0 =	simm.s32 @!p2 $0x0  }
0x16: {  	s3 =	sld [smem:$0x3FDB];
	s0 =	simm.s32 @p2 $0x1  }
0x17: {  	s4 =	simm.s32 $0x1BF5;
	[smem:$0x3FBB] =	sst s0  }
0x18: {  	s0 =	sld [smem:$0x3F9E];
	_ =	swait.ge [sflag:s4], $0x0  }
0x19: {  	s7 =	sld [smem:$0x3F9F]  }
0x1a: {  	s8 =	sadd.s32 $0xFFFFE003, lr  }
0x1b: {  	s9 =	sadd.s32 $0xFFFFFEF7, lr;
	s5 =	simm.s32 $0xFFFFFFFF;
	p2 =	slt.u32 s8, $0xFFFFF086  }
0x1c: {  	p1 =	slt.u32 s9, $0xF7A;
	s5 =	simm.s32 @!p2 $0x0  }
0x1d: {  	s5 =	simm.s32 @p1 $0x1;
	p0 =	seq.s32 s7, s2  }
0x1e: {  	s7 =	smul.u32 @!p0 $0xF7A, s2;
	p2 =	seq.s32 @!p0 s5, $0x0  }
0x1f: {  	s9 =	smul.u32 $0xF7A, s1;
	s8 =	simm.s32 @!p0 $0x1BF5;
	p2 =	por !p2, p0  }
0x20: {  	[sflag:s8] =	ssyncset.s32 @!p0 $0xFFFFF086;
	s6 =	sadd.s32 @!p0 s3, s7;
	s7 =	simm.s32 @!p0 $0x108  }
0x21: {  	s3 =	sadd.s32 s3, s9;
	s6 =	sadd.s32 @!p0 $0x88, s6;
	s7 =	simm.s32 @p2 $0x1082  }
0x22: {  	[simem:s7], [sflag:s8] =	dma.local @!p0 [hbm:s6], $0xF7A  }
0x23: {  	s9 =	sor.u32 $0xD0000000, s2;
	s6 =	simm.s32 $0x108;
	_ =	swait.ge @!p0 [sflag:s8], $0x0  }
0x24: {  	s3 =	sadd.s32 $0x88, s3;
	s6 =	simm.s32 @!p1 $0x1082;
	[sflag:s4] =	ssyncset.s32 $0xFFFFF086  }
0x25: {  	[simem:s6], [sflag:s4] =	dma.local [hbm:s3], $0xF7A  }
0x26: {  	[smem:$0x3F9F] =	sst s1;
	(tag) =	ssettag s2;
	_ =	strace s9  }
0x27: {  	s1 =	sld [smem:$0x3FAF]  }
0x28: {  	s2 =	sld [smem:$0x3FB0]  }
0x29: {  	s4 =	sld [smem:$0x3FB2]  }
0x2a: {  	p0 =	seq.s32 s5, $0x0;
	s5 =	sld [smem:$0x3FB3]  }
0x2b: {  	s6 =	sld [smem:$0x3FB4]  }
0x2c: {  	s7 =	sld [smem:$0x3FB5]  }
0x2d: {  	s3 =	simm.s32 $0x108;
	s8 =	sld [smem:$0x3FB6]  }
0x2e: {  	s3 =	simm.s32 @!p0 $0x1082;
	s9 =	sld [smem:$0x3FB7]  }
0x2f: {  	lr =	sadd.s32 s0, s3;
	s0 =	sld [smem:$0x3FAE]  }
0x30: {  	s3 =	sld [smem:$0x3FB1]  }
0x31: {  	[smem:$0x3FBA] =	sst s10  }
0x32: {  	s10 =	sld [smem:$0x3FB8];
	_ =	sdelay $0x3  }
0x33: {  	p0 =	seq.s32 s10, $0x1;
	s10 =	sld [smem:$0x3FBA];
	_ =	sdelay $0x3  }
0x34: {  	[smem:$0x3FBA] =	sst s10  }
0x35: {  	s10 =	sld [smem:$0x3FB9];
	_ =	sdelay $0x3  }
0x36: {  	p1 =	seq.s32 s10, $0x1;
	s10 =	sld [smem:$0x3FBA];
	_ =	sdelay $0x3  }
0x37: {  	[smem:$0x3FBA] =	sst s10  }
0x38: {  	s10 =	sld [smem:$0x3FBB]  }
0x39: {  	_ = 	snop;
	(pc) =	sbr.ind lr, $3  }
0x3a: {  	_ = 	snop  }
0x3b: {  	_ = 	snop  }
0x3c: {  	p2 =	seq.s32 s10, $0x1;
	s10 =	sld [smem:$0x3FBA]  }
0x3d: {  	_ =	shalt  }
0x3e: {  	_ =	shalt  }
0x3f: {  	_ =	shalt  }
0x40: {  	_ =	shalt  }
0x41: {  	_ =	shalt  }
0x42: {  	_ =	shalt  }
0x43: {  	_ =	shalt  }
0x44: {  	_ =	shalt  }
0x45: {  	_ =	shalt  }
0x46: {  	_ =	shalt  }
0x47: {  	_ =	shalt  }
0x48: {  	_ =	shalt  }
0x49: {  	_ =	shalt  }
0x4a: {  	_ =	shalt  }
0x4b: {  	_ =	shalt  }
0x4c: {  	_ =	shalt  }
0x4d: {  	_ =	shalt  }
0x4e: {  	_ =	shalt  }
0x4f: {  	_ =	shalt  }
0x50: {  	_ =	shalt  }
0x51: {  	_ =	shalt  }
0x52: {  	_ =	shalt  }
0x53: {  	_ =	shalt  }
0x54: {  	_ =	shalt  }
0x55: {  	_ =	shalt  }
0x56: {  	_ =	shalt  }
0x57: {  	_ =	shalt  }
0x58: {  	_ =	shalt  }
0x59: {  	_ =	shalt  }
0x5a: {  	_ =	shalt  }
0x5b: {  	_ =	shalt  }
0x5c: {  	_ =	shalt  }
0x5d: {  	_ =	shalt  }
0x5e: {  	_ =	shalt  }
0x5f: {  	_ =	shalt  }
0x60: {  	_ =	shalt  }
0x61: {  	_ =	shalt  }
0x62: {  	_ =	shalt  }
0x63: {  	_ =	shalt  }
0x64: {  	_ =	shalt  }
0x65: {  	_ =	shalt  }
0x66: {  	_ =	shalt  }
0x67: {  	_ =	shalt  }
0x68: {  	_ =	shalt  }
0x69: {  	_ =	shalt  }
0x6a: {  	_ =	shalt  }
0x6b: {  	_ =	shalt  }
0x6c: {  	_ =	shalt  }
0x6d: {  	_ =	shalt  }
0x6e: {  	_ =	shalt  }
0x6f: {  	_ =	shalt  }
0x70: {  	_ =	shalt  }
0x71: {  	_ =	shalt  }
0x72: {  	_ =	shalt  }
0x73: {  	_ =	shalt  }
0x74: {  	_ =	shalt  }
0x75: {  	_ =	shalt  }
0x76: {  	_ =	shalt  }
0x77: {  	_ =	shalt  }
0x78: {  	_ =	shalt  }
0x79: {  	_ =	shalt  }
0x7a: {  	_ =	shalt  }
0x7b: {  	_ =	shalt  }
0x7c: {  	_ =	shalt  }
0x7d: {  	_ =	shalt  }
0x7e: {  	_ =	shalt  }
0x7f: {  	_ =	shalt  }
0x80: {  	_ =	shalt  }
0x81: {  	_ =	shalt  }
0x82: {  	_ =	shalt  }
0x83: {  	_ =	shalt  }
0x84: {  	_ =	shalt  }
0x85: {  	_ =	shalt  }
0x86: {  	_ =	shalt  }
0x87: {  	_ =	shalt  }
.Lfunc_end0:
.L_simem_size_0:
called_computation_lowered:
.L_overlay_start_0:
0x88: {  	s2 =	sld [smem:$0x3FD9]  }
0x89: {  	s3 =	sld [smem:$0x3FFE];
	_ =	sdelay $0x1  }
0x8a: {  	s1 =	srdreg.scid  }
0x8b: {  	s0 =	sand.u32 $0x1, s1  }
0x8c: {  	s14 =	sshll.u32 s0, $0xA;
	s2 =	sadd.s32 s3, s2  }
0x8d: {  	s2 =	sadd.s32 s2, s14  }
0x8e: {  	[smem:$0x3FC6] =	sst s2  }
0x8f: {  	_ = 	snop  }
0x90: {  	s2 =	sld [smem:$0x3FD0];
	_ =	sdelay $0x2  }
0x91: {  	s4 =	simm.s32 $0xA;
	s5 =	simm.s32 $0x10;
	s15 =	sld [smem:$0x3FC8]  }
0x92: {  	[smem:s5], [sflag:s4] =	dma.local [hbm:s2], $0x1  }
0x93: {  	_ =	swait.eq [sflag:s4], $0x1  }
0x94: {  	[sflag:s4] =	ssyncset.done $0x0  }
0x95: {  	[sflag:s4] =	ssyncadd.s32 $0xFFFFFFFF  }
0x96: {  	s16 =	sld [smem:$0x11];
	(tm) =	ssettm $0x1  }
0x97: {  	s17 =	sld [smem:$0x3FFB];
	_ =	sdelay $0x3  }
0x98: {  	_ =	strace s17  }
0x99: {  	s4 =	sld [smem:$0x3FFC];
	_ =	sdelay $0x3  }
0x9a: {  	_ =	strace s4  }
0x9b: {  	s4 =	sld [smem:$0x3FFD];
	_ =	sdelay $0x3  }
0x9c: {  	_ =	strace s4  }
0x9d: {  	_ =	strace $0x8FFFFFFF  }
0x9e: {  	s18 =	sld [smem:$0x3FDB];
	_ =	sdelay $0x1  }
0x9f: {  	s19 =	simm.s32 $_scs_section_size  }
0xa0: {  	s6 =	simm.s32 $_size__tile_overlayer_lowered;
	s7 =	simm.s32 $_tile_overlayer_lowered  }
0xa1: {  	s22 =	simm.s32 $0x1BFF;
	s21 =	sshll.u32 s7, $0x1;
	s4 =	sadd.s32 s19, s18  }
0xa2: {  	s8 =	simm.s32 $0x0;
	s20 =	sshll.u32 s6, $0x1;
	s6 =	sadd.s32 s21, s4  }
0xa3: {  	[timem:s8], [sflag:s22] =	dma.local [hbm:s6], s20  }
0xa4: {  	_ =	swait.ge [sflag:s22], s20  }
0xa5: {  	s5 =	ssub.s32 $0x0, s20;
	[sflag:s22] =	ssyncset.done $0x0  }
0xa6: {  	[sflag:s22] =	ssyncadd.s32 s5;
	_ =	sdelay $0x1  }
0xa7: {  	s23 =	simm.s32 $0x1B8B  }
0xa8: {  	_ =	swait.ge [sflag:s23], $0x1  }
0xa9: {  	[sflag:s23] =	ssyncset.done $0x0  }
0xaa: {  	s25 =	simm.s32 $0x1B8E;
	s24 =	sld [smem:$0x3FFE];
	[sflag:s23] =	ssyncadd.s32 $0xFFFFFFFF  }
0xab: {  	s26 =	simm.s32 $execute0_lowered;
	[smem:$0x3FD2] =	sst s25  }
0xac: {  	s6 =	sshll.u32 s26, $0x1;
	_ =	strace $0x80000046;
	[dreg:$0x1] =	wrdreg $0xFFFFFFFF  }
0xad: {  	s28 =	simm.s32 $_size_execute0_lowered;
	s4 =	sadd.s32 s4, s6;
	[dreg:$0x0] =	wrdreg $0x0  }
0xae: {  	s6 =	sshll.u32 s28, $0x1;
	[dreg:$0x2] =	wrdreg s4  }
0xaf: {  	[dreg:$0x3] =	wrdreg s6  }
0xb0: {  	[dreg:$0x4] =	wrdreg $0xC0  }
0xb1: {  	_ =	task [dreg:s8], $0x5FFFF  }
0xb2: {  	[dreg:$0x1] =	wrdreg $0xFFFFFFFF  }
0xb3: {  	[dreg:$0x0] =	wrdreg $0x60  }
0xb4: {  	[dreg:$0x2] =	wrdreg s24  }
0xb5: {  	[dreg:$0x3] =	wrdreg s15  }
0xb6: {  	[dreg:$0x4] =	wrdreg s16  }
0xb7: {  	[dreg:$0x5] =	wrdreg $0x9  }
0xb8: {  	_ =	task.clear_ibuf [dreg:s8], $0x6FFFF;
	_ =	strace $0x90000046  }
0xb9: {  	s29 =	simm.s32 $0x9;
	_ =	strace $0x80000048  }
0xba: {  	_ =	swait.ge [sflag:s29], $0x1  }
0xbb: {  	[sflag:s29] =	ssyncadd.s32 $0xFFFFFFFF  }
0xbc: {  	_ =	strace $0x90000048  }
0xbd: {  	_ =	sfence  }
0xbe: {  	s30 =	sld [smem:$0x0];
	_ =	sdelay $0x2  }
0xbf: {  	s31 =	sshll.u32 s1, $0xD;
	s1 =	sshrl.u32 s1, $0x2  }
0xc0: {  	s3 =	sand.u32 $0x4000, s31;
	s1 =	sadd.s32 s1, s30  }
0xc1: {  	s0 =	sor.u32 s3, s0;
	s1 =	sshll.u32 s1, $0x11  }
0xc2: {  	s0 =	sor.u32 s1, s0  }
0xc3: {  	s0 =	sadd.s32 $0x8F2B, s0  }
0xc4: {  	[sflag:s0] =	ssyncadd.remote.s32 $0x1  }
0xc5: {  	_ =	sfence.sel $0xFFFF  }
0xc6: {  	[dreg:$0x0] =	wrdreg $0xFFFFFFFF;
	(pc) =	sbr.abs _section_cstart, $3  }
0xc7: {  	[dreg:$0x1] =	wrdreg $0xFFFFFFFF  }
0xc8: {  	_ =	task.clear_ibuf [dreg:s8], $0x2FFFF;
	_ =	strace $0x9FFFFFFF  }
0xc9: {  	(tm) =	ssettm $0x7FFFFFFF  }
tec
execute0_lowered:
.L_overlay_start_1:
0x0: {  	(tag) =	ssettag $0x1  }
0x1: {  	s0 =	srdreg.scid  }
0x2: {  	s1 =	stileid.u32;
	s6 =	sand.u32 $0x1, s0  }
0x3: {  	v21 =	vlaneseq.u32;
	s9 =	sshll.u32 s1, $0x9;
	s10 =	sshll.u32 s6, $0x8  }
0x4: {  	v16 =	vadd.s32 $0xFFFFF001, v21;
	s0 =	sor.u32 s10, s9  }
0x5: {  	v0 =	vadd.s32 s0, v16  }
0x6: {  	v25 =	vimm.s32 $0xFFC6;
	s1 =	sor.u32 $0x10, s0;
	s11 =	sor.u32 $0x20, s0;
	s12 =	sor.u32 $0x30, s0;
	vm0 =	vgt.s32 v0, $0xFFFFFF80  }
0x7: {  	s5 =	sor.u32 $0x40, s0;
	s13 =	sor.u32 $0x50, s0;
	s2 =	sor.u32 $0x70, s0;
	v1 =	vadd.s32 s1, v16;
	v2 =	vadd.s32 s11, v16;
	v3 =	vadd.s32 s12, v16  }
0x8: {  	s8 =	sor.u32 $0x80, s0;
	s16 =	sor.u32 $0xA0, s0;
	v5 =	vadd.s32 s5, v16;
	v7 =	vadd.s32 s13, v16;
	v8 =	vadd.s32 s2, v16  }
0x9: {  	s15 =	smax.u32 s0, $0xE80;
	s17 =	sor.u32 $0xB0, s0;
	s24 =	sor.u32 $0xE0, s0;
	v10 =	vadd.s32 s8, v16;
	v12 =	vadd.s32 s16, v16;
	v0 =	vnsel vm0, $0xFFFFFF80, v0  }
0xa: {  	s11 =	smin.u32 s15, $0xF80;
	v13 =	vadd.s32 s17, v16;
	s15 =	sor.u32 $0xD0, s0;
	v19 =	vadd.s32 s24, v16;
	vm0 =	vlt.s32 v0, $0x80  }
0xb: {  	s17 =	sor.u32 $0xF0, s0;
	v18 =	vadd.s32 s15, v16;
	v4 =	vnsel vm0, $0x80, v0;
	vm0 =	vgt.s32 v1, $0xFFFFFF80  }
0xc: {  	v20 =	vadd.s32 s17, v16;
	v0 =	vadd.s32 $0x80, v4;
	v1 =	vnsel vm0, $0xFFFFFF80, v1  }
0xd: {  	vm0 =	vgt.s32 v2, $0xFFFFFF80;
	v4 =	vand.u32 $0x7, v4;
	vm1 =	vlt.s32 v1, $0x80  }
0xe: {  	v2 =	vnsel vm0, $0xFFFFFF80, v2;
	vm0 =	vgt.s32 v3, $0xFFFFFF80;
	v6 =	vshll.u32 v0, $0x3  }
0xf: {  	v1 =	vnsel vm1, $0x80, v1;
	vm1 =	vlt.s32 v2, $0x80;
	v3 =	vnsel vm0, $0xFFFFFF80, v3  }
0x10: {  	v6 =	vand.u32 $0x7FFFFFC0, v6;
	v1 =	vadd.s32 $0x80, v1;
	vm0 =	vlt.s32 v3, $0x80  }
0x11: {  	v2 =	vnsel vm1, $0x80, v2;
	v3 =	vnsel vm0, $0x80, v3;
	vm0 =	vgt.s32 v5, $0xFFFFFF80  }
0x12: {  	vm1 =	vgt.s32 v7, $0xFFFFFF80;
	v4 =	vor.u32 v4, v6;
	v5 =	vnsel vm0, $0xFFFFFF80, v5  }
0x13: {  	s14 =	sor.u32 $0x60, s0;
	v2 =	vadd.s32 $0x80, v2;
	v6 =	vnsel vm1, $0xFFFFFF80, v7;
	vm0 =	vlt.s32 v5, $0x80  }
0x14: {  	v7 =	vadd.s32 s14, v16;
	v9 =	vnsel vm0, $0x80, v5;
	vm0 =	vlt.s32 v6, $0x80  }
0x15: {  	v3 =	vadd.s32 $0x80, v3;
	v5 =	vadd.s32 $0x80, v9;
	v6 =	vnsel vm0, $0x80, v6  }
0x16: {  	vm0 =	vgt.s32 v7, $0xFFFFFF80;
	v9 =	vand.u32 $0x7, v9;
	v6 =	vadd.s32 $0x80, v6  }
0x17: {  	v7 =	vnsel vm0, $0xFFFFFF80, v7;
	vm0 =	vgt.s32 v8, $0xFFFFFF80;
	v11 =	vshll.u32 v5, $0x3  }
0x18: {  	vm1 =	vlt.s32 v7, $0x80;
	v8 =	vnsel vm0, $0xFFFFFF80, v8;
	v11 =	vand.u32 $0x7FFFFFC0, v11  }
0x19: {  	s12 =	sor.u32 $0x90, s0;
	v7 =	vnsel vm1, $0x80, v7;
	vm0 =	vlt.s32 v8, $0x80;
	vm1 =	vgt.s32 v10, $0xFFFFFF80  }
0x1a: {  	s7 =	rddreg [dreg:$0x0];
	v9 =	vor.u32 v9, v11;
	v11 =	vadd.s32 s12, v16;
	v7 =	vadd.s32 $0x80, v7  }
0x1b: {  	s18 =	rddreg [dreg:$0x2];
	s4 =	simm.s32 $0x0;
	s12 =	sor.u32 $0xC0, s0;
	v8 =	vnsel vm0, $0x80, v8;
	v10 =	vnsel vm1, $0xFFFFFF80, v10;
	vm1 =	vgt.s32 v13, $0xFFFFFF80  }
0x1c: {  	s28 =	simm.s32 $0x8100;
	s29 =	simm.s32 $0x13100;
	s30 =	simm.s32 $0x13900;
	v15 =	vadd.s32 s12, v16;
	v8 =	vadd.s32 $0x80, v8;
	vm0 =	vlt.s32 v10, $0x80  }
0x1d: {  	s31 =	simm.s32 $0x14100;
	[smem:$0x7FF] =	sst s4;
	s6 =	ssub.s32 $0x2, s6;
	v13 =	vnsel vm1, $0xFFFFFF80, v13;
	v14 =	vnsel vm0, $0x80, v10;
	vm0 =	vgt.s32 v11, $0xFFFFFF80  }
0x1e: {  	s19 =	sshrl.u32 s6, $0x1;
	s3 =	smax.u32 s0, $0xF7F;
	s9 =	smax.u32 s0, $0xF40;
	vm1 =	vlt.s32 v13, $0x80;
	v10 =	vadd.s32 $0x80, v14;
	v11 =	vnsel vm0, $0xFFFFFF80, v11  }
0x1f: {  	s20 =	sshll.u32 s0, $0x7;
	s21 =	smax.u32 s0, $0xF3F;
	s22 =	smax.u32 s0, $0xF00;
	vm0 =	vgt.s32 v12, $0xFFFFFF80;
	v13 =	vnsel vm1, $0x80, v13;
	v14 =	vand.u32 $0x7, v14  }
0x20: {  	s23 =	smax.u32 s0, $0xEFF;
	s25 =	smax.u32 s0, $0xEBF;
	s26 =	smax.u32 s0, $0xEC0;
	vm1 =	vgt.s32 v18, $0xFFFFFF80;
	vm2 =	vlt.s32 v11, $0x80;
	v12 =	vnsel vm0, $0xFFFFFF80, v12  }
0x21: {  	p1 =	sne.s32 s0, $0x1F00;
	p2 =	seq.s32 s0, $0x1F00;
	s1 =	rddreg [dreg:$0x1];
	v13 =	vadd.s32 $0x80, v13;
	v17 =	vshll.u32 v10, $0x3;
	v18 =	vnsel vm1, $0xFFFFFF80, v18  }
0x22: {  	s10 =	smin.u32 s3, $0x107F;
	s2 =	smin.u32 s9, $0x1040;
	_ =	strace $0x80000047;
	vm1 =	vgt.s32 v19, $0xFFFFFF80;
	v11 =	vnsel vm2, $0x80, v11;
	vm0 =	vlt.s32 v12, $0x80  }
0x23: {  	s20 =	sadd.s32 s18, s20;
	s5 =	sshll.u32 s5, $0x7;
	s8 =	sshll.u32 s8, $0x7;
	v17 =	vand.u32 $0x7FFFFFC0, v17;
	v12 =	vnsel vm0, $0x80, v12;
	vm0 =	vgt.s32 v15, $0xFFFFFF80  }
0x24: {  	s24 =	sadd.s32 $0x200, s18;
	s9 =	sadd.s32 $0xFFFFF100, s11;
	s3 =	sadd.s32 $0xFFFFFFC1, s10;
	v19 =	vnsel vm1, $0xFFFFFF80, v19;
	vm1 =	vgt.s32 v20, $0xFFFFFF80;
	v15 =	vnsel vm0, $0xFFFFFF80, v15  }
0x25: {  	s10 =	sadd.s32 $0xFFFFF001, s10;
	s13 =	sadd.s32 $0x1000, s20;
	s5 =	sadd.s32 s18, s5;
	vm2 =	vcmask $0x704;
	v11 =	vadd.s32 $0x80, v11;
	vm0 =	vlt.s32 v15, $0x80  }
0x26: {  	s16 =	sadd.s32 $0x3000, s20;
	s15 =	smin.u32 s26, $0xFC0;
	[dreg:$0xd] =	wrdreg s24;
	v14 =	vor.u32 v14, v17;
	v17 =	vnsel vm0, $0x80, v15;
	vm0 =	vlt.s32 v18, $0x80  }
0x27: {  	s8 =	sadd.s32 s18, s8;
	s17 =	sadd.s32 $0xFE000, s18;
	[dreg:$0x4] =	wrdreg s13;
	v12 =	vadd.s32 $0x80, v12;
	v15 =	vadd.s32 $0x80, v17;
	v18 =	vnsel vm0, $0x80, v18  }
0x28: {  	s26 =	sadd.s32 $0x300, s18;
	s24 =	simm.s32 $0x100;
	[dreg:$0x5] =	wrdreg s5;
	vm0 =	vlt.s32 v19, $0x80;
	v17 =	vand.u32 $0x7, v17;
	v16 =	vadd.s32 $0x80, v18  }
0x29: {  	p0 =	seq.s32 s3, s2;
	s13 =	smin.u32 s22, $0x1000;
	[dreg:$0x6] =	wrdreg s16;
	v19 =	vnsel vm0, $0x80, v19;
	v18 =	vnsel vm1, $0xFFFFFF80, v20;
	v20 =	vshll.u32 v15, $0x3  }
0x2a: {  	s5 =	smin.u32 s23, $0xFFF;
	s16 =	smin.u32 s25, $0xFBF;
	[dreg:$0x7] =	wrdreg s8;
	vm1 =	vcmask $0x300;
	vm0 =	vlt.s32 v18, $0x80;
	v20 =	vand.u32 $0x7FFFFFC0, v20  }
0x2b: {  	[dreg:$0x9] =	wrdreg s17;
	s22 =	sadd.s32 $0xFF800, s18;
	p3 =	sne.s32 s3, s2;
	v23 =	vor.u32 v17, v20;
	v17 =	vand.u32 $0x7, v21;
	v20 =	vshrl.u32 v21, $0x3  }
0x2c: {  	s23 =	sadd.s32 $0x100, s18;
	[dreg:$0xe] =	wrdreg s26;
	s26 =	simm.s32 $0x2;
	v22 =	vnsel vm0, $0x80, v18;
	v24 =	vperm.xlane v23, v17;
	v18 =	vmul.u32 $0x8, v20  }
0x2d: {  	s8 =	simm.s32 $0x12100;
	s2 =	simm.s32 $0x14900;
	s17 =	simm.s32 $0x16900;
	v19 =	vadd.s32 $0x80, v19;
	v25 =	vsel vm1, $0xFF80, v25;
	v21 =	vor.u32 $0x8, v21  }
0x2e: {  	s3 =	simm.s32 $0x17100;
	s9 =	smov.u32 @p0 s10;
	s10 =	ssub.s32 s6, s19;
	v20 =	vadd.s32 $0x80, v22;
	v22 =	vadd.s32 v18, v24;
	v24 =	vimm.s32 $0x1FFE  }
0x2f: {  	s6 =	sadd.s32 $0x100, s1;
	s5 =	sadd.s32 $0xFFFFFFC1, s5;
	[dreg:$0xb] =	wrdreg s22;
	vm0 =	vmmov $0xffff;
	v25 =	vsel vm2, $0xFF81, v25;
	v24 =	vsel vm1, $0x1FF0, v24  }
0x30: {  	s16 =	sadd.s32 $0xFFFFFFC1, s16;
	[dreg:$0xc] =	wrdreg s23;
	p0 =	seq.s32 s9, $0xFFFFFF80;
	v23 =	vperm.xlane v23, v21;
	vm1 =	vcmask $0xB08;
	v24 =	vsel vm2, $0x1FF1, v24  }
0x31: {  	s9 =	simm.s32 $0x0;
	s23 =	smax.u32 s10, $0x1;
	p5 =	sne.s32 s5, s15;
	vm2 =	vcmask $0xF0C;
	v25 =	vsel vm1, $0xFF82, v25;
	v24 =	vsel vm1, $0x1FF2, v24  }
0x32: {  	s5 =	simm.s32 $0x8900;
	s15 =	simm.s32 $0x15900;
	s10 =	simm.s32 $0x17900;
	vm1 =	vcmask $0x1310;
	v25 =	vsel vm2, $0xFF83, v25;
	v24 =	vsel vm2, $0x1FF3, v24  }
0x33: {  	s9 =	simm.s32 @!p0 $0x1000;
	p0 =	seq.s32 s16, s11;
	s16 =	sadd.s32 $0x5000, s20;
	vm2 =	vcmask $0x1714;
	v25 =	vsel vm1, $0xFF84, v25;
	v24 =	vsel vm1, $0x1FF4, v24  }
0x34: {  	s11 =	sadd.s32 $0x7000, s20;
	s7 =	sadd.s32 s9, s7;
	s9 =	sadd.s32 $0x300, s1;
	vm1 =	vcmask $0x1B18;
	v25 =	vsel vm2, $0xFF85, v25;
	v24 =	vsel vm2, $0x1FF5, v24  }
0x35: {  	p1 =	por !p1, !p0;
	[dreg:$0x8] =	wrdreg s16;
	p2 =	por !p2, !p0;
	vm2 =	vcmask $0x1F1C;
	v25 =	vsel vm1, $0xFF86, v25;
	v24 =	vsel vm1, $0x1FF6, v24  }
0x36: {  	s16 =	simm.s32 $0x16100;
	s19 =	sadd.s32 $0x600, s7;
	s7 =	sadd.s32 $0x200, s1;
	vm1 =	vcmask $0x2320;
	v25 =	vsel vm2, $0xFF87, v25;
	v24 =	vsel vm2, $0x1FF7, v24  }
0x37: {  	p1 =	por !p1, !p1;
	p2 =	por !p2, !p2;
	s14 =	smin.u32 s21, $0x103F;
	vm2 =	vcmask $0x2724;
	v25 =	vsel vm1, $0xFFC0, v25;
	v24 =	vsel vm1, $0x1FF8, v24  }
.Ltmp0:
0x38: {  	s21 =	sadd.s32 $0xFF000, s18;
	s14 =	sadd.s32 $0xFFFFFFC1, s14;
	vm1 =	vcmask $0x2B28;
	v25 =	vsel vm2, $0xFFC1, v25;
	v24 =	vsel vm2, $0x1FF9, v24;
	(pc) =	sbr.rel .LBB2_1-.Ltmp0, $4  }
0x39: {  	[dreg:$0xa] =	wrdreg s21;
	s21 =	simm.s32 $0x12900;
	p4 =	sne.s32 s14, s13;
	vm2 =	vcmask $0x2F2C;
	v25 =	vsel vm1, $0xFFC2, v25;
	v24 =	vsel vm1, $0x1FFA, v24  }
0x3a: {  	s14 =	smov.u32 s19;
	s13 =	simm.s32 $0x9100;
	s25 =	sshll.u32 s12, $0x7;
	vm1 =	vcmask $0x3330;
	v25 =	vsel vm2, $0xFFC3, v25;
	v24 =	vsel vm2, $0x1FFB, v24  }
0x3b: {  	s0 =	simm.s32 $0x15100;
	s12 =	simm.s32 $0x1;
	s22 =	sadd.s32 s18, s25;
	vm2 =	vcmask $0x3734;
	v25 =	vsel vm1, $0xFFC4, v25;
	v24 =	vsel vm1, $0x1FFC, v24  }
0x3c: {  	s18 =	smov.u32 s20;
	s25 =	simm.s32 $0x3;
	s20 =	simm.s32 $0x9900;
	v23 =	vadd.s32 v18, v23;
	v25 =	vsel vm2, $0xFFC5, v25;
	v24 =	vsel vm2, $0x1FFD, v24  }
.LBB2_16:
0x3d: {  	s23 =	sadd.s32 $0xFFFFFFFF, s23  }
0x3e: {  	p6 =	sne.s32 s23, $0x0  }
.Ltmp1:
0x3f: {  	_ = 	snop;
	(pc) =	sbr.rel @!p6 .LBB2_17-.Ltmp1, $1  }
0x40: {  	_ =	sdelay $0x3  }
.LBB2_1:
.Ltmp2:
0x41: {  	(pc) =	sbr.rel @p3 .LBB2_3-.Ltmp2, $4  }
0x42: {  	[tilespmem:s24], [sflag:$0x3] =	stream.linear.gather [hbm4b:s14+s4], $0x8000, $0x38;
	[tilespmem:$0x18100] =	vst v63  }
0x43: {  	_ =	swait.ge [sflag:s25], $0x8000  }
0x44: {  	[sflag:s25] =	ssyncset.done $0x0  }
0x45: {  	[sflag:s25] =	ssyncadd.s32 $0xFFFF8000  }
0x46: {  	[hbm4b:s18+s4] =	stream.linear.scatter [tilespmem:s24], [sflag:$0x2], $0x8000, $0x38;
	[tilespmem:$0x18100] =	vst v63  }
0x47: {  	s19 =	rddreg [dreg:$0x4]  }
0x48: {  	[hbm4b:s19+s4] =	stream.linear.scatter [tilespmem:s24], [sflag:$0x2], $0x8000, $0x38;
	[tilespmem:$0x18100] =	vst v63  }
0x49: {  	_ =	swait.ge [sflag:s26], $0x8000  }
.Ltmp3:
0x4a: {  	[sflag:s26] =	ssyncset.done $0x0;
	(pc) =	sbr.rel .LBB2_4-.Ltmp3, $4  }
0x4b: {  	[sflag:s26] =	ssyncadd.s32 $0xFFFF8000  }
0x4c: {  	_ =	swait.ge [sflag:s26], $0x8000  }
0x4d: {  	[sflag:s26] =	ssyncset.done $0x0  }
0x4e: {  	[sflag:s26] =	ssyncadd.s32 $0xFFFF8000  }
.LBB2_3:
0x4f: {  	v26 =	vperm.xlane v4, v17;
	_ =	sdelay $0x1  }
0x50: {  	v26 =	vadd.s32 v18, v26  }
0x51: {  	[tilespmem:$0x0] =	vst v0  }
0x52: {  	[tilespmem:$0x10] =	vst v1  }
0x53: {  	[tilespmem:$0x20] =	vst v2  }
0x54: {  	[tilespmem:$0x30] =	vst v3  }
0x55: {  	[tilespmem:s28], [sflag:$0x1] =	stream.indirect_vreg.gather [hbm4b:s1+s4], $0x80, v26, vm0, $0xb8;
	[tilespmem:$0x18100] =	vst v63  }
0x56: {  	v27 =	vperm.xlane v4, v21  }
0x57: {  	[tilespmem:s5], [sflag:$0x1] =	stream.indirect_vreg.gather [hbm4b:s6+s4], $0x80, v26, vm0, $0xb8;
	[tilespmem:$0x18100] =	vst v63  }
0x58: {  	v27 =	vadd.s32 v18, v27  }
0x59: {  	[tilespmem:s13], [sflag:$0x1] =	stream.indirect_vreg.gather [hbm4b:s7+s4], $0x80, v26, vm0, $0xb8;
	[tilespmem:$0x18100] =	vst v63  }
0x5a: {  	_ = 	snop  }
0x5b: {  	[tilespmem:s20], [sflag:$0x1] =	stream.indirect_vreg.gather [hbm4b:s9+s4], $0x80, v26, vm0, $0xb8;
	[tilespmem:$0x18100] =	vst v63  }
0x5c: {  	s19 =	simm.s32 $0xA100  }
0x5d: {  	[tilespmem:s19], [sflag:$0x1] =	stream.indirect_vreg.gather [hbm4b:s1+s4], $0x80, v27, vm0, $0xb8;
	[tilespmem:$0x18100] =	vst v63  }
0x5e: {  	s19 =	simm.s32 $0xA900  }
0x5f: {  	[tilespmem:s19], [sflag:$0x1] =	stream.indirect_vreg.gather [hbm4b:s6+s4], $0x80, v27, vm0, $0xb8;
	[tilespmem:$0x18100] =	vst v63  }
0x60: {  	s19 =	simm.s32 $0xB100  }
0x61: {  	[tilespmem:s19], [sflag:$0x1] =	stream.indirect_vreg.gather [hbm4b:s7+s4], $0x80, v27, vm0, $0xb8;
	[tilespmem:$0x18100] =	vst v63  }
0x62: {  	s19 =	simm.s32 $0xB900  }
0x63: {  	[tilespmem:s19], [sflag:$0x1] =	stream.indirect_vreg.gather [hbm4b:s9+s4], $0x80, v27, vm0, $0xb8;
	[tilespmem:$0x18100] =	vst v63  }
0x64: {  	v26 =	vld [tilespmem:$0x10];
	_ =	sdelay $0x4  }
0x65: {  	v27 =	vshll.u32 v26, $0x3  }
0x66: {  	v26 =	vand.u32 $0x7, v26;
	v27 =	vand.u32 $0xFFFFFFC0, v27  }
0x67: {  	v26 =	vor.u32 v26, v27  }
0x68: {  	v27 =	vperm.xlane v26, v17;
	_ =	sdelay $0x1  }
0x69: {  	v27 =	vadd.s32 v18, v27;
	_ =	sdelay $0x3  }
0x6a: {  	s19 =	simm.s32 $0xC100  }
0x6b: {  	[tilespmem:s19], [sflag:$0x1] =	stream.indirect_vreg.gather [hbm4b:s1+s4], $0x80, v27, vm0, $0xb8;
	[tilespmem:$0x18100] =	vst v63  }
0x6c: {  	v26 =	vperm.xlane v26, v21;
	s19 =	simm.s32 $0xC900  }
0x6d: {  	[tilespmem:s19], [sflag:$0x1] =	stream.indirect_vreg.gather [hbm4b:s6+s4], $0x80, v27, vm0, $0xb8;
	[tilespmem:$0x18100] =	vst v63  }
0x6e: {  	v26 =	vadd.s32 v18, v26;
	s19 =	simm.s32 $0xD100  }
0x6f: {  	[tilespmem:s19], [sflag:$0x1] =	stream.indirect_vreg.gather [hbm4b:s7+s4], $0x80, v27, vm0, $0xb8;
	[tilespmem:$0x18100] =	vst v63  }
0x70: {  	s19 =	simm.s32 $0xD900  }
0x71: {  	[tilespmem:s19], [sflag:$0x1] =	stream.indirect_vreg.gather [hbm4b:s9+s4], $0x80, v27, vm0, $0xb8;
	[tilespmem:$0x18100] =	vst v63  }
0x72: {  	s19 =	simm.s32 $0xE100  }
0x73: {  	[tilespmem:s19], [sflag:$0x1] =	stream.indirect_vreg.gather [hbm4b:s1+s4], $0x80, v26, vm0, $0xb8;
	[tilespmem:$0x18100] =	vst v63  }
0x74: {  	s19 =	simm.s32 $0xE900  }
0x75: {  	[tilespmem:s19], [sflag:$0x1] =	stream.indirect_vreg.gather [hbm4b:s6+s4], $0x80, v26, vm0, $0xb8;
	[tilespmem:$0x18100] =	vst v63  }
0x76: {  	s19 =	simm.s32 $0xF100  }
0x77: {  	[tilespmem:s19], [sflag:$0x1] =	stream.indirect_vreg.gather [hbm4b:s7+s4], $0x80, v26, vm0, $0xb8;
	[tilespmem:$0x18100] =	vst v63  }
0x78: {  	s19 =	simm.s32 $0xF900  }
0x79: {  	[tilespmem:s19], [sflag:$0x1] =	stream.indirect_vreg.gather [hbm4b:s9+s4], $0x80, v26, vm0, $0xb8;
	[tilespmem:$0x18100] =	vst v63  }
0x7a: {  	v26 =	vld [tilespmem:$0x20];
	_ =	sdelay $0x4  }
0x7b: {  	v27 =	vshll.u32 v26, $0x3  }
0x7c: {  	v26 =	vand.u32 $0x7, v26;
	v27 =	vand.u32 $0xFFFFFFC0, v27  }
0x7d: {  	v26 =	vor.u32 v26, v27  }
0x7e: {  	v27 =	vperm.xlane v26, v17;
	_ =	sdelay $0x1  }
0x7f: {  	v27 =	vadd.s32 v18, v27;
	_ =	sdelay $0x3  }
0x80: {  	s19 =	simm.s32 $0x10100  }
0x81: {  	[tilespmem:s19], [sflag:$0x1] =	stream.indirect_vreg.gather [hbm4b:s1+s4], $0x80, v27, vm0, $0xb8;
	[tilespmem:$0x18100] =	vst v63  }
0x82: {  	v26 =	vperm.xlane v26, v21;
	s19 =	simm.s32 $0x10900  }
0x83: {  	[tilespmem:s19], [sflag:$0x1] =	stream.indirect_vreg.gather [hbm4b:s6+s4], $0x80, v27, vm0, $0xb8;
	[tilespmem:$0x18100] =	vst v63  }
0x84: {  	v26 =	vadd.s32 v18, v26;
	s19 =	simm.s32 $0x11100  }
0x85: {  	[tilespmem:s19], [sflag:$0x1] =	stream.indirect_vreg.gather [hbm4b:s7+s4], $0x80, v27, vm0, $0xb8;
	[tilespmem:$0x18100] =	vst v63  }
0x86: {  	s19 =	simm.s32 $0x11900  }
0x87: {  	[tilespmem:s19], [sflag:$0x1] =	stream.indirect_vreg.gather [hbm4b:s9+s4], $0x80, v27, vm0, $0xb8;
	[tilespmem:$0x18100] =	vst v63  }
0x88: {  	_ = 	snop  }
0x89: {  	[tilespmem:s8], [sflag:$0x1] =	stream.indirect_vreg.gather [hbm4b:s1+s4], $0x80, v26, vm0, $0xb8;
	[tilespmem:$0x18100] =	vst v63  }
0x8a: {  	_ = 	snop  }
0x8b: {  	[tilespmem:s21], [sflag:$0x1] =	stream.indirect_vreg.gather [hbm4b:s6+s4], $0x80, v26, vm0, $0xb8;
	[tilespmem:$0x18100] =	vst v63  }
0x8c: {  	_ = 	snop  }
0x8d: {  	[tilespmem:s29], [sflag:$0x1] =	stream.indirect_vreg.gather [hbm4b:s7+s4], $0x80, v26, vm0, $0xb8;
	[tilespmem:$0x18100] =	vst v63  }
0x8e: {  	_ = 	snop  }
0x8f: {  	[tilespmem:s30], [sflag:$0x1] =	stream.indirect_vreg.gather [hbm4b:s9+s4], $0x80, v26, vm0, $0xb8;
	[tilespmem:$0x18100] =	vst v63  }
0x90: {  	v26 =	vld [tilespmem:$0x30];
	_ =	sdelay $0x4  }
0x91: {  	v27 =	vshll.u32 v26, $0x3  }
0x92: {  	v26 =	vand.u32 $0x7, v26;
	v27 =	vand.u32 $0xFFFFFFC0, v27  }
0x93: {  	v26 =	vor.u32 v26, v27  }
0x94: {  	v27 =	vperm.xlane v26, v17;
	_ =	sdelay $0x1  }
0x95: {  	v27 =	vadd.s32 v18, v27;
	_ =	sdelay $0x4  }
0x96: {  	[tilespmem:s31], [sflag:$0x1] =	stream.indirect_vreg.gather [hbm4b:s1+s4], $0x80, v27, vm0, $0xb8;
	[tilespmem:$0x18100] =	vst v63  }
0x97: {  	v26 =	vperm.xlane v26, v21  }
0x98: {  	[tilespmem:s2], [sflag:$0x1] =	stream.indirect_vreg.gather [hbm4b:s6+s4], $0x80, v27, vm0, $0xb8;
	[tilespmem:$0x18100] =	vst v63  }
0x99: {  	v26 =	vadd.s32 v18, v26  }
0x9a: {  	[tilespmem:s0], [sflag:$0x1] =	stream.indirect_vreg.gather [hbm4b:s7+s4], $0x80, v27, vm0, $0xb8;
	[tilespmem:$0x18100] =	vst v63  }
0x9b: {  	_ = 	snop  }
0x9c: {  	[tilespmem:s15], [sflag:$0x1] =	stream.indirect_vreg.gather [hbm4b:s9+s4], $0x80, v27, vm0, $0xb8;
	[tilespmem:$0x18100] =	vst v63  }
0x9d: {  	_ = 	snop  }
0x9e: {  	[tilespmem:s16], [sflag:$0x1] =	stream.indirect_vreg.gather [hbm4b:s1+s4], $0x80, v26, vm0, $0xb8;
	[tilespmem:$0x18100] =	vst v63  }
0x9f: {  	_ = 	snop  }
0xa0: {  	[tilespmem:s17], [sflag:$0x1] =	stream.indirect_vreg.gather [hbm4b:s6+s4], $0x80, v26, vm0, $0xb8;
	[tilespmem:$0x18100] =	vst v63  }
0xa1: {  	_ = 	snop  }
0xa2: {  	[tilespmem:s3], [sflag:$0x1] =	stream.indirect_vreg.gather [hbm4b:s7+s4], $0x80, v26, vm0, $0xb8;
	[tilespmem:$0x18100] =	vst v63  }
0xa3: {  	_ = 	snop  }
0xa4: {  	[tilespmem:s10], [sflag:$0x1] =	stream.indirect_vreg.gather [hbm4b:s9+s4], $0x80, v26, vm0, $0xb8;
	[tilespmem:$0x18100] =	vst v63  }
0xa5: {  	_ =	swait.ge [sflag:s12], $0x10000  }
0xa6: {  	[sflag:s12] =	ssyncset.done $0x0  }
0xa7: {  	[sflag:s12] =	ssyncadd.s32 $0xFFFF0000  }
0xa8: {  	[hbm4b:s18+s4] =	stream.linear.scatter [tilespmem:s28], [sflag:$0x3], $0x10000, $0x38;
	[tilespmem:$0x18100] =	vst v63  }
0xa9: {  	_ =	swait.ge [sflag:s25], $0x10000  }
0xaa: {  	[sflag:s25] =	ssyncset.done $0x0  }
0xab: {  	[sflag:s25] =	ssyncadd.s32 $0xFFFF0000  }
.LBB2_4:
.Ltmp4:
0xac: {  	(pc) =	sbr.rel @p4 .LBB2_6-.Ltmp4, $1  }
0xad: {  	_ =	sdelay $0x3  }
0xae: {  	s19 =	rddreg [dreg:$0x5]  }
0xaf: {  	[hbm4b:s19+s4] =	stream.linear.scatter [tilespmem:s24], [sflag:$0x2], $0x8000, $0x38;
	[tilespmem:$0x18100] =	vst v63  }
0xb0: {  	s19 =	rddreg [dreg:$0x6]  }
0xb1: {  	[hbm4b:s19+s4] =	stream.linear.scatter [tilespmem:s24], [sflag:$0x2], $0x8000, $0x38;
	[tilespmem:$0x18100] =	vst v63  }
0xb2: {  	_ =	swait.ge [sflag:s26], $0x8000  }
.Ltmp5:
0xb3: {  	[sflag:s26] =	ssyncset.done $0x0;
	(pc) =	sbr.rel .LBB2_7-.Ltmp5, $4  }
0xb4: {  	[sflag:s26] =	ssyncadd.s32 $0xFFFF8000  }
0xb5: {  	_ =	swait.ge [sflag:s26], $0x8000  }
0xb6: {  	[sflag:s26] =	ssyncset.done $0x0  }
0xb7: {  	[sflag:s26] =	ssyncadd.s32 $0xFFFF8000  }
.LBB2_6:
0xb8: {  	v26 =	vperm.xlane v9, v17;
	_ =	sdelay $0x1  }
0xb9: {  	v26 =	vadd.s32 v18, v26  }
0xba: {  	[tilespmem:$0x0] =	vst v5  }
0xbb: {  	[tilespmem:$0x10] =	vst v6  }
0xbc: {  	[tilespmem:$0x20] =	vst v7  }
0xbd: {  	[tilespmem:$0x30] =	vst v8  }
0xbe: {  	[tilespmem:s28], [sflag:$0x1] =	stream.indirect_vreg.gather [hbm4b:s1+s4], $0x80, v26, vm0, $0xb8;
	[tilespmem:$0x18100] =	vst v63  }
0xbf: {  	v27 =	vperm.xlane v9, v21  }
0xc0: {  	[tilespmem:s5], [sflag:$0x1] =	stream.indirect_vreg.gather [hbm4b:s6+s4], $0x80, v26, vm0, $0xb8;
	[tilespmem:$0x18100] =	vst v63  }
0xc1: {  	v27 =	vadd.s32 v18, v27  }
0xc2: {  	[tilespmem:s13], [sflag:$0x1] =	stream.indirect_vreg.gather [hbm4b:s7+s4], $0x80, v26, vm0, $0xb8;
	[tilespmem:$0x18100] =	vst v63  }
0xc3: {  	_ = 	snop  }
0xc4: {  	[tilespmem:s20], [sflag:$0x1] =	stream.indirect_vreg.gather [hbm4b:s9+s4], $0x80, v26, vm0, $0xb8;
	[tilespmem:$0x18100] =	vst v63  }
0xc5: {  	s19 =	simm.s32 $0xA100  }
0xc6: {  	[tilespmem:s19], [sflag:$0x1] =	stream.indirect_vreg.gather [hbm4b:s1+s4], $0x80, v27, vm0, $0xb8;
	[tilespmem:$0x18100] =	vst v63  }
0xc7: {  	s19 =	simm.s32 $0xA900  }
0xc8: {  	[tilespmem:s19], [sflag:$0x1] =	stream.indirect_vreg.gather [hbm4b:s6+s4], $0x80, v27, vm0, $0xb8;
	[tilespmem:$0x18100] =	vst v63  }
0xc9: {  	s19 =	simm.s32 $0xB100  }
0xca: {  	[tilespmem:s19], [sflag:$0x1] =	stream.indirect_vreg.gather [hbm4b:s7+s4], $0x80, v27, vm0, $0xb8;
	[tilespmem:$0x18100] =	vst v63  }
0xcb: {  	s19 =	simm.s32 $0xB900  }
0xcc: {  	[tilespmem:s19], [sflag:$0x1] =	stream.indirect_vreg.gather [hbm4b:s9+s4], $0x80, v27, vm0, $0xb8;
	[tilespmem:$0x18100] =	vst v63  }
0xcd: {  	v26 =	vld [tilespmem:$0x10];
	_ =	sdelay $0x4  }
0xce: {  	v27 =	vshll.u32 v26, $0x3  }
0xcf: {  	v26 =	vand.u32 $0x7, v26;
	v27 =	vand.u32 $0xFFFFFFC0, v27  }
0xd0: {  	v26 =	vor.u32 v26, v27  }
0xd1: {  	v27 =	vperm.xlane v26, v17;
	_ =	sdelay $0x1  }
0xd2: {  	v27 =	vadd.s32 v18, v27;
	_ =	sdelay $0x3  }
0xd3: {  	s19 =	simm.s32 $0xC100  }
0xd4: {  	[tilespmem:s19], [sflag:$0x1] =	stream.indirect_vreg.gather [hbm4b:s1+s4], $0x80, v27, vm0, $0xb8;
	[tilespmem:$0x18100] =	vst v63  }
0xd5: {  	v26 =	vperm.xlane v26, v21;
	s19 =	simm.s32 $0xC900  }
0xd6: {  	[tilespmem:s19], [sflag:$0x1] =	stream.indirect_vreg.gather [hbm4b:s6+s4], $0x80, v27, vm0, $0xb8;
	[tilespmem:$0x18100] =	vst v63  }
0xd7: {  	v26 =	vadd.s32 v18, v26;
	s19 =	simm.s32 $0xD100  }
0xd8: {  	[tilespmem:s19], [sflag:$0x1] =	stream.indirect_vreg.gather [hbm4b:s7+s4], $0x80, v27, vm0, $0xb8;
	[tilespmem:$0x18100] =	vst v63  }
0xd9: {  	s19 =	simm.s32 $0xD900  }
0xda: {  	[tilespmem:s19], [sflag:$0x1] =	stream.indirect_vreg.gather [hbm4b:s9+s4], $0x80, v27, vm0, $0xb8;
	[tilespmem:$0x18100] =	vst v63  }
0xdb: {  	s19 =	simm.s32 $0xE100  }
0xdc: {  	[tilespmem:s19], [sflag:$0x1] =	stream.indirect_vreg.gather [hbm4b:s1+s4], $0x80, v26, vm0, $0xb8;
	[tilespmem:$0x18100] =	vst v63  }
0xdd: {  	s19 =	simm.s32 $0xE900  }
0xde: {  	[tilespmem:s19], [sflag:$0x1] =	stream.indirect_vreg.gather [hbm4b:s6+s4], $0x80, v26, vm0, $0xb8;
	[tilespmem:$0x18100] =	vst v63  }
0xdf: {  	s19 =	simm.s32 $0xF100  }
0xe0: {  	[tilespmem:s19], [sflag:$0x1] =	stream.indirect_vreg.gather [hbm4b:s7+s4], $0x80, v26, vm0, $0xb8;
	[tilespmem:$0x18100] =	vst v63  }
0xe1: {  	s19 =	simm.s32 $0xF900  }
0xe2: {  	[tilespmem:s19], [sflag:$0x1] =	stream.indirect_vreg.gather [hbm4b:s9+s4], $0x80, v26, vm0, $0xb8;
	[tilespmem:$0x18100] =	vst v63  }
0xe3: {  	v26 =	vld [tilespmem:$0x20];
	_ =	sdelay $0x4  }
0xe4: {  	v27 =	vshll.u32 v26, $0x3  }
0xe5: {  	v26 =	vand.u32 $0x7, v26;
	v27 =	vand.u32 $0xFFFFFFC0, v27  }
0xe6: {  	v26 =	vor.u32 v26, v27  }
0xe7: {  	v27 =	vperm.xlane v26, v17;
	_ =	sdelay $0x1  }
0xe8: {  	v27 =	vadd.s32 v18, v27;
	_ =	sdelay $0x3  }
0xe9: {  	s19 =	simm.s32 $0x10100  }
0xea: {  	[tilespmem:s19], [sflag:$0x1] =	stream.indirect_vreg.gather [hbm4b:s1+s4], $0x80, v27, vm0, $0xb8;
	[tilespmem:$0x18100] =	vst v63  }
0xeb: {  	v26 =	vperm.xlane v26, v21;
	s19 =	simm.s32 $0x10900  }
0xec: {  	[tilespmem:s19], [sflag:$0x1] =	stream.indirect_vreg.gather [hbm4b:s6+s4], $0x80, v27, vm0, $0xb8;
	[tilespmem:$0x18100] =	vst v63  }
0xed: {  	v26 =	vadd.s32 v18, v26;
	s19 =	simm.s32 $0x11100  }
0xee: {  	[tilespmem:s19], [sflag:$0x1] =	stream.indirect_vreg.gather [hbm4b:s7+s4], $0x80, v27, vm0, $0xb8;
	[tilespmem:$0x18100] =	vst v63  }
0xef: {  	s19 =	simm.s32 $0x11900  }
0xf0: {  	[tilespmem:s19], [sflag:$0x1] =	stream.indirect_vreg.gather [hbm4b:s9+s4], $0x80, v27, vm0, $0xb8;
	[tilespmem:$0x18100] =	vst v63  }
0xf1: {  	_ = 	snop  }
0xf2: {  	[tilespmem:s8], [sflag:$0x1] =	stream.indirect_vreg.gather [hbm4b:s1+s4], $0x80, v26, vm0, $0xb8;
	[tilespmem:$0x18100] =	vst v63  }
0xf3: {  	_ = 	snop  }
0xf4: {  	[tilespmem:s21], [sflag:$0x1] =	stream.indirect_vreg.gather [hbm4b:s6+s4], $0x80, v26, vm0, $0xb8;
	[tilespmem:$0x18100] =	vst v63  }
0xf5: {  	_ = 	snop  }
0xf6: {  	[tilespmem:s29], [sflag:$0x1] =	stream.indirect_vreg.gather [hbm4b:s7+s4], $0x80, v26, vm0, $0xb8;
	[tilespmem:$0x18100] =	vst v63  }
0xf7: {  	_ = 	snop  }
0xf8: {  	[tilespmem:s30], [sflag:$0x1] =	stream.indirect_vreg.gather [hbm4b:s9+s4], $0x80, v26, vm0, $0xb8;
	[tilespmem:$0x18100] =	vst v63  }
0xf9: {  	v26 =	vld [tilespmem:$0x30];
	_ =	sdelay $0x4  }
0xfa: {  	v27 =	vshll.u32 v26, $0x3  }
0xfb: {  	v26 =	vand.u32 $0x7, v26;
	v27 =	vand.u32 $0xFFFFFFC0, v27  }
0xfc: {  	v26 =	vor.u32 v26, v27  }
0xfd: {  	v27 =	vperm.xlane v26, v17;
	_ =	sdelay $0x1  }
0xfe: {  	v27 =	vadd.s32 v18, v27;
	_ =	sdelay $0x4  }
0xff: {  	[tilespmem:s31], [sflag:$0x1] =	stream.indirect_vreg.gather [hbm4b:s1+s4], $0x80, v27, vm0, $0xb8;
	[tilespmem:$0x18100] =	vst v63  }
0x100: {  	v26 =	vperm.xlane v26, v21  }
0x101: {  	[tilespmem:s2], [sflag:$0x1] =	stream.indirect_vreg.gather [hbm4b:s6+s4], $0x80, v27, vm0, $0xb8;
	[tilespmem:$0x18100] =	vst v63  }
0x102: {  	v26 =	vadd.s32 v18, v26  }
0x103: {  	[tilespmem:s0], [sflag:$0x1] =	stream.indirect_vreg.gather [hbm4b:s7+s4], $0x80, v27, vm0, $0xb8;
	[tilespmem:$0x18100] =	vst v63  }
0x104: {  	_ = 	snop  }
0x105: {  	[tilespmem:s15], [sflag:$0x1] =	stream.indirect_vreg.gather [hbm4b:s9+s4], $0x80, v27, vm0, $0xb8;
	[tilespmem:$0x18100] =	vst v63  }
0x106: {  	_ = 	snop  }
0x107: {  	[tilespmem:s16], [sflag:$0x1] =	stream.indirect_vreg.gather [hbm4b:s1+s4], $0x80, v26, vm0, $0xb8;
	[tilespmem:$0x18100] =	vst v63  }
0x108: {  	_ = 	snop  }
0x109: {  	[tilespmem:s17], [sflag:$0x1] =	stream.indirect_vreg.gather [hbm4b:s6+s4], $0x80, v26, vm0, $0xb8;
	[tilespmem:$0x18100] =	vst v63  }
0x10a: {  	_ = 	snop  }
0x10b: {  	[tilespmem:s3], [sflag:$0x1] =	stream.indirect_vreg.gather [hbm4b:s7+s4], $0x80, v26, vm0, $0xb8;
	[tilespmem:$0x18100] =	vst v63  }
0x10c: {  	_ = 	snop  }
0x10d: {  	[tilespmem:s10], [sflag:$0x1] =	stream.indirect_vreg.gather [hbm4b:s9+s4], $0x80, v26, vm0, $0xb8;
	[tilespmem:$0x18100] =	vst v63  }
0x10e: {  	_ =	swait.ge [sflag:s12], $0x10000  }
0x10f: {  	[sflag:s12] =	ssyncset.done $0x0  }
0x110: {  	s19 =	rddreg [dreg:$0x5];
	[sflag:s12] =	ssyncadd.s32 $0xFFFF0000  }
0x111: {  	[hbm4b:s19+s4] =	stream.linear.scatter [tilespmem:s28], [sflag:$0x3], $0x10000, $0x38;
	[tilespmem:$0x18100] =	vst v63  }
0x112: {  	_ =	swait.ge [sflag:s25], $0x10000  }
0x113: {  	[sflag:s25] =	ssyncset.done $0x0  }
0x114: {  	[sflag:s25] =	ssyncadd.s32 $0xFFFF0000  }
.LBB2_7:
.Ltmp6:
0x115: {  	(pc) =	sbr.rel @p5 .LBB2_9-.Ltmp6, $1  }
0x116: {  	_ =	sdelay $0x3  }
0x117: {  	s19 =	rddreg [dreg:$0x7]  }
0x118: {  	[hbm4b:s19+s4] =	stream.linear.scatter [tilespmem:s24], [sflag:$0x2], $0x8000, $0x38;
	[tilespmem:$0x18100] =	vst v63  }
0x119: {  	s19 =	rddreg [dreg:$0x8]  }
0x11a: {  	[hbm4b:s19+s4] =	stream.linear.scatter [tilespmem:s24], [sflag:$0x2], $0x8000, $0x38;
	[tilespmem:$0x18100] =	vst v63  }
0x11b: {  	_ =	swait.ge [sflag:s26], $0x8000  }
.Ltmp7:
0x11c: {  	[sflag:s26] =	ssyncset.done $0x0;
	(pc) =	sbr.rel .LBB2_10-.Ltmp7, $4  }
0x11d: {  	[sflag:s26] =	ssyncadd.s32 $0xFFFF8000  }
0x11e: {  	_ =	swait.ge [sflag:s26], $0x8000  }
0x11f: {  	[sflag:s26] =	ssyncset.done $0x0  }
0x120: {  	[sflag:s26] =	ssyncadd.s32 $0xFFFF8000  }
.LBB2_9:
0x121: {  	v26 =	vperm.xlane v14, v17;
	_ =	sdelay $0x1  }
0x122: {  	v26 =	vadd.s32 v18, v26  }
0x123: {  	[tilespmem:$0x0] =	vst v10  }
0x124: {  	[tilespmem:$0x10] =	vst v11  }
0x125: {  	[tilespmem:$0x20] =	vst v12  }
0x126: {  	[tilespmem:$0x30] =	vst v13  }
0x127: {  	[tilespmem:s28], [sflag:$0x1] =	stream.indirect_vreg.gather [hbm4b:s1+s4], $0x80, v26, vm0, $0xb8;
	[tilespmem:$0x18100] =	vst v63  }
0x128: {  	v27 =	vperm.xlane v14, v21  }
0x129: {  	[tilespmem:s5], [sflag:$0x1] =	stream.indirect_vreg.gather [hbm4b:s6+s4], $0x80, v26, vm0, $0xb8;
	[tilespmem:$0x18100] =	vst v63  }
0x12a: {  	v27 =	vadd.s32 v18, v27  }
0x12b: {  	[tilespmem:s13], [sflag:$0x1] =	stream.indirect_vreg.gather [hbm4b:s7+s4], $0x80, v26, vm0, $0xb8;
	[tilespmem:$0x18100] =	vst v63  }
0x12c: {  	_ = 	snop  }
0x12d: {  	[tilespmem:s20], [sflag:$0x1] =	stream.indirect_vreg.gather [hbm4b:s9+s4], $0x80, v26, vm0, $0xb8;
	[tilespmem:$0x18100] =	vst v63  }
0x12e: {  	s19 =	simm.s32 $0xA100  }
0x12f: {  	[tilespmem:s19], [sflag:$0x1] =	stream.indirect_vreg.gather [hbm4b:s1+s4], $0x80, v27, vm0, $0xb8;
	[tilespmem:$0x18100] =	vst v63  }
0x130: {  	s19 =	simm.s32 $0xA900  }
0x131: {  	[tilespmem:s19], [sflag:$0x1] =	stream.indirect_vreg.gather [hbm4b:s6+s4], $0x80, v27, vm0, $0xb8;
	[tilespmem:$0x18100] =	vst v63  }
0x132: {  	s19 =	simm.s32 $0xB100  }
0x133: {  	[tilespmem:s19], [sflag:$0x1] =	stream.indirect_vreg.gather [hbm4b:s7+s4], $0x80, v27, vm0, $0xb8;
	[tilespmem:$0x18100] =	vst v63  }
0x134: {  	s19 =	simm.s32 $0xB900  }
0x135: {  	[tilespmem:s19], [sflag:$0x1] =	stream.indirect_vreg.gather [hbm4b:s9+s4], $0x80, v27, vm0, $0xb8;
	[tilespmem:$0x18100] =	vst v63  }
0x136: {  	v26 =	vld [tilespmem:$0x10];
	_ =	sdelay $0x4  }
0x137: {  	v27 =	vshll.u32 v26, $0x3  }
0x138: {  	v26 =	vand.u32 $0x7, v26;
	v27 =	vand.u32 $0xFFFFFFC0, v27  }
0x139: {  	v26 =	vor.u32 v26, v27  }
0x13a: {  	v27 =	vperm.xlane v26, v17;
	_ =	sdelay $0x1  }
0x13b: {  	v27 =	vadd.s32 v18, v27;
	_ =	sdelay $0x3  }
0x13c: {  	s19 =	simm.s32 $0xC100  }
0x13d: {  	[tilespmem:s19], [sflag:$0x1] =	stream.indirect_vreg.gather [hbm4b:s1+s4], $0x80, v27, vm0, $0xb8;
	[tilespmem:$0x18100] =	vst v63  }
0x13e: {  	v26 =	vperm.xlane v26, v21;
	s19 =	simm.s32 $0xC900  }
0x13f: {  	[tilespmem:s19], [sflag:$0x1] =	stream.indirect_vreg.gather [hbm4b:s6+s4], $0x80, v27, vm0, $0xb8;
	[tilespmem:$0x18100] =	vst v63  }
0x140: {  	v26 =	vadd.s32 v18, v26;
	s19 =	simm.s32 $0xD100  }
0x141: {  	[tilespmem:s19], [sflag:$0x1] =	stream.indirect_vreg.gather [hbm4b:s7+s4], $0x80, v27, vm0, $0xb8;
	[tilespmem:$0x18100] =	vst v63  }
0x142: {  	s19 =	simm.s32 $0xD900  }
0x143: {  	[tilespmem:s19], [sflag:$0x1] =	stream.indirect_vreg.gather [hbm4b:s9+s4], $0x80, v27, vm0, $0xb8;
	[tilespmem:$0x18100] =	vst v63  }
0x144: {  	s19 =	simm.s32 $0xE100  }
0x145: {  	[tilespmem:s19], [sflag:$0x1] =	stream.indirect_vreg.gather [hbm4b:s1+s4], $0x80, v26, vm0, $0xb8;
	[tilespmem:$0x18100] =	vst v63  }
0x146: {  	s19 =	simm.s32 $0xE900  }
0x147: {  	[tilespmem:s19], [sflag:$0x1] =	stream.indirect_vreg.gather [hbm4b:s6+s4], $0x80, v26, vm0, $0xb8;
	[tilespmem:$0x18100] =	vst v63  }
0x148: {  	s19 =	simm.s32 $0xF100  }
0x149: {  	[tilespmem:s19], [sflag:$0x1] =	stream.indirect_vreg.gather [hbm4b:s7+s4], $0x80, v26, vm0, $0xb8;
	[tilespmem:$0x18100] =	vst v63  }
0x14a: {  	s19 =	simm.s32 $0xF900  }
0x14b: {  	[tilespmem:s19], [sflag:$0x1] =	stream.indirect_vreg.gather [hbm4b:s9+s4], $0x80, v26, vm0, $0xb8;
	[tilespmem:$0x18100] =	vst v63  }
0x14c: {  	v26 =	vld [tilespmem:$0x20];
	_ =	sdelay $0x4  }
0x14d: {  	v27 =	vshll.u32 v26, $0x3  }
0x14e: {  	v26 =	vand.u32 $0x7, v26;
	v27 =	vand.u32 $0xFFFFFFC0, v27  }
0x14f: {  	v26 =	vor.u32 v26, v27  }
0x150: {  	v27 =	vperm.xlane v26, v17;
	_ =	sdelay $0x1  }
0x151: {  	v27 =	vadd.s32 v18, v27;
	_ =	sdelay $0x3  }
0x152: {  	s19 =	simm.s32 $0x10100  }
0x153: {  	[tilespmem:s19], [sflag:$0x1] =	stream.indirect_vreg.gather [hbm4b:s1+s4], $0x80, v27, vm0, $0xb8;
	[tilespmem:$0x18100] =	vst v63  }
0x154: {  	v26 =	vperm.xlane v26, v21;
	s19 =	simm.s32 $0x10900  }
0x155: {  	[tilespmem:s19], [sflag:$0x1] =	stream.indirect_vreg.gather [hbm4b:s6+s4], $0x80, v27, vm0, $0xb8;
	[tilespmem:$0x18100] =	vst v63  }
0x156: {  	v26 =	vadd.s32 v18, v26;
	s19 =	simm.s32 $0x11100  }
0x157: {  	[tilespmem:s19], [sflag:$0x1] =	stream.indirect_vreg.gather [hbm4b:s7+s4], $0x80, v27, vm0, $0xb8;
	[tilespmem:$0x18100] =	vst v63  }
0x158: {  	s19 =	simm.s32 $0x11900  }
0x159: {  	[tilespmem:s19], [sflag:$0x1] =	stream.indirect_vreg.gather [hbm4b:s9+s4], $0x80, v27, vm0, $0xb8;
	[tilespmem:$0x18100] =	vst v63  }
0x15a: {  	_ = 	snop  }
0x15b: {  	[tilespmem:s8], [sflag:$0x1] =	stream.indirect_vreg.gather [hbm4b:s1+s4], $0x80, v26, vm0, $0xb8;
	[tilespmem:$0x18100] =	vst v63  }
0x15c: {  	_ = 	snop  }
0x15d: {  	[tilespmem:s21], [sflag:$0x1] =	stream.indirect_vreg.gather [hbm4b:s6+s4], $0x80, v26, vm0, $0xb8;
	[tilespmem:$0x18100] =	vst v63  }
0x15e: {  	_ = 	snop  }
0x15f: {  	[tilespmem:s29], [sflag:$0x1] =	stream.indirect_vreg.gather [hbm4b:s7+s4], $0x80, v26, vm0, $0xb8;
	[tilespmem:$0x18100] =	vst v63  }
0x160: {  	_ = 	snop  }
0x161: {  	[tilespmem:s30], [sflag:$0x1] =	stream.indirect_vreg.gather [hbm4b:s9+s4], $0x80, v26, vm0, $0xb8;
	[tilespmem:$0x18100] =	vst v63  }
0x162: {  	v26 =	vld [tilespmem:$0x30];
	_ =	sdelay $0x4  }
0x163: {  	v27 =	vshll.u32 v26, $0x3  }
0x164: {  	v26 =	vand.u32 $0x7, v26;
	v27 =	vand.u32 $0xFFFFFFC0, v27  }
0x165: {  	v26 =	vor.u32 v26, v27  }
0x166: {  	v27 =	vperm.xlane v26, v17;
	_ =	sdelay $0x1  }
0x167: {  	v27 =	vadd.s32 v18, v27;
	_ =	sdelay $0x4  }
0x168: {  	[tilespmem:s31], [sflag:$0x1] =	stream.indirect_vreg.gather [hbm4b:s1+s4], $0x80, v27, vm0, $0xb8;
	[tilespmem:$0x18100] =	vst v63  }
0x169: {  	v26 =	vperm.xlane v26, v21  }
0x16a: {  	[tilespmem:s2], [sflag:$0x1] =	stream.indirect_vreg.gather [hbm4b:s6+s4], $0x80, v27, vm0, $0xb8;
	[tilespmem:$0x18100] =	vst v63  }
0x16b: {  	v26 =	vadd.s32 v18, v26  }
0x16c: {  	[tilespmem:s0], [sflag:$0x1] =	stream.indirect_vreg.gather [hbm4b:s7+s4], $0x80, v27, vm0, $0xb8;
	[tilespmem:$0x18100] =	vst v63  }
0x16d: {  	_ = 	snop  }
0x16e: {  	[tilespmem:s15], [sflag:$0x1] =	stream.indirect_vreg.gather [hbm4b:s9+s4], $0x80, v27, vm0, $0xb8;
	[tilespmem:$0x18100] =	vst v63  }
0x16f: {  	_ = 	snop  }
0x170: {  	[tilespmem:s16], [sflag:$0x1] =	stream.indirect_vreg.gather [hbm4b:s1+s4], $0x80, v26, vm0, $0xb8;
	[tilespmem:$0x18100] =	vst v63  }
0x171: {  	_ = 	snop  }
0x172: {  	[tilespmem:s17], [sflag:$0x1] =	stream.indirect_vreg.gather [hbm4b:s6+s4], $0x80, v26, vm0, $0xb8;
	[tilespmem:$0x18100] =	vst v63  }
0x173: {  	_ = 	snop  }
0x174: {  	[tilespmem:s3], [sflag:$0x1] =	stream.indirect_vreg.gather [hbm4b:s7+s4], $0x80, v26, vm0, $0xb8;
	[tilespmem:$0x18100] =	vst v63  }
0x175: {  	_ = 	snop  }
0x176: {  	[tilespmem:s10], [sflag:$0x1] =	stream.indirect_vreg.gather [hbm4b:s9+s4], $0x80, v26, vm0, $0xb8;
	[tilespmem:$0x18100] =	vst v63  }
0x177: {  	_ =	swait.ge [sflag:s12], $0x10000  }
0x178: {  	[sflag:s12] =	ssyncset.done $0x0  }
0x179: {  	s19 =	rddreg [dreg:$0x7];
	[sflag:s12] =	ssyncadd.s32 $0xFFFF0000  }
0x17a: {  	[hbm4b:s19+s4] =	stream.linear.scatter [tilespmem:s28], [sflag:$0x3], $0x10000, $0x38;
	[tilespmem:$0x18100] =	vst v63  }
0x17b: {  	_ =	swait.ge [sflag:s25], $0x10000  }
0x17c: {  	[sflag:s25] =	ssyncset.done $0x0  }
0x17d: {  	[sflag:s25] =	ssyncadd.s32 $0xFFFF0000  }
.LBB2_10:
.Ltmp8:
0x17e: {  	(pc) =	sbr.rel @!p1 .LBB2_12-.Ltmp8, $1  }
0x17f: {  	_ =	sdelay $0x3  }
0x180: {  	[hbm4b:s22+s4] =	stream.linear.scatter [tilespmem:s24], [sflag:$0x2], $0x8000, $0x38;
	[tilespmem:$0x18100] =	vst v63  }
0x181: {  	_ = 	snop  }
0x182: {  	[hbm4b:s11+s4] =	stream.linear.scatter [tilespmem:s24], [sflag:$0x2], $0x8000, $0x38;
	[tilespmem:$0x18100] =	vst v63  }
0x183: {  	_ =	swait.ge [sflag:s26], $0x8000  }
.Ltmp9:
0x184: {  	[sflag:s26] =	ssyncset.done $0x0;
	(pc) =	sbr.rel .LBB2_14-.Ltmp9, $4  }
0x185: {  	[sflag:s26] =	ssyncadd.s32 $0xFFFF8000  }
0x186: {  	_ =	swait.ge [sflag:s26], $0x8000  }
0x187: {  	[sflag:s26] =	ssyncset.done $0x0  }
0x188: {  	[sflag:s26] =	ssyncadd.s32 $0xFFFF8000  }
.LBB2_12:
.Ltmp10:
0x189: {  	(pc) =	sbr.rel @!p2 .LBB2_14-.Ltmp10, $1  }
0x18a: {  	_ =	sdelay $0x3  }
0x18b: {  	v26 =	vperm.xlane v25, v17;
	s19 =	rddreg [dreg:$0x9]  }
0x18c: {  	[hbm4b:s19+s4] =	stream.linear.scatter [tilespmem:s24], [sflag:$0x2], $0x8000, $0x38;
	[tilespmem:$0x18100] =	vst v63  }
0x18d: {  	s13 =	rddreg [dreg:$0xa];
	v26 =	vadd.s32 v18, v26  }
0x18e: {  	[hbm4b:s13+s4] =	stream.linear.scatter [tilespmem:s24], [sflag:$0x2], $0x4000, $0x38;
	[tilespmem:$0x18100] =	vst v63  }
0x18f: {  	s20 =	rddreg [dreg:$0xb]  }
0x190: {  	[hbm4b:s20+s4] =	stream.linear.scatter [tilespmem:s24], [sflag:$0x2], $0x2000, $0x38;
	[tilespmem:$0x18100] =	vst v63  }
0x191: {  	s19 =	smov.u32 s18;
	s18 =	smov.u32 s14;
	s14 =	rddreg [dreg:$0x2];
	[tilespmem:$0x80] =	vst v24  }
0x192: {  	[hbm4b:s14+s4] =	stream.indirect_vreg.scatter [tilespmem:s24], [sflag:$0x2], $0x80, v26, vm0, $0xb8;
	[tilespmem:$0x18100] =	vst v63  }
0x193: {  	v27 =	vperm.xlane v25, v21;
	s5 =	simm.s32 $0x900;
	s21 =	simm.s32 $0x1100;
	s20 =	rddreg [dreg:$0xc]  }
0x194: {  	[hbm4b:s20+s4] =	stream.indirect_vreg.scatter [tilespmem:s5], [sflag:$0x2], $0x80, v26, vm0, $0xb8;
	[tilespmem:$0x18100] =	vst v63  }
0x195: {  	v27 =	vadd.s32 v18, v27;
	s13 =	smov.u32 s11;
	s11 =	smov.u32 s22;
	s22 =	rddreg [dreg:$0xd]  }
0x196: {  	[hbm4b:s22+s4] =	stream.indirect_vreg.scatter [tilespmem:s21], [sflag:$0x2], $0x80, v26, vm0, $0xb8;
	[tilespmem:$0x18100] =	vst v63  }
0x197: {  	s8 =	simm.s32 $0x1900;
	s5 =	rddreg [dreg:$0xe]  }
0x198: {  	[hbm4b:s5+s4] =	stream.indirect_vreg.scatter [tilespmem:s8], [sflag:$0x2], $0x80, v26, vm0, $0xb8;
	[tilespmem:$0x18100] =	vst v63  }
0x199: {  	s21 =	simm.s32 $0x2100  }
0x19a: {  	[hbm4b:s14+s4] =	stream.indirect_vreg.scatter [tilespmem:s21], [sflag:$0x2], $0x80, v27, vm0, $0xb8;
	[tilespmem:$0x18100] =	vst v63  }
0x19b: {  	s14 =	smov.u32 s18;
	s18 =	smov.u32 s19;
	s19 =	simm.s32 $0x2900  }
0x19c: {  	[hbm4b:s20+s4] =	stream.indirect_vreg.scatter [tilespmem:s19], [sflag:$0x2], $0x80, v27, vm0, $0xb8;
	[tilespmem:$0x18100] =	vst v63  }
0x19d: {  	s19 =	simm.s32 $0x3100  }
0x19e: {  	[hbm4b:s22+s4] =	stream.indirect_vreg.scatter [tilespmem:s19], [sflag:$0x2], $0x80, v27, vm0, $0xb8;
	[tilespmem:$0x18100] =	vst v63  }
0x19f: {  	s19 =	simm.s32 $0x3900  }
0x1a0: {  	[hbm4b:s5+s4] =	stream.indirect_vreg.scatter [tilespmem:s19], [sflag:$0x2], $0x80, v27, vm0, $0xb8;
	[tilespmem:$0x18100] =	vst v63  }
0x1a1: {  	_ =	swait.ge [sflag:s26], $0x8000  }
0x1a2: {  	[sflag:s26] =	ssyncset.done $0x0  }
0x1a3: {  	[sflag:s26] =	ssyncadd.s32 $0xFFFF8000  }
0x1a4: {  	_ =	swait.ge [sflag:s26], $0x4000  }
0x1a5: {  	[sflag:s26] =	ssyncset.done $0x0  }
0x1a6: {  	[sflag:s26] =	ssyncadd.s32 $0xFFFFC000  }
0x1a7: {  	_ =	swait.ge [sflag:s26], $0x2000  }
0x1a8: {  	[sflag:s26] =	ssyncset.done $0x0  }
0x1a9: {  	s8 =	simm.s32 $0x12100;
	[sflag:s26] =	ssyncadd.s32 $0xFFFFE000  }
0x1aa: {  	s21 =	simm.s32 $0x12900;
	s20 =	simm.s32 $0x9900;
	_ =	swait.ge [sflag:s26], $0x4000  }
0x1ab: {  	s22 =	smov.u32 s11;
	s11 =	smov.u32 s13;
	[sflag:s26] =	ssyncset.done $0x0  }
0x1ac: {  	s13 =	simm.s32 $0x9100;
	s5 =	simm.s32 $0x8900;
	[sflag:s26] =	ssyncadd.s32 $0xFFFFC000  }
.LBB2_14:
.Ltmp11:
0x1ad: {  	(pc) =	sbr.rel @p0 .LBB2_16-.Ltmp11, $1  }
0x1ae: {  	_ =	sdelay $0x3  }
0x1af: {  	[tilespmem:$0x0] =	vst v15  }
0x1b0: {  	[tilespmem:$0x10] =	vst v16  }
0x1b1: {  	[tilespmem:$0x20] =	vst v19  }
0x1b2: {  	[tilespmem:$0x30] =	vst v20  }
0x1b3: {  	[tilespmem:s28], [sflag:$0x1] =	stream.indirect_vreg.gather [hbm4b:s1+s4], $0x80, v22, vm0, $0xb8;
	[tilespmem:$0x18100] =	vst v63  }
0x1b4: {  	_ = 	snop  }
0x1b5: {  	[tilespmem:s5], [sflag:$0x1] =	stream.indirect_vreg.gather [hbm4b:s6+s4], $0x80, v22, vm0, $0xb8;
	[tilespmem:$0x18100] =	vst v63  }
0x1b6: {  	_ = 	snop  }
0x1b7: {  	[tilespmem:s13], [sflag:$0x1] =	stream.indirect_vreg.gather [hbm4b:s7+s4], $0x80, v22, vm0, $0xb8;
	[tilespmem:$0x18100] =	vst v63  }
0x1b8: {  	_ = 	snop  }
0x1b9: {  	[tilespmem:s20], [sflag:$0x1] =	stream.indirect_vreg.gather [hbm4b:s9+s4], $0x80, v22, vm0, $0xb8;
	[tilespmem:$0x18100] =	vst v63  }
0x1ba: {  	s19 =	simm.s32 $0xA100  }
0x1bb: {  	[tilespmem:s19], [sflag:$0x1] =	stream.indirect_vreg.gather [hbm4b:s1+s4], $0x80, v23, vm0, $0xb8;
	[tilespmem:$0x18100] =	vst v63  }
0x1bc: {  	s19 =	simm.s32 $0xA900  }
0x1bd: {  	[tilespmem:s19], [sflag:$0x1] =	stream.indirect_vreg.gather [hbm4b:s6+s4], $0x80, v23, vm0, $0xb8;
	[tilespmem:$0x18100] =	vst v63  }
0x1be: {  	s19 =	simm.s32 $0xB100  }
0x1bf: {  	[tilespmem:s19], [sflag:$0x1] =	stream.indirect_vreg.gather [hbm4b:s7+s4], $0x80, v23, vm0, $0xb8;
	[tilespmem:$0x18100] =	vst v63  }
0x1c0: {  	s19 =	simm.s32 $0xB900  }
0x1c1: {  	[tilespmem:s19], [sflag:$0x1] =	stream.indirect_vreg.gather [hbm4b:s9+s4], $0x80, v23, vm0, $0xb8;
	[tilespmem:$0x18100] =	vst v63  }
0x1c2: {  	v26 =	vld [tilespmem:$0x10];
	_ =	sdelay $0x4  }
0x1c3: {  	v27 =	vshll.u32 v26, $0x3  }
0x1c4: {  	v26 =	vand.u32 $0x7, v26;
	v27 =	vand.u32 $0xFFFFFFC0, v27  }
0x1c5: {  	v26 =	vor.u32 v26, v27  }
0x1c6: {  	v27 =	vperm.xlane v26, v17;
	_ =	sdelay $0x1  }
0x1c7: {  	v27 =	vadd.s32 v18, v27;
	_ =	sdelay $0x3  }
0x1c8: {  	s19 =	simm.s32 $0xC100  }
0x1c9: {  	[tilespmem:s19], [sflag:$0x1] =	stream.indirect_vreg.gather [hbm4b:s1+s4], $0x80, v27, vm0, $0xb8;
	[tilespmem:$0x18100] =	vst v63  }
0x1ca: {  	v26 =	vperm.xlane v26, v21;
	s19 =	simm.s32 $0xC900  }
0x1cb: {  	[tilespmem:s19], [sflag:$0x1] =	stream.indirect_vreg.gather [hbm4b:s6+s4], $0x80, v27, vm0, $0xb8;
	[tilespmem:$0x18100] =	vst v63  }
0x1cc: {  	v26 =	vadd.s32 v18, v26;
	s19 =	simm.s32 $0xD100  }
0x1cd: {  	[tilespmem:s19], [sflag:$0x1] =	stream.indirect_vreg.gather [hbm4b:s7+s4], $0x80, v27, vm0, $0xb8;
	[tilespmem:$0x18100] =	vst v63  }
0x1ce: {  	s19 =	simm.s32 $0xD900  }
0x1cf: {  	[tilespmem:s19], [sflag:$0x1] =	stream.indirect_vreg.gather [hbm4b:s9+s4], $0x80, v27, vm0, $0xb8;
	[tilespmem:$0x18100] =	vst v63  }
0x1d0: {  	s19 =	simm.s32 $0xE100  }
0x1d1: {  	[tilespmem:s19], [sflag:$0x1] =	stream.indirect_vreg.gather [hbm4b:s1+s4], $0x80, v26, vm0, $0xb8;
	[tilespmem:$0x18100] =	vst v63  }
0x1d2: {  	s19 =	simm.s32 $0xE900  }
0x1d3: {  	[tilespmem:s19], [sflag:$0x1] =	stream.indirect_vreg.gather [hbm4b:s6+s4], $0x80, v26, vm0, $0xb8;
	[tilespmem:$0x18100] =	vst v63  }
0x1d4: {  	s19 =	simm.s32 $0xF100  }
0x1d5: {  	[tilespmem:s19], [sflag:$0x1] =	stream.indirect_vreg.gather [hbm4b:s7+s4], $0x80, v26, vm0, $0xb8;
	[tilespmem:$0x18100] =	vst v63  }
0x1d6: {  	s19 =	simm.s32 $0xF900  }
0x1d7: {  	[tilespmem:s19], [sflag:$0x1] =	stream.indirect_vreg.gather [hbm4b:s9+s4], $0x80, v26, vm0, $0xb8;
	[tilespmem:$0x18100] =	vst v63  }
0x1d8: {  	v26 =	vld [tilespmem:$0x20];
	_ =	sdelay $0x4  }
0x1d9: {  	v27 =	vshll.u32 v26, $0x3  }
0x1da: {  	v26 =	vand.u32 $0x7, v26;
	v27 =	vand.u32 $0xFFFFFFC0, v27  }
0x1db: {  	v26 =	vor.u32 v26, v27  }
0x1dc: {  	v27 =	vperm.xlane v26, v17;
	_ =	sdelay $0x1  }
0x1dd: {  	v27 =	vadd.s32 v18, v27;
	_ =	sdelay $0x3  }
0x1de: {  	s19 =	simm.s32 $0x10100  }
0x1df: {  	[tilespmem:s19], [sflag:$0x1] =	stream.indirect_vreg.gather [hbm4b:s1+s4], $0x80, v27, vm0, $0xb8;
	[tilespmem:$0x18100] =	vst v63  }
0x1e0: {  	v26 =	vperm.xlane v26, v21;
	s19 =	simm.s32 $0x10900  }
0x1e1: {  	[tilespmem:s19], [sflag:$0x1] =	stream.indirect_vreg.gather [hbm4b:s6+s4], $0x80, v27, vm0, $0xb8;
	[tilespmem:$0x18100] =	vst v63  }
0x1e2: {  	v26 =	vadd.s32 v18, v26;
	s19 =	simm.s32 $0x11100  }
0x1e3: {  	[tilespmem:s19], [sflag:$0x1] =	stream.indirect_vreg.gather [hbm4b:s7+s4], $0x80, v27, vm0, $0xb8;
	[tilespmem:$0x18100] =	vst v63  }
0x1e4: {  	s19 =	simm.s32 $0x11900  }
0x1e5: {  	[tilespmem:s19], [sflag:$0x1] =	stream.indirect_vreg.gather [hbm4b:s9+s4], $0x80, v27, vm0, $0xb8;
	[tilespmem:$0x18100] =	vst v63  }
0x1e6: {  	_ = 	snop  }
0x1e7: {  	[tilespmem:s8], [sflag:$0x1] =	stream.indirect_vreg.gather [hbm4b:s1+s4], $0x80, v26, vm0, $0xb8;
	[tilespmem:$0x18100] =	vst v63  }
0x1e8: {  	_ = 	snop  }
0x1e9: {  	[tilespmem:s21], [sflag:$0x1] =	stream.indirect_vreg.gather [hbm4b:s6+s4], $0x80, v26, vm0, $0xb8;
	[tilespmem:$0x18100] =	vst v63  }
0x1ea: {  	_ = 	snop  }
0x1eb: {  	[tilespmem:s29], [sflag:$0x1] =	stream.indirect_vreg.gather [hbm4b:s7+s4], $0x80, v26, vm0, $0xb8;
	[tilespmem:$0x18100] =	vst v63  }
0x1ec: {  	_ = 	snop  }
0x1ed: {  	[tilespmem:s30], [sflag:$0x1] =	stream.indirect_vreg.gather [hbm4b:s9+s4], $0x80, v26, vm0, $0xb8;
	[tilespmem:$0x18100] =	vst v63  }
0x1ee: {  	v26 =	vld [tilespmem:$0x30];
	_ =	sdelay $0x4  }
0x1ef: {  	v27 =	vshll.u32 v26, $0x3  }
0x1f0: {  	v26 =	vand.u32 $0x7, v26;
	v27 =	vand.u32 $0xFFFFFFC0, v27  }
0x1f1: {  	v26 =	vor.u32 v26, v27  }
0x1f2: {  	v27 =	vperm.xlane v26, v17;
	_ =	sdelay $0x1  }
0x1f3: {  	v27 =	vadd.s32 v18, v27;
	_ =	sdelay $0x4  }
0x1f4: {  	[tilespmem:s31], [sflag:$0x1] =	stream.indirect_vreg.gather [hbm4b:s1+s4], $0x80, v27, vm0, $0xb8;
	[tilespmem:$0x18100] =	vst v63  }
0x1f5: {  	v26 =	vperm.xlane v26, v21  }
0x1f6: {  	[tilespmem:s2], [sflag:$0x1] =	stream.indirect_vreg.gather [hbm4b:s6+s4], $0x80, v27, vm0, $0xb8;
	[tilespmem:$0x18100] =	vst v63  }
0x1f7: {  	v26 =	vadd.s32 v18, v26  }
0x1f8: {  	[tilespmem:s0], [sflag:$0x1] =	stream.indirect_vreg.gather [hbm4b:s7+s4], $0x80, v27, vm0, $0xb8;
	[tilespmem:$0x18100] =	vst v63  }
0x1f9: {  	_ = 	snop  }
0x1fa: {  	[tilespmem:s15], [sflag:$0x1] =	stream.indirect_vreg.gather [hbm4b:s9+s4], $0x80, v27, vm0, $0xb8;
	[tilespmem:$0x18100] =	vst v63  }
0x1fb: {  	_ = 	snop  }
0x1fc: {  	[tilespmem:s16], [sflag:$0x1] =	stream.indirect_vreg.gather [hbm4b:s1+s4], $0x80, v26, vm0, $0xb8;
	[tilespmem:$0x18100] =	vst v63  }
0x1fd: {  	_ = 	snop  }
0x1fe: {  	[tilespmem:s17], [sflag:$0x1] =	stream.indirect_vreg.gather [hbm4b:s6+s4], $0x80, v26, vm0, $0xb8;
	[tilespmem:$0x18100] =	vst v63  }
0x1ff: {  	_ = 	snop  }
0x200: {  	[tilespmem:s3], [sflag:$0x1] =	stream.indirect_vreg.gather [hbm4b:s7+s4], $0x80, v26, vm0, $0xb8;
	[tilespmem:$0x18100] =	vst v63  }
0x201: {  	_ = 	snop  }
0x202: {  	[tilespmem:s10], [sflag:$0x1] =	stream.indirect_vreg.gather [hbm4b:s9+s4], $0x80, v26, vm0, $0xb8;
	[tilespmem:$0x18100] =	vst v63  }
0x203: {  	_ =	swait.ge [sflag:s12], $0x10000  }
0x204: {  	[sflag:s12] =	ssyncset.done $0x0  }
.Ltmp12:
0x205: {  	[sflag:s12] =	ssyncadd.s32 $0xFFFF0000;
	(pc) =	sbr.rel .LBB2_16-.Ltmp12, $4  }
0x206: {  	[hbm4b:s22+s4] =	stream.linear.scatter [tilespmem:s28], [sflag:$0x3], $0x10000, $0x38;
	[tilespmem:$0x18100] =	vst v63  }
0x207: {  	_ =	swait.ge [sflag:s25], $0x10000  }
0x208: {  	[sflag:s25] =	ssyncset.done $0x0  }
0x209: {  	[sflag:s25] =	ssyncadd.s32 $0xFFFF0000  }
.LBB2_17:
0x20a: {  	_ =	sfence.sel $0x180000  }
0x20b: {  	[bflag:$0x0] =	sbarrier.arrive $0xFFFF  }
0x20c: {  	_ =	strace $0x90000047  }
0x20d: {  	s0 =	stileid.u32;
	[bflag:$0x2] =	sbarrier.arrive $0xFFFF  }
0x20e: {  	p0 =	sne.s32 s0, $0x0;
	s0 =	rddreg [dreg:$0x3]  }
0x20f: {  	s0 =	sadd.s32 @!p0 $0x100000, s0  }
0x210: {  	[sflag:s0] =	ssyncadd.tile.s32 @!p0 $0x1;
	_ =	shalt  }
.Lfunc_end2:
_tile_overlayer_lowered:
.L_overlay_start_2:
0x211: {  	(tag) =	ssettag $0x2  }
0x212: {  	s0 =	rddreg [dreg:$0x0];
	s2 =	stileid.u32  }
0x213: {  	s1 =	rddreg [dreg:$0x1];
	p0 =	sne.s32 s2, $0x0  }
0x214: {  	s3 =	rddreg [dreg:$0x2];
	[bflag:$0x3] =	sbarrier.arrive $0xFFFF;
	s2 =	simm.s32 @!p0 $0x1C03  }
0x215: {  	[timem:s3], [sflag:s2] =	dma.local @!p0 [hbm:s0], s1  }
0x216: {  	s0 =	simm.s32 @!p0 $0x3  }
0x217: {  	_ =	swait.ge @!p0 [sflag:s0], s1  }
0x218: {  	s1 =	ssub.s32 @!p0 $0x0, s1;
	[sflag:s0] =	ssyncset.done @!p0 $0x0  }
0x219: {  	[sflag:s0] =	ssyncadd.s32 @!p0 s1  }
0x21a: {  	[bflag:$0x3] =	sbarrier.arrive $0xFFFF  }
0x21b: {  	_ =	shalt  }

</sc_bundles>
